<compile_context>
chip_gen: v7x
topology: tpu7x:2x2x1
jax: 0.10.2.dev20260603
libtpu: 0.0.44.dev20260713+nightly
codegen_flags: <defaults>
</compile_context>

<pallas_src>
import functools

import jax
import jax.numpy as jnp
from jax import lax
from jax.experimental import pallas as pl
from jax.experimental.pallas import tpu as pltpu
from jax.experimental.pallas import tpu_sc as plsc

_NC = 2
_NS = 16
_NW = _NC * _NS
_LANES = 16
_NPAD = 10112


def _zero_rows(buf, nrows, width):
    @pl.loop(0, nrows)
    def _(r):
        for j in range(width // _LANES):
            buf.at[pl.ds(r, 1), pl.ds(j * _LANES, _LANES)][...] = (
                jnp.zeros((1, _LANES), jnp.float32))


def _fill_spmem(zsrc, nzero, acc, base_row, nrows):
    full, rem = nrows // nzero, nrows % nzero
    for i in range(full):
        pltpu.sync_copy(zsrc.at[pl.ds(0, nzero)],
                        acc.at[pl.ds(base_row + i * nzero, nzero)])
    if rem:
        pltpu.sync_copy(zsrc.at[pl.ds(0, rem)],
                        acc.at[pl.ds(base_row + full * nzero, rem)])


def _sc_degree(dst):
    e = dst.shape[0]
    per_w = e // _NW
    kc = 200
    n_chunks = per_w // kc
    n_pairs = n_chunks // 2
    rows_per_sub = _NPAD // _NS
    mesh = plsc.VectorSubcoreMesh(core_axis_name="c", subcore_axis_name="s")

    @functools.partial(
        pl.kernel,
        out_type=jax.ShapeDtypeStruct((_NC, _NPAD, _LANES), jnp.float32),
        mesh=mesh,
        scratch_types=[
            pltpu.VMEM((kc,), jnp.int32),
            pltpu.VMEM((kc,), jnp.int32),
            pltpu.VMEM((kc, _LANES), jnp.float32),
            pltpu.VMEM((128, _LANES), jnp.float32),
            pltpu.VMEM_SHARED((_NPAD, _LANES), jnp.float32),
            pltpu.SemaphoreType.DMA,
            pltpu.SemaphoreType.DMA,
        ],
    )
    def k(dst_hbm, out_hbm, eb0, eb1, ones, zbuf, acc, s0, s1):
        c = lax.axis_index("c")
        s = lax.axis_index("s")
        wid = c * _NS + s
        @pl.loop(0, kc)
        def _(r):
            ones.at[pl.ds(r, 1), pl.ds(0, _LANES)][...] = (
                jnp.ones((1, _LANES), jnp.float32))
        _zero_rows(zbuf, 128, _LANES)
        base_row = s * rows_per_sub
        _fill_spmem(zbuf, 128, acc, base_row, rows_per_sub)
        plsc.subcore_barrier()
        base_e = wid * per_w

        def dst_slice(chunk):
            return dst_hbm.at[pl.ds(base_e + chunk * kc, kc)]

        pltpu.async_copy(dst_slice(0), eb0, s0)

        @pl.loop(0, n_pairs)
        def _(p):
            a = p * 2
            pltpu.async_copy(dst_slice(a + 1), eb1, s1)
            pltpu.make_async_copy(dst_slice(a), eb0, s0).wait()
            pltpu.sync_copy(ones, acc.at[eb0], add=True)
            @pl.when(p < n_pairs - 1)
            def _():
                pltpu.async_copy(dst_slice(a + 2), eb0, s0)
            pltpu.make_async_copy(dst_slice(a + 1), eb1, s1).wait()
            pltpu.sync_copy(ones, acc.at[eb1], add=True)

        plsc.subcore_barrier()
        pltpu.sync_copy(acc.at[pl.ds(base_row, rows_per_sub)],
                        out_hbm.at[c, pl.ds(base_row, rows_per_sub)])

    return k(dst)


_KA = 104
_NBUF = 3


def _sc_agg(hp, src, dst):
    n, d = hp.shape
    e = src.shape[0]
    per_w = e // _NW
    n_full = per_w // _KA
    tail = per_w - n_full * _KA
    n_q = n_full // _NBUF
    assert n_full == n_q * _NBUF
    rows_per_sub = _NPAD // _NS
    mesh = plsc.VectorSubcoreMesh(core_axis_name="c", subcore_axis_name="s")

    @functools.partial(
        pl.kernel,
        out_type=jax.ShapeDtypeStruct((_NC, _NPAD, d), jnp.float32),
        mesh=mesh,
        scratch_types=(
            [pltpu.VMEM((_KA,), jnp.int32)] * (2 * _NBUF)
            + [pltpu.VMEM((max(tail, 8),), jnp.int32)] * 2
            + [pltpu.VMEM((_KA, d), jnp.float32)] * _NBUF
            + [pltpu.VMEM_SHARED((_NPAD, d), jnp.float32)]
            + [pltpu.SemaphoreType.DMA] * (3 * _NBUF)
        ),
    )
    def k(hp_hbm, src_hbm, dst_hbm, out_hbm, *bufs):
        sb = bufs[0:_NBUF]
        db = bufs[_NBUF:2 * _NBUF]
        sbt, dbt = bufs[2 * _NBUF:2 * _NBUF + 2]
        rows = bufs[2 * _NBUF + 2:3 * _NBUF + 2]
        acc = bufs[3 * _NBUF + 2]
        g = bufs[3 * _NBUF + 3:4 * _NBUF + 3]
        es = bufs[4 * _NBUF + 3:5 * _NBUF + 3]
        ed = bufs[5 * _NBUF + 3:6 * _NBUF + 3]
        c = lax.axis_index("c")
        s = lax.axis_index("s")
        wid = c * _NS + s
        _zero_rows(rows[0], min(_KA, 128), d)
        base_row = s * rows_per_sub
        _fill_spmem(rows[0], min(_KA, 128), acc, base_row, rows_per_sub)
        plsc.subcore_barrier()
        base_e = wid * per_w

        def sidx(chunk, size=_KA):
            return src_hbm.at[pl.ds(base_e + chunk * _KA, size)]

        def didx(chunk, size=_KA):
            return dst_hbm.at[pl.ds(base_e + chunk * _KA, size)]

        for j in range(_NBUF):
            pltpu.async_copy(sidx(j), sb[j], es[j])
            pltpu.async_copy(didx(j), db[j], ed[j])
        for j in range(_NBUF):
            pltpu.make_async_copy(sidx(j), sb[j], es[j]).wait()
            pltpu.async_copy(hp_hbm.at[sb[j]], rows[j], g[j])

        @pl.loop(0, n_q)
        def _(q):
            base_c = q * _NBUF
            more = q < n_q - 1
            for j in range(_NBUF):
                ch = base_c + j
                pltpu.make_async_copy(hp_hbm.at[sb[j]], rows[j], g[j]).wait()
                @pl.when(more)
                def _(j=j, ch=ch):
                    pltpu.async_copy(sidx(ch + _NBUF), sb[j], es[j])
                pltpu.make_async_copy(didx(ch), db[j], ed[j]).wait()
                pltpu.sync_copy(rows[j], acc.at[db[j]], add=True)
                @pl.when(more)
                def _(j=j, ch=ch):
                    pltpu.async_copy(didx(ch + _NBUF), db[j], ed[j])
                    pltpu.make_async_copy(sidx(ch + _NBUF), sb[j],
                                          es[j]).wait()
                    pltpu.async_copy(hp_hbm.at[sb[j]], rows[j], g[j])

        if tail:
            pltpu.sync_copy(sidx(n_full, tail), sbt)
            pltpu.sync_copy(didx(n_full, tail), dbt)
            pltpu.sync_copy(hp_hbm.at[sbt], rows[0].at[pl.ds(0, tail)])
            pltpu.sync_copy(rows[0].at[pl.ds(0, tail)], acc.at[dbt],
                            add=True)

        plsc.subcore_barrier()
        pltpu.sync_copy(acc.at[pl.ds(base_row, rows_per_sub)],
                        out_hbm.at[c, pl.ds(base_row, rows_per_sub)])

    return k(hp, src, dst)


_BLK = 1000


def _tc_stage1(x, W1, degp):
    n, d = x.shape
    h = W1.shape[1]
    grid = (n // _BLK,)

    def body(x_ref, w_ref, degp_ref, hp_ref, dinv_ref):
        deg = 1.0 + degp_ref[0, :, 0:1] + degp_ref[1, :, 0:1]
        dinv = lax.rsqrt(deg)
        acc = jnp.dot(x_ref[...], w_ref[...],
                      preferred_element_type=jnp.float32)
        hp_ref[...] = acc * dinv
        dinv_ref[...] = dinv

    return pl.pallas_call(
        body,
        grid=grid,
        in_specs=[
            pl.BlockSpec((_BLK, d), lambda i: (i, 0)),
            pl.BlockSpec((d, h), lambda i: (0, 0)),
            pl.BlockSpec((_NC, _BLK, _LANES), lambda i: (0, i, 0)),
        ],
        out_specs=[
            pl.BlockSpec((_BLK, h), lambda i: (i, 0)),
            pl.BlockSpec((_BLK, 1), lambda i: (i, 0)),
        ],
        out_shape=[
            jax.ShapeDtypeStruct((n, h), jnp.float32),
            jax.ShapeDtypeStruct((n, 1), jnp.float32),
        ],
    )(x, W1, degp)


def _tc_stage2(aggp, hp1, dinv, b1, W2):
    n, h = hp1.shape
    grid = (n // _BLK,)

    def body(aggp_ref, hp_ref, dinv_ref, b_ref, w_ref, out1_ref, hp2_ref):
        agg = aggp_ref[0] + aggp_ref[1]
        o1 = jnp.maximum(
            dinv_ref[...] * (agg + hp_ref[...]) + b_ref[...], 0.0)
        out1_ref[...] = o1
        hp2_ref[...] = dinv_ref[...] * jnp.dot(
            o1, w_ref[...], preferred_element_type=jnp.float32)

    return pl.pallas_call(
        body,
        grid=grid,
        in_specs=[
            pl.BlockSpec((_NC, _BLK, h), lambda i: (0, i, 0)),
            pl.BlockSpec((_BLK, h), lambda i: (i, 0)),
            pl.BlockSpec((_BLK, 1), lambda i: (i, 0)),
            pl.BlockSpec((1, h), lambda i: (0, 0)),
            pl.BlockSpec((h, h), lambda i: (0, 0)),
        ],
        out_specs=[
            pl.BlockSpec((_BLK, h), lambda i: (i, 0)),
            pl.BlockSpec((_BLK, h), lambda i: (i, 0)),
        ],
        out_shape=[
            jax.ShapeDtypeStruct((n, h), jnp.float32),
            jax.ShapeDtypeStruct((n, h), jnp.float32),
        ],
    )(aggp, hp1, dinv, b1[None, :], W2)


def _tc_stage3(aggp, hp2, dinv, b2, out1, Wc, bc):
    n, h = hp2.shape
    o = Wc.shape[1]
    grid = (n // _BLK,)

    def body(aggp_ref, hp_ref, dinv_ref, b_ref, out1_ref, wc_ref, bc_ref,
             out_ref):
        agg = aggp_ref[0] + aggp_ref[1]
        o2 = jnp.maximum(
            dinv_ref[...] * (agg + hp_ref[...]) + b_ref[...], 0.0)
        out_ref[...] = jnp.dot(o2 + out1_ref[...], wc_ref[...],
                               preferred_element_type=jnp.float32) + bc_ref[...]

    return pl.pallas_call(
        body,
        grid=grid,
        in_specs=[
            pl.BlockSpec((_NC, _BLK, h), lambda i: (0, i, 0)),
            pl.BlockSpec((_BLK, h), lambda i: (i, 0)),
            pl.BlockSpec((_BLK, 1), lambda i: (i, 0)),
            pl.BlockSpec((1, h), lambda i: (0, 0)),
            pl.BlockSpec((_BLK, h), lambda i: (i, 0)),
            pl.BlockSpec((h, o), lambda i: (0, 0)),
            pl.BlockSpec((1, o), lambda i: (0, 0)),
        ],
        out_specs=pl.BlockSpec((_BLK, o), lambda i: (i, 0)),
        out_shape=jax.ShapeDtypeStruct((n, o), jnp.float32),
    )(aggp, hp2, dinv, b2[None, :], out1, Wc, bc[None, :])


def kernel(x, edge_index, W1, b1, W2, b2, Wc, bc):
    src = edge_index[0]
    dst = edge_index[1]
    degp = _sc_degree(dst)
    hp1, dinv = _tc_stage1(x, W1, degp)
    aggp1 = _sc_agg(hp1, src, dst)
    out1, hp2 = _tc_stage2(aggp1, hp1, dinv, b1, W2)
    aggp2 = _sc_agg(hp2, src, dst)
    return _tc_stage3(aggp2, hp2, dinv, b2, out1, Wc, bc)

# --- scband reference (transcript-rebuilt; emitter-appended) ---
"""Pipeline reference for scband-gnn-79688823210730 (READ-ONLY COPY).

The authoritative reference and input builder live on the scoring server;
editing this copy changes nothing except your own understanding.
"""

import jax, jax.numpy as jnp
import numpy as np

N = 10000
E = 320000
D = 128
H = 128
O = 64


def setup_inputs(seed: int = 0) -> dict:
    key = jax.random.key(seed)
    ks = jax.random.split(key, 9)
    x = jax.random.normal(ks[0], (N, D), dtype=jnp.float32)
    edge_index = jax.random.randint(ks[1], (2, E), 0, N, dtype=jnp.int32)
    # learned params (PyG GCNConv: glorot-ish linear weight + bias; clf linear)
    W1 = jax.random.normal(ks[2], (D, H), dtype=jnp.float32) * 0.05
    b1 = jnp.zeros((H,), dtype=jnp.float32)
    W2 = jax.random.normal(ks[3], (H, H), dtype=jnp.float32) * 0.05
    b2 = jnp.zeros((H,), dtype=jnp.float32)
    Wc = jax.random.normal(ks[4], (H, O), dtype=jnp.float32) * 0.05
    bc = jnp.zeros((O,), dtype=jnp.float32)
    return {"x": x, "edge_index": edge_index, "W1": W1, "b1": b1,
            "W2": W2, "b2": b2, "Wc": Wc, "bc": bc}


def gcn_conv(x, edge_index, W, b):
    # Faithful PyG GCNConv: add self-loops, symmetric D^{-1/2}(A+I)D^{-1/2} norm,
    # linear transform, scatter-add aggregation, then bias.
    n = x.shape[0]
    src = edge_index[0]
    dst = edge_index[1]
    loop = jnp.arange(n, dtype=src.dtype)
    src = jnp.concatenate([src, loop])
    dst = jnp.concatenate([dst, loop])
    deg = jnp.zeros((n,), dtype=x.dtype).at[dst].add(1.0)
    dinv = jax.lax.rsqrt(deg)  # deg >= 1 due to self-loops
    norm = dinv[src] * dinv[dst]
    h = x @ W
    msg = h[src] * norm[:, None]
    out = jnp.zeros((n, W.shape[1]), dtype=x.dtype).at[dst].add(msg)
    return out + b


def reference(x, edge_index, W1, b1, W2, b2, Wc, bc):
    # mode=0 GCN path; dropout p=0.0 -> identity; create_graph=False and
    # saved_graph=None -> p_norm is a constant 0 scalar.
    out1 = jax.nn.relu(gcn_conv(x, edge_index, W1, b1))
    out2 = jax.nn.relu(gcn_conv(out1, edge_index, W2, b2))
    out = (out2 + out1) @ Wc + bc
    return out

if __name__ == "__main__":
    import jax
    _d = setup_inputs()
    print(jax.jit(kernel)(*tuple(_d.values())))

</pallas_src>

<mosaic_0001>
#map = affine_map<(d0, d1) -> (0)>
#map1 = affine_map<(d0, d1) -> (0, 0, 0)>
module attributes {stable_mosaic.version = 14 : i64} {
  func.func @k(%arg0: i32, %arg1: i32, %arg2: memref<320000xi32, #tpu.memory_space<hbm>>, %arg3: memref<2x10112x16xf32, #tpu.memory_space<hbm>>, %arg4: memref<200xi32, #tpu.memory_space<vmem>>, %arg5: memref<200xi32, #tpu.memory_space<vmem>>, %arg6: memref<200x16xf32, #tpu.memory_space<vmem>>, %arg7: memref<128x16xf32, #tpu.memory_space<vmem>>, %arg8: memref<10112x16xf32, #tpu.memory_space<vmem_shared>>, %arg9: memref<!tpu.dma_semaphore, #tpu.memory_space<semaphore_mem>>, %arg10: memref<!tpu.dma_semaphore, #tpu.memory_space<semaphore_mem>>) attributes {dimension_semantics = [#tpu.dimension_semantics<core_parallel>, #tpu.dimension_semantics<subcore_parallel>], iteration_bounds = array<i64: 2, 16>, scalar_prefetch = 0 : i64, scratch_operands = 7 : i64, tpu.core_type = #tpu.core_type<sc_vector_subcore>, window_params = [{transform_indices = #map}, {transform_indices = #map1}]} {
    %mul3A = arith.constant 16 : i32
    %mul3A_0 = arith.muli %arg0, %mul3A : i32
    %add3A = arith.addi %mul3A_0, %arg1 : i32
    %scan3A = arith.constant 0 : i32
    %scan3A_1 = arith.constant 200 : i32
    %scan3A_2 = arith.addi %scan3A, %scan3A_1 : i32
    %scan3A_3 = arith.constant 1 : i32
    scf.for %scan3A_33 = %scan3A to %scan3A_2 step %scan3A_3  : i32 {
      %mul3A_34 = arith.constant 1 : i32
      %mul3A_35 = arith.muli %scan3A_33, %mul3A_34 : i32
      %add3A_36 = arith.constant 0 : i32
      %add3A_37 = arith.addi %add3A_36, %mul3A_35 : i32
      %broadcast_in_dim3A = arith.constant 1.000000e+00 : f32
      %broadcast_in_dim3A_38 = vector.broadcast %broadcast_in_dim3A : f32 to vector<1x16xf32>
      %swap3A = arith.index_cast %add3A_37 : i32 to index
      %swap3A_39 = arith.constant 0 : index
      %swap3A_40 = tpu.vector_load %arg6[%swap3A, %swap3A_39] {strides = array<i32>} : memref<200x16xf32, #tpu.memory_space<vmem>>, vector<1x16xf32>,
      %swap3A_41 = vector.shape_cast %swap3A_40 : vector<1x16xf32> to vector<1x16xf32>
      %swap3A_42 = vector.shape_cast %broadcast_in_dim3A_38 : vector<1x16xf32> to vector<1x16xf32>
      tpu.vector_store %arg6[%swap3A, %swap3A_39], %swap3A_42 {strides = array<i32>} : memref<200x16xf32, #tpu.memory_space<vmem>>, vector<1x16xf32>,
    }
    %scan3A_4 = arith.constant 200 : i32
    %scan3A_5 = arith.constant 0 : i32
    %scan3A_6 = arith.constant 128 : i32
    %scan3A_7 = arith.addi %scan3A_5, %scan3A_6 : i32
    %scan3A_8 = arith.constant 1 : i32
    scf.for %scan3A_33 = %scan3A_5 to %scan3A_7 step %scan3A_8  : i32 {
      %mul3A_34 = arith.constant 1 : i32
      %mul3A_35 = arith.muli %scan3A_33, %mul3A_34 : i32
      %add3A_36 = arith.constant 0 : i32
      %add3A_37 = arith.addi %add3A_36, %mul3A_35 : i32
      %broadcast_in_dim3A = arith.constant 0.000000e+00 : f32
      %broadcast_in_dim3A_38 = vector.broadcast %broadcast_in_dim3A : f32 to vector<1x16xf32>
      %swap3A = arith.index_cast %add3A_37 : i32 to index
      %swap3A_39 = arith.constant 0 : index
      %swap3A_40 = tpu.vector_load %arg7[%swap3A, %swap3A_39] {strides = array<i32>} : memref<128x16xf32, #tpu.memory_space<vmem>>, vector<1x16xf32>,
      %swap3A_41 = vector.shape_cast %swap3A_40 : vector<1x16xf32> to vector<1x16xf32>
      %swap3A_42 = vector.shape_cast %broadcast_in_dim3A_38 : vector<1x16xf32> to vector<1x16xf32>
      tpu.vector_store %arg7[%swap3A, %swap3A_39], %swap3A_42 {strides = array<i32>} : memref<128x16xf32, #tpu.memory_space<vmem>>, vector<1x16xf32>,
    }
    %scan3A_9 = arith.constant 128 : i32
    %mul3A_10 = arith.constant 632 : i32
    %mul3A_11 = arith.muli %arg1, %mul3A_10 : i32
    %add3A_12 = arith.constant 0 : i32
    %add3A_13 = arith.addi %mul3A_11, %add3A_12 : i32
    "tpu.region"() ({
      %run_scoped3A = tpu.sem_alloc : memref<!tpu.dma_semaphore, #tpu.memory_space<semaphore_mem>>
      %dma_start3A_33 = arith.constant 0 : i32
      %dma_start3A_34 = arith.constant 0 : i32
      %dma_start3A_35 = tpu.memref_slice %arg7[%dma_start3A_33, %dma_start3A_34] : memref<128x16xf32, #tpu.memory_space<vmem>> -> memref<128x16xf32, #tpu.memory_space<vmem>>
      %dma_start3A_36 = arith.constant 0 : i32
      %dma_start3A_37 = tpu.memref_slice %arg8[%add3A_13, %dma_start3A_36] : memref<10112x16xf32, #tpu.memory_space<vmem_shared>> -> memref<128x16xf32, #tpu.memory_space<vmem_shared>>
      %dma_start3A_38 = arith.constant 0 : i32
      %dma_start3A_39 = tpu.memref_slice %arg8[%add3A_13, %dma_start3A_38] : memref<10112x16xf32, #tpu.memory_space<vmem_shared>> -> memref<128x16xf32, #tpu.memory_space<vmem_shared>>
      %dma_start3A_40 = arith.constant 0 : i32
      %dma_start3A_41 = arith.constant 0 : i32
      %dma_start3A_42 = tpu.memref_slice %arg7[%dma_start3A_40, %dma_start3A_41] : memref<128x16xf32, #tpu.memory_space<vmem>> -> memref<128x16xf32, #tpu.memory_space<vmem>>
      tpu.enqueue_dma source(%dma_start3A_42 : memref<128x16xf32, #tpu.memory_space<vmem>>) target(%dma_start3A_39 : memref<128x16xf32, #tpu.memory_space<vmem_shared>>) target_semaphore(%run_scoped3A : memref<!tpu.dma_semaphore, #tpu.memory_space<semaphore_mem>>)
      %dma_wait3A = arith.constant 0 : i32
      %dma_wait3A_43 = arith.constant 0 : i32
      %dma_wait3A_44 = tpu.memref_slice %arg7[%dma_wait3A, %dma_wait3A_43] : memref<128x16xf32, #tpu.memory_space<vmem>> -> memref<128x16xf32, #tpu.memory_space<vmem>>
      %dma_wait3A_45 = arith.constant 0 : i32
      %dma_wait3A_46 = tpu.memref_slice %arg8[%add3A_13, %dma_wait3A_45] : memref<10112x16xf32, #tpu.memory_space<vmem_shared>> -> memref<128x16xf32, #tpu.memory_space<vmem_shared>>
      %dma_wait3A_47 = arith.constant 0 : i32
      %dma_wait3A_48 = tpu.memref_slice %arg8[%add3A_13, %dma_wait3A_47] : memref<10112x16xf32, #tpu.memory_space<vmem_shared>> -> memref<128x16xf32, #tpu.memory_space<vmem_shared>>
      %dma_wait3A_49 = arith.constant 0 : i32
      %dma_wait3A_50 = arith.constant 0 : i32
      %dma_wait3A_51 = tpu.memref_slice %arg7[%dma_wait3A_49, %dma_wait3A_50] : memref<128x16xf32, #tpu.memory_space<vmem>> -> memref<128x16xf32, #tpu.memory_space<vmem>>
      tpu.wait_dma2 semaphore(%run_scoped3A : memref<!tpu.dma_semaphore, #tpu.memory_space<semaphore_mem>>) src(%dma_wait3A_51 : memref<128x16xf32, #tpu.memory_space<vmem>>) dst(%dma_wait3A_48 : memref<128x16xf32, #tpu.memory_space<vmem_shared>>)
      tpu.yield
    }) : () -> ()
    %add3A_14 = arith.constant 128 : i32
    %add3A_15 = arith.addi %mul3A_11, %add3A_14 : i32
    "tpu.region"() ({
      %run_scoped3A = tpu.sem_alloc : memref<!tpu.dma_semaphore, #tpu.memory_space<semaphore_mem>>
      %dma_start3A_33 = arith.constant 0 : i32
      %dma_start3A_34 = arith.constant 0 : i32
      %dma_start3A_35 = tpu.memref_slice %arg7[%dma_start3A_33, %dma_start3A_34] : memref<128x16xf32, #tpu.memory_space<vmem>> -> memref<128x16xf32, #tpu.memory_space<vmem>>
      %dma_start3A_36 = arith.constant 0 : i32
      %dma_start3A_37 = tpu.memref_slice %arg8[%add3A_15, %dma_start3A_36] : memref<10112x16xf32, #tpu.memory_space<vmem_shared>> -> memref<128x16xf32, #tpu.memory_space<vmem_shared>>
      %dma_start3A_38 = arith.constant 0 : i32
      %dma_start3A_39 = tpu.memref_slice %arg8[%add3A_15, %dma_start3A_38] : memref<10112x16xf32, #tpu.memory_space<vmem_shared>> -> memref<128x16xf32, #tpu.memory_space<vmem_shared>>
      %dma_start3A_40 = arith.constant 0 : i32
      %dma_start3A_41 = arith.constant 0 : i32
      %dma_start3A_42 = tpu.memref_slice %arg7[%dma_start3A_40, %dma_start3A_41] : memref<128x16xf32, #tpu.memory_space<vmem>> -> memref<128x16xf32, #tpu.memory_space<vmem>>
      tpu.enqueue_dma source(%dma_start3A_42 : memref<128x16xf32, #tpu.memory_space<vmem>>) target(%dma_start3A_39 : memref<128x16xf32, #tpu.memory_space<vmem_shared>>) target_semaphore(%run_scoped3A : memref<!tpu.dma_semaphore, #tpu.memory_space<semaphore_mem>>)
      %dma_wait3A = arith.constant 0 : i32
      %dma_wait3A_43 = arith.constant 0 : i32
      %dma_wait3A_44 = tpu.memref_slice %arg7[%dma_wait3A, %dma_wait3A_43] : memref<128x16xf32, #tpu.memory_space<vmem>> -> memref<128x16xf32, #tpu.memory_space<vmem>>
      %dma_wait3A_45 = arith.constant 0 : i32
      %dma_wait3A_46 = tpu.memref_slice %arg8[%add3A_15, %dma_wait3A_45] : memref<10112x16xf32, #tpu.memory_space<vmem_shared>> -> memref<128x16xf32, #tpu.memory_space<vmem_shared>>
      %dma_wait3A_47 = arith.constant 0 : i32
      %dma_wait3A_48 = tpu.memref_slice %arg8[%add3A_15, %dma_wait3A_47] : memref<10112x16xf32, #tpu.memory_space<vmem_shared>> -> memref<128x16xf32, #tpu.memory_space<vmem_shared>>
      %dma_wait3A_49 = arith.constant 0 : i32
      %dma_wait3A_50 = arith.constant 0 : i32
      %dma_wait3A_51 = tpu.memref_slice %arg7[%dma_wait3A_49, %dma_wait3A_50] : memref<128x16xf32, #tpu.memory_space<vmem>> -> memref<128x16xf32, #tpu.memory_space<vmem>>
      tpu.wait_dma2 semaphore(%run_scoped3A : memref<!tpu.dma_semaphore, #tpu.memory_space<semaphore_mem>>) src(%dma_wait3A_51 : memref<128x16xf32, #tpu.memory_space<vmem>>) dst(%dma_wait3A_48 : memref<128x16xf32, #tpu.memory_space<vmem_shared>>)
      tpu.yield
    }) : () -> ()
    %add3A_16 = arith.constant 256 : i32
    %add3A_17 = arith.addi %mul3A_11, %add3A_16 : i32
    "tpu.region"() ({
      %run_scoped3A = tpu.sem_alloc : memref<!tpu.dma_semaphore, #tpu.memory_space<semaphore_mem>>
      %dma_start3A_33 = arith.constant 0 : i32
      %dma_start3A_34 = arith.constant 0 : i32
      %dma_start3A_35 = tpu.memref_slice %arg7[%dma_start3A_33, %dma_start3A_34] : memref<128x16xf32, #tpu.memory_space<vmem>> -> memref<128x16xf32, #tpu.memory_space<vmem>>
      %dma_start3A_36 = arith.constant 0 : i32
      %dma_start3A_37 = tpu.memref_slice %arg8[%add3A_17, %dma_start3A_36] : memref<10112x16xf32, #tpu.memory_space<vmem_shared>> -> memref<128x16xf32, #tpu.memory_space<vmem_shared>>
      %dma_start3A_38 = arith.constant 0 : i32
      %dma_start3A_39 = tpu.memref_slice %arg8[%add3A_17, %dma_start3A_38] : memref<10112x16xf32, #tpu.memory_space<vmem_shared>> -> memref<128x16xf32, #tpu.memory_space<vmem_shared>>
      %dma_start3A_40 = arith.constant 0 : i32
      %dma_start3A_41 = arith.constant 0 : i32
      %dma_start3A_42 = tpu.memref_slice %arg7[%dma_start3A_40, %dma_start3A_41] : memref<128x16xf32, #tpu.memory_space<vmem>> -> memref<128x16xf32, #tpu.memory_space<vmem>>
      tpu.enqueue_dma source(%dma_start3A_42 : memref<128x16xf32, #tpu.memory_space<vmem>>) target(%dma_start3A_39 : memref<128x16xf32, #tpu.memory_space<vmem_shared>>) target_semaphore(%run_scoped3A : memref<!tpu.dma_semaphore, #tpu.memory_space<semaphore_mem>>)
      %dma_wait3A = arith.constant 0 : i32
      %dma_wait3A_43 = arith.constant 0 : i32
      %dma_wait3A_44 = tpu.memref_slice %arg7[%dma_wait3A, %dma_wait3A_43] : memref<128x16xf32, #tpu.memory_space<vmem>> -> memref<128x16xf32, #tpu.memory_space<vmem>>
      %dma_wait3A_45 = arith.constant 0 : i32
      %dma_wait3A_46 = tpu.memref_slice %arg8[%add3A_17, %dma_wait3A_45] : memref<10112x16xf32, #tpu.memory_space<vmem_shared>> -> memref<128x16xf32, #tpu.memory_space<vmem_shared>>
      %dma_wait3A_47 = arith.constant 0 : i32
      %dma_wait3A_48 = tpu.memref_slice %arg8[%add3A_17, %dma_wait3A_47] : memref<10112x16xf32, #tpu.memory_space<vmem_shared>> -> memref<128x16xf32, #tpu.memory_space<vmem_shared>>
      %dma_wait3A_49 = arith.constant 0 : i32
      %dma_wait3A_50 = arith.constant 0 : i32
      %dma_wait3A_51 = tpu.memref_slice %arg7[%dma_wait3A_49, %dma_wait3A_50] : memref<128x16xf32, #tpu.memory_space<vmem>> -> memref<128x16xf32, #tpu.memory_space<vmem>>
      tpu.wait_dma2 semaphore(%run_scoped3A : memref<!tpu.dma_semaphore, #tpu.memory_space<semaphore_mem>>) src(%dma_wait3A_51 : memref<128x16xf32, #tpu.memory_space<vmem>>) dst(%dma_wait3A_48 : memref<128x16xf32, #tpu.memory_space<vmem_shared>>)
      tpu.yield
    }) : () -> ()
    %add3A_18 = arith.constant 384 : i32
    %add3A_19 = arith.addi %mul3A_11, %add3A_18 : i32
    "tpu.region"() ({
      %run_scoped3A = tpu.sem_alloc : memref<!tpu.dma_semaphore, #tpu.memory_space<semaphore_mem>>
      %dma_start3A_33 = arith.constant 0 : i32
      %dma_start3A_34 = arith.constant 0 : i32
      %dma_start3A_35 = tpu.memref_slice %arg7[%dma_start3A_33, %dma_start3A_34] : memref<128x16xf32, #tpu.memory_space<vmem>> -> memref<128x16xf32, #tpu.memory_space<vmem>>
      %dma_start3A_36 = arith.constant 0 : i32
      %dma_start3A_37 = tpu.memref_slice %arg8[%add3A_19, %dma_start3A_36] : memref<10112x16xf32, #tpu.memory_space<vmem_shared>> -> memref<128x16xf32, #tpu.memory_space<vmem_shared>>
      %dma_start3A_38 = arith.constant 0 : i32
      %dma_start3A_39 = tpu.memref_slice %arg8[%add3A_19, %dma_start3A_38] : memref<10112x16xf32, #tpu.memory_space<vmem_shared>> -> memref<128x16xf32, #tpu.memory_space<vmem_shared>>
      %dma_start3A_40 = arith.constant 0 : i32
      %dma_start3A_41 = arith.constant 0 : i32
      %dma_start3A_42 = tpu.memref_slice %arg7[%dma_start3A_40, %dma_start3A_41] : memref<128x16xf32, #tpu.memory_space<vmem>> -> memref<128x16xf32, #tpu.memory_space<vmem>>
      tpu.enqueue_dma source(%dma_start3A_42 : memref<128x16xf32, #tpu.memory_space<vmem>>) target(%dma_start3A_39 : memref<128x16xf32, #tpu.memory_space<vmem_shared>>) target_semaphore(%run_scoped3A : memref<!tpu.dma_semaphore, #tpu.memory_space<semaphore_mem>>)
      %dma_wait3A = arith.constant 0 : i32
      %dma_wait3A_43 = arith.constant 0 : i32
      %dma_wait3A_44 = tpu.memref_slice %arg7[%dma_wait3A, %dma_wait3A_43] : memref<128x16xf32, #tpu.memory_space<vmem>> -> memref<128x16xf32, #tpu.memory_space<vmem>>
      %dma_wait3A_45 = arith.constant 0 : i32
      %dma_wait3A_46 = tpu.memref_slice %arg8[%add3A_19, %dma_wait3A_45] : memref<10112x16xf32, #tpu.memory_space<vmem_shared>> -> memref<128x16xf32, #tpu.memory_space<vmem_shared>>
      %dma_wait3A_47 = arith.constant 0 : i32
      %dma_wait3A_48 = tpu.memref_slice %arg8[%add3A_19, %dma_wait3A_47] : memref<10112x16xf32, #tpu.memory_space<vmem_shared>> -> memref<128x16xf32, #tpu.memory_space<vmem_shared>>
      %dma_wait3A_49 = arith.constant 0 : i32
      %dma_wait3A_50 = arith.constant 0 : i32
      %dma_wait3A_51 = tpu.memref_slice %arg7[%dma_wait3A_49, %dma_wait3A_50] : memref<128x16xf32, #tpu.memory_space<vmem>> -> memref<128x16xf32, #tpu.memory_space<vmem>>
      tpu.wait_dma2 semaphore(%run_scoped3A : memref<!tpu.dma_semaphore, #tpu.memory_space<semaphore_mem>>) src(%dma_wait3A_51 : memref<128x16xf32, #tpu.memory_space<vmem>>) dst(%dma_wait3A_48 : memref<128x16xf32, #tpu.memory_space<vmem_shared>>)
      tpu.yield
    }) : () -> ()
    %add3A_20 = arith.constant 512 : i32
    %add3A_21 = arith.addi %mul3A_11, %add3A_20 : i32
    "tpu.region"() ({
      %run_scoped3A = tpu.sem_alloc : memref<!tpu.dma_semaphore, #tpu.memory_space<semaphore_mem>>
      %dma_start3A_33 = arith.constant 0 : i32
      %dma_start3A_34 = arith.constant 0 : i32
      %dma_start3A_35 = tpu.memref_slice %arg7[%dma_start3A_33, %dma_start3A_34] : memref<128x16xf32, #tpu.memory_space<vmem>> -> memref<120x16xf32, #tpu.memory_space<vmem>>
      %dma_start3A_36 = arith.constant 0 : i32
      %dma_start3A_37 = tpu.memref_slice %arg8[%add3A_21, %dma_start3A_36] : memref<10112x16xf32, #tpu.memory_space<vmem_shared>> -> memref<120x16xf32, #tpu.memory_space<vmem_shared>>
      %dma_start3A_38 = arith.constant 0 : i32
      %dma_start3A_39 = tpu.memref_slice %arg8[%add3A_21, %dma_start3A_38] : memref<10112x16xf32, #tpu.memory_space<vmem_shared>> -> memref<120x16xf32, #tpu.memory_space<vmem_shared>>
      %dma_start3A_40 = arith.constant 0 : i32
      %dma_start3A_41 = arith.constant 0 : i32
      %dma_start3A_42 = tpu.memref_slice %arg7[%dma_start3A_40, %dma_start3A_41] : memref<128x16xf32, #tpu.memory_space<vmem>> -> memref<120x16xf32, #tpu.memory_space<vmem>>
      tpu.enqueue_dma source(%dma_start3A_42 : memref<120x16xf32, #tpu.memory_space<vmem>>) target(%dma_start3A_39 : memref<120x16xf32, #tpu.memory_space<vmem_shared>>) target_semaphore(%run_scoped3A : memref<!tpu.dma_semaphore, #tpu.memory_space<semaphore_mem>>)
      %dma_wait3A = arith.constant 0 : i32
      %dma_wait3A_43 = arith.constant 0 : i32
      %dma_wait3A_44 = tpu.memref_slice %arg7[%dma_wait3A, %dma_wait3A_43] : memref<128x16xf32, #tpu.memory_space<vmem>> -> memref<120x16xf32, #tpu.memory_space<vmem>>
      %dma_wait3A_45 = arith.constant 0 : i32
      %dma_wait3A_46 = tpu.memref_slice %arg8[%add3A_21, %dma_wait3A_45] : memref<10112x16xf32, #tpu.memory_space<vmem_shared>> -> memref<120x16xf32, #tpu.memory_space<vmem_shared>>
      %dma_wait3A_47 = arith.constant 0 : i32
      %dma_wait3A_48 = tpu.memref_slice %arg8[%add3A_21, %dma_wait3A_47] : memref<10112x16xf32, #tpu.memory_space<vmem_shared>> -> memref<120x16xf32, #tpu.memory_space<vmem_shared>>
      %dma_wait3A_49 = arith.constant 0 : i32
      %dma_wait3A_50 = arith.constant 0 : i32
      %dma_wait3A_51 = tpu.memref_slice %arg7[%dma_wait3A_49, %dma_wait3A_50] : memref<128x16xf32, #tpu.memory_space<vmem>> -> memref<120x16xf32, #tpu.memory_space<vmem>>
      tpu.wait_dma2 semaphore(%run_scoped3A : memref<!tpu.dma_semaphore, #tpu.memory_space<semaphore_mem>>) src(%dma_wait3A_51 : memref<120x16xf32, #tpu.memory_space<vmem>>) dst(%dma_wait3A_48 : memref<120x16xf32, #tpu.memory_space<vmem_shared>>)
      tpu.yield
    }) : () -> ()
    %barrier3A = arith.constant 0 : index
    tpu.barrier barrier_id(%barrier3A)
    %mul3A_22 = arith.constant 10000 : i32
    %mul3A_23 = arith.muli %add3A, %mul3A_22 : i32
    %add3A_24 = arith.constant 0 : i32
    %add3A_25 = arith.addi %mul3A_23, %add3A_24 : i32
    %dma_start3A = tpu.memref_slice %arg2[%add3A_25] : memref<320000xi32, #tpu.memory_space<hbm>> -> memref<200xi32, #tpu.memory_space<hbm>>
    %dma_start3A_26 = tpu.memref_slice %arg2[%add3A_25] : memref<320000xi32, #tpu.memory_space<hbm>> -> memref<200xi32, #tpu.memory_space<hbm>>
    tpu.enqueue_dma source(%dma_start3A_26 : memref<200xi32, #tpu.memory_space<hbm>>) target(%arg4 : memref<200xi32, #tpu.memory_space<vmem>>) target_semaphore(%arg9 : memref<!tpu.dma_semaphore, #tpu.memory_space<semaphore_mem>>)
    %scan3A_27 = arith.constant 0 : i32
    %scan3A_28 = arith.constant 25 : i32
    %scan3A_29 = arith.addi %scan3A_27, %scan3A_28 : i32
    %scan3A_30 = arith.constant 1 : i32
    scf.for %scan3A_33 = %scan3A_27 to %scan3A_29 step %scan3A_30  : i32 {
      %mul3A_34 = arith.constant 1 : i32
      %mul3A_35 = arith.muli %scan3A_33, %mul3A_34 : i32
      %add3A_36 = arith.constant 0 : i32
      %add3A_37 = arith.addi %add3A_36, %mul3A_35 : i32
      %mul3A_38 = arith.constant 2 : i32
      %mul3A_39 = arith.muli %add3A_37, %mul3A_38 : i32
      %add3A_40 = arith.constant 1 : i32
      %add3A_41 = arith.addi %mul3A_39, %add3A_40 : i32
      %mul3A_42 = arith.constant 200 : i32
      %mul3A_43 = arith.muli %add3A_41, %mul3A_42 : i32
      %add3A_44 = arith.addi %mul3A_23, %mul3A_43 : i32
      %dma_start3A_45 = tpu.memref_slice %arg2[%add3A_44] : memref<320000xi32, #tpu.memory_space<hbm>> -> memref<200xi32, #tpu.memory_space<hbm>>
      %dma_start3A_46 = tpu.memref_slice %arg2[%add3A_44] : memref<320000xi32, #tpu.memory_space<hbm>> -> memref<200xi32, #tpu.memory_space<hbm>>
      tpu.enqueue_dma source(%dma_start3A_46 : memref<200xi32, #tpu.memory_space<hbm>>) target(%arg5 : memref<200xi32, #tpu.memory_space<vmem>>) target_semaphore(%arg10 : memref<!tpu.dma_semaphore, #tpu.memory_space<semaphore_mem>>)
      %mul3A_47 = arith.constant 200 : i32
      %mul3A_48 = arith.muli %mul3A_39, %mul3A_47 : i32
      %add3A_49 = arith.addi %mul3A_23, %mul3A_48 : i32
      %dma_wait3A = tpu.memref_slice %arg2[%add3A_49] : memref<320000xi32, #tpu.memory_space<hbm>> -> memref<200xi32, #tpu.memory_space<hbm>>
      %dma_wait3A_50 = tpu.memref_slice %arg2[%add3A_49] : memref<320000xi32, #tpu.memory_space<hbm>> -> memref<200xi32, #tpu.memory_space<hbm>>
      tpu.wait_dma2 semaphore(%arg9 : memref<!tpu.dma_semaphore, #tpu.memory_space<semaphore_mem>>) src(%dma_wait3A_50 : memref<200xi32, #tpu.memory_space<hbm>>) dst(%arg4 : memref<200xi32, #tpu.memory_space<vmem>>)
      "tpu.region"() ({
        %run_scoped3A = tpu.sem_alloc : memref<!tpu.dma_semaphore, #tpu.memory_space<semaphore_mem>>
        %dma_start3A_60 = arith.constant 0 : i32
        %dma_start3A_61 = arith.constant 0 : i32
        %dma_start3A_62 = tpu.memref_slice %arg8[%dma_start3A_60, %dma_start3A_61] : memref<10112x16xf32, #tpu.memory_space<vmem_shared>> -> memref<10112x16xf32, #tpu.memory_space<vmem_shared>>
        tpu.enqueue_indirect_dma source(%arg6 : memref<200x16xf32, #tpu.memory_space<vmem>>) target(%dma_start3A_62 : memref<10112x16xf32, #tpu.memory_space<vmem_shared>>) offsets(%arg4 : memref<200xi32, #tpu.memory_space<vmem>>) semaphore(%run_scoped3A : memref<!tpu.dma_semaphore, #tpu.memory_space<semaphore_mem>>) {add = true}
        %dma_wait3A_63 = arith.constant 0 : i32
        %dma_wait3A_64 = arith.constant 0 : i32
        %dma_wait3A_65 = tpu.memref_slice %arg8[%dma_wait3A_63, %dma_wait3A_64] : memref<10112x16xf32, #tpu.memory_space<vmem_shared>> -> memref<10112x16xf32, #tpu.memory_space<vmem_shared>>
        tpu.wait_indirect_dma semaphore(%run_scoped3A : memref<!tpu.dma_semaphore, #tpu.memory_space<semaphore_mem>>) src(%arg6 : memref<200x16xf32, #tpu.memory_space<vmem>>) dst(%dma_wait3A_65 : memref<10112x16xf32, #tpu.memory_space<vmem_shared>>)
        tpu.yield
      }) : () -> ()
      %lt3A = arith.constant 24 : i32
      %lt3A_51 = arith.cmpi slt, %add3A_37, %lt3A : i32
      %convert_element_type3A = arith.extui %lt3A_51 : i1 to i32
      %cond3A = arith.constant 0 : i32
      %cond3A_52 = arith.cmpi ne, %convert_element_type3A, %cond3A : i32
      scf.if %cond3A_52 {
        %add3A_60 = arith.constant 2 : i32
        %add3A_61 = arith.addi %mul3A_39, %add3A_60 : i32
        %mul3A_62 = arith.constant 200 : i32
        %mul3A_63 = arith.muli %add3A_61, %mul3A_62 : i32
        %add3A_64 = arith.addi %mul3A_23, %mul3A_63 : i32
        %dma_start3A_65 = tpu.memref_slice %arg2[%add3A_64] : memref<320000xi32, #tpu.memory_space<hbm>> -> memref<200xi32, #tpu.memory_space<hbm>>
        %dma_start3A_66 = tpu.memref_slice %arg2[%add3A_64] : memref<320000xi32, #tpu.memory_space<hbm>> -> memref<200xi32, #tpu.memory_space<hbm>>
        tpu.enqueue_dma source(%dma_start3A_66 : memref<200xi32, #tpu.memory_space<hbm>>) target(%arg4 : memref<200xi32, #tpu.memory_space<vmem>>) target_semaphore(%arg9 : memref<!tpu.dma_semaphore, #tpu.memory_space<semaphore_mem>>)
      } else {
      }
      %add3A_53 = arith.constant 1 : i32
      %add3A_54 = arith.addi %mul3A_39, %add3A_53 : i32
      %mul3A_55 = arith.constant 200 : i32
      %mul3A_56 = arith.muli %add3A_54, %mul3A_55 : i32
      %add3A_57 = arith.addi %mul3A_23, %mul3A_56 : i32
      %dma_wait3A_58 = tpu.memref_slice %arg2[%add3A_57] : memref<320000xi32, #tpu.memory_space<hbm>> -> memref<200xi32, #tpu.memory_space<hbm>>
      %dma_wait3A_59 = tpu.memref_slice %arg2[%add3A_57] : memref<320000xi32, #tpu.memory_space<hbm>> -> memref<200xi32, #tpu.memory_space<hbm>>
      tpu.wait_dma2 semaphore(%arg10 : memref<!tpu.dma_semaphore, #tpu.memory_space<semaphore_mem>>) src(%dma_wait3A_59 : memref<200xi32, #tpu.memory_space<hbm>>) dst(%arg5 : memref<200xi32, #tpu.memory_space<vmem>>)
      "tpu.region"() ({
        %run_scoped3A = tpu.sem_alloc : memref<!tpu.dma_semaphore, #tpu.memory_space<semaphore_mem>>
        %dma_start3A_60 = arith.constant 0 : i32
        %dma_start3A_61 = arith.constant 0 : i32
        %dma_start3A_62 = tpu.memref_slice %arg8[%dma_start3A_60, %dma_start3A_61] : memref<10112x16xf32, #tpu.memory_space<vmem_shared>> -> memref<10112x16xf32, #tpu.memory_space<vmem_shared>>
        tpu.enqueue_indirect_dma source(%arg6 : memref<200x16xf32, #tpu.memory_space<vmem>>) target(%dma_start3A_62 : memref<10112x16xf32, #tpu.memory_space<vmem_shared>>) offsets(%arg5 : memref<200xi32, #tpu.memory_space<vmem>>) semaphore(%run_scoped3A : memref<!tpu.dma_semaphore, #tpu.memory_space<semaphore_mem>>) {add = true}
        %dma_wait3A_63 = arith.constant 0 : i32
        %dma_wait3A_64 = arith.constant 0 : i32
        %dma_wait3A_65 = tpu.memref_slice %arg8[%dma_wait3A_63, %dma_wait3A_64] : memref<10112x16xf32, #tpu.memory_space<vmem_shared>> -> memref<10112x16xf32, #tpu.memory_space<vmem_shared>>
        tpu.wait_indirect_dma semaphore(%run_scoped3A : memref<!tpu.dma_semaphore, #tpu.memory_space<semaphore_mem>>) src(%arg6 : memref<200x16xf32, #tpu.memory_space<vmem>>) dst(%dma_wait3A_65 : memref<10112x16xf32, #tpu.memory_space<vmem_shared>>)
        tpu.yield
      }) : () -> ()
    }
    %scan3A_31 = arith.constant 25 : i32
    %barrier3A_32 = arith.constant 0 : index
    tpu.barrier barrier_id(%barrier3A_32)
    "tpu.region"() ({
      %run_scoped3A = tpu.sem_alloc : memref<!tpu.dma_semaphore, #tpu.memory_space<semaphore_mem>>
      %dma_start3A_33 = arith.constant 0 : i32
      %dma_start3A_34 = tpu.memref_slice %arg3[%arg0, %mul3A_11, %dma_start3A_33] : memref<2x10112x16xf32, #tpu.memory_space<hbm>> -> memref<1x632x16xf32, #tpu.memory_space<hbm>>
      %dma_start3A_35 = tpu.memref_squeeze %dma_start3A_34 : memref<1x632x16xf32, #tpu.memory_space<hbm>> -> memref<632x16xf32, #tpu.memory_space<hbm>>
      %dma_start3A_36 = arith.constant 0 : i32
      %dma_start3A_37 = tpu.memref_slice %arg8[%mul3A_11, %dma_start3A_36] : memref<10112x16xf32, #tpu.memory_space<vmem_shared>> -> memref<632x16xf32, #tpu.memory_space<vmem_shared>>
      tpu.enqueue_dma source(%dma_start3A_37 : memref<632x16xf32, #tpu.memory_space<vmem_shared>>) target(%dma_start3A_35 : memref<632x16xf32, #tpu.memory_space<hbm>>) target_semaphore(%run_scoped3A : memref<!tpu.dma_semaphore, #tpu.memory_space<semaphore_mem>>)
      %dma_wait3A = arith.constant 0 : i32
      %dma_wait3A_38 = tpu.memref_slice %arg3[%arg0, %mul3A_11, %dma_wait3A] : memref<2x10112x16xf32, #tpu.memory_space<hbm>> -> memref<1x632x16xf32, #tpu.memory_space<hbm>>
      %dma_wait3A_39 = tpu.memref_squeeze %dma_wait3A_38 : memref<1x632x16xf32, #tpu.memory_space<hbm>> -> memref<632x16xf32, #tpu.memory_space<hbm>>
      %dma_wait3A_40 = arith.constant 0 : i32
      %dma_wait3A_41 = tpu.memref_slice %arg8[%mul3A_11, %dma_wait3A_40] : memref<10112x16xf32, #tpu.memory_space<vmem_shared>> -> memref<632x16xf32, #tpu.memory_space<vmem_shared>>
      tpu.wait_dma2 semaphore(%run_scoped3A : memref<!tpu.dma_semaphore, #tpu.memory_space<semaphore_mem>>) src(%dma_wait3A_41 : memref<632x16xf32, #tpu.memory_space<vmem_shared>>) dst(%dma_wait3A_39 : memref<632x16xf32, #tpu.memory_space<hbm>>)
      tpu.yield
    }) : () -> ()
    return
  }
}

#map = affine_map<(d0, d1) -> (0, 0)>
#map1 = affine_map<(d0, d1) -> (0)>
#map2 = affine_map<(d0, d1) -> (0, 0, 0)>
module attributes {stable_mosaic.version = 14 : i64} {
  func.func @k(%arg0: i32, %arg1: i32, %arg2: memref<10000x128xf32, #tpu.memory_space<hbm>>, %arg3: memref<320000xi32, #tpu.memory_space<hbm>>, %arg4: memref<320000xi32, #tpu.memory_space<hbm>>, %arg5: memref<2x10112x128xf32, #tpu.memory_space<hbm>>, %arg6: memref<104xi32, #tpu.memory_space<vmem>>, %arg7: memref<104xi32, #tpu.memory_space<vmem>>, %arg8: memref<104xi32, #tpu.memory_space<vmem>>, %arg9: memref<104xi32, #tpu.memory_space<vmem>>, %arg10: memref<104xi32, #tpu.memory_space<vmem>>, %arg11: memref<104xi32, #tpu.memory_space<vmem>>, %arg12: memref<16xi32, #tpu.memory_space<vmem>>, %arg13: memref<16xi32, #tpu.memory_space<vmem>>, %arg14: memref<104x128xf32, #tpu.memory_space<vmem>>, %arg15: memref<104x128xf32, #tpu.memory_space<vmem>>, %arg16: memref<104x128xf32, #tpu.memory_space<vmem>>, %arg17: memref<10112x128xf32, #tpu.memory_space<vmem_shared>>, %arg18: memref<!tpu.dma_semaphore, #tpu.memory_space<semaphore_mem>>, %arg19: memref<!tpu.dma_semaphore, #tpu.memory_space<semaphore_mem>>, %arg20: memref<!tpu.dma_semaphore, #tpu.memory_space<semaphore_mem>>, %arg21: memref<!tpu.dma_semaphore, #tpu.memory_space<semaphore_mem>>, %arg22: memref<!tpu.dma_semaphore, #tpu.memory_space<semaphore_mem>>, %arg23: memref<!tpu.dma_semaphore, #tpu.memory_space<semaphore_mem>>, %arg24: memref<!tpu.dma_semaphore, #tpu.memory_space<semaphore_mem>>, %arg25: memref<!tpu.dma_semaphore, #tpu.memory_space<semaphore_mem>>, %arg26: memref<!tpu.dma_semaphore, #tpu.memory_space<semaphore_mem>>) attributes {dimension_semantics = [#tpu.dimension_semantics<core_parallel>, #tpu.dimension_semantics<subcore_parallel>], iteration_bounds = array<i64: 2, 16>, scalar_prefetch = 0 : i64, scratch_operands = 21 : i64, tpu.core_type = #tpu.core_type<sc_vector_subcore>, window_params = [{transform_indices = #map}, {transform_indices = #map1}, {transform_indices = #map1}, {transform_indices = #map2}]} {
    %mul3A = arith.constant 16 : i32
    %mul3A_0 = arith.muli %arg0, %mul3A : i32
    %add3A = arith.addi %mul3A_0, %arg1 : i32
    %scan3A = arith.constant 0 : i32
    %scan3A_1 = arith.constant 104 : i32
    %scan3A_2 = arith.addi %scan3A, %scan3A_1 : i32
    %scan3A_3 = arith.constant 1 : i32
    scf.for %scan3A_76 = %scan3A to %scan3A_2 step %scan3A_3  : i32 {
      %mul3A_77 = arith.constant 1 : i32
      %mul3A_78 = arith.muli %scan3A_76, %mul3A_77 : i32
      %add3A_79 = arith.constant 0 : i32
      %add3A_80 = arith.addi %add3A_79, %mul3A_78 : i32
      %broadcast_in_dim3A = arith.constant 0.000000e+00 : f32
      %broadcast_in_dim3A_81 = vector.broadcast %broadcast_in_dim3A : f32 to vector<1x16xf32>
      %swap3A = arith.index_cast %add3A_80 : i32 to index
      %swap3A_82 = arith.constant 0 : index
      %swap3A_83 = tpu.vector_load %arg14[%swap3A, %swap3A_82] {strides = array<i32>} : memref<104x128xf32, #tpu.memory_space<vmem>>, vector<1x16xf32>,
      %swap3A_84 = vector.shape_cast %swap3A_83 : vector<1x16xf32> to vector<1x16xf32>
      %swap3A_85 = vector.shape_cast %broadcast_in_dim3A_81 : vector<1x16xf32> to vector<1x16xf32>
      tpu.vector_store %arg14[%swap3A, %swap3A_82], %swap3A_85 {strides = array<i32>} : memref<104x128xf32, #tpu.memory_space<vmem>>, vector<1x16xf32>,
      %broadcast_in_dim3A_86 = arith.constant 0.000000e+00 : f32
      %broadcast_in_dim3A_87 = vector.broadcast %broadcast_in_dim3A_86 : f32 to vector<1x16xf32>
      %swap3A_88 = arith.index_cast %add3A_80 : i32 to index
      %swap3A_89 = arith.constant 16 : index
      %swap3A_90 = tpu.vector_load %arg14[%swap3A_88, %swap3A_89] {strides = array<i32>} : memref<104x128xf32, #tpu.memory_space<vmem>>, vector<1x16xf32>,
      %swap3A_91 = vector.shape_cast %swap3A_90 : vector<1x16xf32> to vector<1x16xf32>
      %swap3A_92 = vector.shape_cast %broadcast_in_dim3A_87 : vector<1x16xf32> to vector<1x16xf32>
      tpu.vector_store %arg14[%swap3A_88, %swap3A_89], %swap3A_92 {strides = array<i32>} : memref<104x128xf32, #tpu.memory_space<vmem>>, vector<1x16xf32>,
      %broadcast_in_dim3A_93 = arith.constant 0.000000e+00 : f32
      %broadcast_in_dim3A_94 = vector.broadcast %broadcast_in_dim3A_93 : f32 to vector<1x16xf32>
      %swap3A_95 = arith.index_cast %add3A_80 : i32 to index
      %swap3A_96 = arith.constant 32 : index
      %swap3A_97 = tpu.vector_load %arg14[%swap3A_95, %swap3A_96] {strides = array<i32>} : memref<104x128xf32, #tpu.memory_space<vmem>>, vector<1x16xf32>,
      %swap3A_98 = vector.shape_cast %swap3A_97 : vector<1x16xf32> to vector<1x16xf32>
      %swap3A_99 = vector.shape_cast %broadcast_in_dim3A_94 : vector<1x16xf32> to vector<1x16xf32>
      tpu.vector_store %arg14[%swap3A_95, %swap3A_96], %swap3A_99 {strides = array<i32>} : memref<104x128xf32, #tpu.memory_space<vmem>>, vector<1x16xf32>,
      %broadcast_in_dim3A_100 = arith.constant 0.000000e+00 : f32
      %broadcast_in_dim3A_101 = vector.broadcast %broadcast_in_dim3A_100 : f32 to vector<1x16xf32>
      %swap3A_102 = arith.index_cast %add3A_80 : i32 to index
      %swap3A_103 = arith.constant 48 : index
      %swap3A_104 = tpu.vector_load %arg14[%swap3A_102, %swap3A_103] {strides = array<i32>} : memref<104x128xf32, #tpu.memory_space<vmem>>, vector<1x16xf32>,
      %swap3A_105 = vector.shape_cast %swap3A_104 : vector<1x16xf32> to vector<1x16xf32>
      %swap3A_106 = vector.shape_cast %broadcast_in_dim3A_101 : vector<1x16xf32> to vector<1x16xf32>
      tpu.vector_store %arg14[%swap3A_102, %swap3A_103], %swap3A_106 {strides = array<i32>} : memref<104x128xf32, #tpu.memory_space<vmem>>, vector<1x16xf32>,
      %broadcast_in_dim3A_107 = arith.constant 0.000000e+00 : f32
      %broadcast_in_dim3A_108 = vector.broadcast %broadcast_in_dim3A_107 : f32 to vector<1x16xf32>
      %swap3A_109 = arith.index_cast %add3A_80 : i32 to index
      %swap3A_110 = arith.constant 64 : index
      %swap3A_111 = tpu.vector_load %arg14[%swap3A_109, %swap3A_110] {strides = array<i32>} : memref<104x128xf32, #tpu.memory_space<vmem>>, vector<1x16xf32>,
      %swap3A_112 = vector.shape_cast %swap3A_111 : vector<1x16xf32> to vector<1x16xf32>
      %swap3A_113 = vector.shape_cast %broadcast_in_dim3A_108 : vector<1x16xf32> to vector<1x16xf32>
      tpu.vector_store %arg14[%swap3A_109, %swap3A_110], %swap3A_113 {strides = array<i32>} : memref<104x128xf32, #tpu.memory_space<vmem>>, vector<1x16xf32>,
      %broadcast_in_dim3A_114 = arith.constant 0.000000e+00 : f32
      %broadcast_in_dim3A_115 = vector.broadcast %broadcast_in_dim3A_114 : f32 to vector<1x16xf32>
      %swap3A_116 = arith.index_cast %add3A_80 : i32 to index
      %swap3A_117 = arith.constant 80 : index
      %swap3A_118 = tpu.vector_load %arg14[%swap3A_116, %swap3A_117] {strides = array<i32>} : memref<104x128xf32, #tpu.memory_space<vmem>>, vector<1x16xf32>,
      %swap3A_119 = vector.shape_cast %swap3A_118 : vector<1x16xf32> to vector<1x16xf32>
      %swap3A_120 = vector.shape_cast %broadcast_in_dim3A_115 : vector<1x16xf32> to vector<1x16xf32>
      tpu.vector_store %arg14[%swap3A_116, %swap3A_117], %swap3A_120 {strides = array<i32>} : memref<104x128xf32, #tpu.memory_space<vmem>>, vector<1x16xf32>,
      %broadcast_in_dim3A_121 = arith.constant 0.000000e+00 : f32
      %broadcast_in_dim3A_122 = vector.broadcast %broadcast_in_dim3A_121 : f32 to vector<1x16xf32>
      %swap3A_123 = arith.index_cast %add3A_80 : i32 to index
      %swap3A_124 = arith.constant 96 : index
      %swap3A_125 = tpu.vector_load %arg14[%swap3A_123, %swap3A_124] {strides = array<i32>} : memref<104x128xf32, #tpu.memory_space<vmem>>, vector<1x16xf32>,
      %swap3A_126 = vector.shape_cast %swap3A_125 : vector<1x16xf32> to vector<1x16xf32>
      %swap3A_127 = vector.shape_cast %broadcast_in_dim3A_122 : vector<1x16xf32> to vector<1x16xf32>
      tpu.vector_store %arg14[%swap3A_123, %swap3A_124], %swap3A_127 {strides = array<i32>} : memref<104x128xf32, #tpu.memory_space<vmem>>, vector<1x16xf32>,
      %broadcast_in_dim3A_128 = arith.constant 0.000000e+00 : f32
      %broadcast_in_dim3A_129 = vector.broadcast %broadcast_in_dim3A_128 : f32 to vector<1x16xf32>
      %swap3A_130 = arith.index_cast %add3A_80 : i32 to index
      %swap3A_131 = arith.constant 112 : index
      %swap3A_132 = tpu.vector_load %arg14[%swap3A_130, %swap3A_131] {strides = array<i32>} : memref<104x128xf32, #tpu.memory_space<vmem>>, vector<1x16xf32>,
      %swap3A_133 = vector.shape_cast %swap3A_132 : vector<1x16xf32> to vector<1x16xf32>
      %swap3A_134 = vector.shape_cast %broadcast_in_dim3A_129 : vector<1x16xf32> to vector<1x16xf32>
      tpu.vector_store %arg14[%swap3A_130, %swap3A_131], %swap3A_134 {strides = array<i32>} : memref<104x128xf32, #tpu.memory_space<vmem>>, vector<1x16xf32>,
    }
    %scan3A_4 = arith.constant 104 : i32
    %mul3A_5 = arith.constant 632 : i32
    %mul3A_6 = arith.muli %arg1, %mul3A_5 : i32
    %add3A_7 = arith.constant 0 : i32
    %add3A_8 = arith.addi %mul3A_6, %add3A_7 : i32
    "tpu.region"() ({
      %run_scoped3A = tpu.sem_alloc : memref<!tpu.dma_semaphore, #tpu.memory_space<semaphore_mem>>
      %dma_start3A_76 = arith.constant 0 : i32
      %dma_start3A_77 = arith.constant 0 : i32
      %dma_start3A_78 = tpu.memref_slice %arg14[%dma_start3A_76, %dma_start3A_77] : memref<104x128xf32, #tpu.memory_space<vmem>> -> memref<104x128xf32, #tpu.memory_space<vmem>>
      %dma_start3A_79 = arith.constant 0 : i32
      %dma_start3A_80 = tpu.memref_slice %arg17[%add3A_8, %dma_start3A_79] : memref<10112x128xf32, #tpu.memory_space<vmem_shared>> -> memref<104x128xf32, #tpu.memory_space<vmem_shared>>
      %dma_start3A_81 = arith.constant 0 : i32
      %dma_start3A_82 = tpu.memref_slice %arg17[%add3A_8, %dma_start3A_81] : memref<10112x128xf32, #tpu.memory_space<vmem_shared>> -> memref<104x128xf32, #tpu.memory_space<vmem_shared>>
      %dma_start3A_83 = arith.constant 0 : i32
      %dma_start3A_84 = arith.constant 0 : i32
      %dma_start3A_85 = tpu.memref_slice %arg14[%dma_start3A_83, %dma_start3A_84] : memref<104x128xf32, #tpu.memory_space<vmem>> -> memref<104x128xf32, #tpu.memory_space<vmem>>
      tpu.enqueue_dma source(%dma_start3A_85 : memref<104x128xf32, #tpu.memory_space<vmem>>) target(%dma_start3A_82 : memref<104x128xf32, #tpu.memory_space<vmem_shared>>) target_semaphore(%run_scoped3A : memref<!tpu.dma_semaphore, #tpu.memory_space<semaphore_mem>>)
      %dma_wait3A_86 = arith.constant 0 : i32
      %dma_wait3A_87 = arith.constant 0 : i32
      %dma_wait3A_88 = tpu.memref_slice %arg14[%dma_wait3A_86, %dma_wait3A_87] : memref<104x128xf32, #tpu.memory_space<vmem>> -> memref<104x128xf32, #tpu.memory_space<vmem>>
      %dma_wait3A_89 = arith.constant 0 : i32
      %dma_wait3A_90 = tpu.memref_slice %arg17[%add3A_8, %dma_wait3A_89] : memref<10112x128xf32, #tpu.memory_space<vmem_shared>> -> memref<104x128xf32, #tpu.memory_space<vmem_shared>>
      %dma_wait3A_91 = arith.constant 0 : i32
      %dma_wait3A_92 = tpu.memref_slice %arg17[%add3A_8, %dma_wait3A_91] : memref<10112x128xf32, #tpu.memory_space<vmem_shared>> -> memref<104x128xf32, #tpu.memory_space<vmem_shared>>
      %dma_wait3A_93 = arith.constant 0 : i32
      %dma_wait3A_94 = arith.constant 0 : i32
      %dma_wait3A_95 = tpu.memref_slice %arg14[%dma_wait3A_93, %dma_wait3A_94] : memref<104x128xf32, #tpu.memory_space<vmem>> -> memref<104x128xf32, #tpu.memory_space<vmem>>
      tpu.wait_dma2 semaphore(%run_scoped3A : memref<!tpu.dma_semaphore, #tpu.memory_space<semaphore_mem>>) src(%dma_wait3A_95 : memref<104x128xf32, #tpu.memory_space<vmem>>) dst(%dma_wait3A_92 : memref<104x128xf32, #tpu.memory_space<vmem_shared>>)
      tpu.yield
    }) : () -> ()
    %add3A_9 = arith.constant 104 : i32
    %add3A_10 = arith.addi %mul3A_6, %add3A_9 : i32
    "tpu.region"() ({
      %run_scoped3A = tpu.sem_alloc : memref<!tpu.dma_semaphore, #tpu.memory_space<semaphore_mem>>
      %dma_start3A_76 = arith.constant 0 : i32
      %dma_start3A_77 = arith.constant 0 : i32
      %dma_start3A_78 = tpu.memref_slice %arg14[%dma_start3A_76, %dma_start3A_77] : memref<104x128xf32, #tpu.memory_space<vmem>> -> memref<104x128xf32, #tpu.memory_space<vmem>>
      %dma_start3A_79 = arith.constant 0 : i32
      %dma_start3A_80 = tpu.memref_slice %arg17[%add3A_10, %dma_start3A_79] : memref<10112x128xf32, #tpu.memory_space<vmem_shared>> -> memref<104x128xf32, #tpu.memory_space<vmem_shared>>
      %dma_start3A_81 = arith.constant 0 : i32
      %dma_start3A_82 = tpu.memref_slice %arg17[%add3A_10, %dma_start3A_81] : memref<10112x128xf32, #tpu.memory_space<vmem_shared>> -> memref<104x128xf32, #tpu.memory_space<vmem_shared>>
      %dma_start3A_83 = arith.constant 0 : i32
      %dma_start3A_84 = arith.constant 0 : i32
      %dma_start3A_85 = tpu.memref_slice %arg14[%dma_start3A_83, %dma_start3A_84] : memref<104x128xf32, #tpu.memory_space<vmem>> -> memref<104x128xf32, #tpu.memory_space<vmem>>
      tpu.enqueue_dma source(%dma_start3A_85 : memref<104x128xf32, #tpu.memory_space<vmem>>) target(%dma_start3A_82 : memref<104x128xf32, #tpu.memory_space<vmem_shared>>) target_semaphore(%run_scoped3A : memref<!tpu.dma_semaphore, #tpu.memory_space<semaphore_mem>>)
      %dma_wait3A_86 = arith.constant 0 : i32
      %dma_wait3A_87 = arith.constant 0 : i32
      %dma_wait3A_88 = tpu.memref_slice %arg14[%dma_wait3A_86, %dma_wait3A_87] : memref<104x128xf32, #tpu.memory_space<vmem>> -> memref<104x128xf32, #tpu.memory_space<vmem>>
      %dma_wait3A_89 = arith.constant 0 : i32
      %dma_wait3A_90 = tpu.memref_slice %arg17[%add3A_10, %dma_wait3A_89] : memref<10112x128xf32, #tpu.memory_space<vmem_shared>> -> memref<104x128xf32, #tpu.memory_space<vmem_shared>>
      %dma_wait3A_91 = arith.constant 0 : i32
      %dma_wait3A_92 = tpu.memref_slice %arg17[%add3A_10, %dma_wait3A_91] : memref<10112x128xf32, #tpu.memory_space<vmem_shared>> -> memref<104x128xf32, #tpu.memory_space<vmem_shared>>
      %dma_wait3A_93 = arith.constant 0 : i32
      %dma_wait3A_94 = arith.constant 0 : i32
      %dma_wait3A_95 = tpu.memref_slice %arg14[%dma_wait3A_93, %dma_wait3A_94] : memref<104x128xf32, #tpu.memory_space<vmem>> -> memref<104x128xf32, #tpu.memory_space<vmem>>
      tpu.wait_dma2 semaphore(%run_scoped3A : memref<!tpu.dma_semaphore, #tpu.memory_space<semaphore_mem>>) src(%dma_wait3A_95 : memref<104x128xf32, #tpu.memory_space<vmem>>) dst(%dma_wait3A_92 : memref<104x128xf32, #tpu.memory_space<vmem_shared>>)
      tpu.yield
    }) : () -> ()
    %add3A_11 = arith.constant 208 : i32
    %add3A_12 = arith.addi %mul3A_6, %add3A_11 : i32
    "tpu.region"() ({
      %run_scoped3A = tpu.sem_alloc : memref<!tpu.dma_semaphore, #tpu.memory_space<semaphore_mem>>
      %dma_start3A_76 = arith.constant 0 : i32
      %dma_start3A_77 = arith.constant 0 : i32
      %dma_start3A_78 = tpu.memref_slice %arg14[%dma_start3A_76, %dma_start3A_77] : memref<104x128xf32, #tpu.memory_space<vmem>> -> memref<104x128xf32, #tpu.memory_space<vmem>>
      %dma_start3A_79 = arith.constant 0 : i32
      %dma_start3A_80 = tpu.memref_slice %arg17[%add3A_12, %dma_start3A_79] : memref<10112x128xf32, #tpu.memory_space<vmem_shared>> -> memref<104x128xf32, #tpu.memory_space<vmem_shared>>
      %dma_start3A_81 = arith.constant 0 : i32
      %dma_start3A_82 = tpu.memref_slice %arg17[%add3A_12, %dma_start3A_81] : memref<10112x128xf32, #tpu.memory_space<vmem_shared>> -> memref<104x128xf32, #tpu.memory_space<vmem_shared>>
      %dma_start3A_83 = arith.constant 0 : i32
      %dma_start3A_84 = arith.constant 0 : i32
      %dma_start3A_85 = tpu.memref_slice %arg14[%dma_start3A_83, %dma_start3A_84] : memref<104x128xf32, #tpu.memory_space<vmem>> -> memref<104x128xf32, #tpu.memory_space<vmem>>
      tpu.enqueue_dma source(%dma_start3A_85 : memref<104x128xf32, #tpu.memory_space<vmem>>) target(%dma_start3A_82 : memref<104x128xf32, #tpu.memory_space<vmem_shared>>) target_semaphore(%run_scoped3A : memref<!tpu.dma_semaphore, #tpu.memory_space<semaphore_mem>>)
      %dma_wait3A_86 = arith.constant 0 : i32
      %dma_wait3A_87 = arith.constant 0 : i32
      %dma_wait3A_88 = tpu.memref_slice %arg14[%dma_wait3A_86, %dma_wait3A_87] : memref<104x128xf32, #tpu.memory_space<vmem>> -> memref<104x128xf32, #tpu.memory_space<vmem>>
      %dma_wait3A_89 = arith.constant 0 : i32
      %dma_wait3A_90 = tpu.memref_slice %arg17[%add3A_12, %dma_wait3A_89] : memref<10112x128xf32, #tpu.memory_space<vmem_shared>> -> memref<104x128xf32, #tpu.memory_space<vmem_shared>>
      %dma_wait3A_91 = arith.constant 0 : i32
      %dma_wait3A_92 = tpu.memref_slice %arg17[%add3A_12, %dma_wait3A_91] : memref<10112x128xf32, #tpu.memory_space<vmem_shared>> -> memref<104x128xf32, #tpu.memory_space<vmem_shared>>
      %dma_wait3A_93 = arith.constant 0 : i32
      %dma_wait3A_94 = arith.constant 0 : i32
      %dma_wait3A_95 = tpu.memref_slice %arg14[%dma_wait3A_93, %dma_wait3A_94] : memref<104x128xf32, #tpu.memory_space<vmem>> -> memref<104x128xf32, #tpu.memory_space<vmem>>
      tpu.wait_dma2 semaphore(%run_scoped3A : memref<!tpu.dma_semaphore, #tpu.memory_space<semaphore_mem>>) src(%dma_wait3A_95 : memref<104x128xf32, #tpu.memory_space<vmem>>) dst(%dma_wait3A_92 : memref<104x128xf32, #tpu.memory_space<vmem_shared>>)
      tpu.yield
    }) : () -> ()
    %add3A_13 = arith.constant 312 : i32
    %add3A_14 = arith.addi %mul3A_6, %add3A_13 : i32
    "tpu.region"() ({
      %run_scoped3A = tpu.sem_alloc : memref<!tpu.dma_semaphore, #tpu.memory_space<semaphore_mem>>
      %dma_start3A_76 = arith.constant 0 : i32
      %dma_start3A_77 = arith.constant 0 : i32
      %dma_start3A_78 = tpu.memref_slice %arg14[%dma_start3A_76, %dma_start3A_77] : memref<104x128xf32, #tpu.memory_space<vmem>> -> memref<104x128xf32, #tpu.memory_space<vmem>>
      %dma_start3A_79 = arith.constant 0 : i32
      %dma_start3A_80 = tpu.memref_slice %arg17[%add3A_14, %dma_start3A_79] : memref<10112x128xf32, #tpu.memory_space<vmem_shared>> -> memref<104x128xf32, #tpu.memory_space<vmem_shared>>
      %dma_start3A_81 = arith.constant 0 : i32
      %dma_start3A_82 = tpu.memref_slice %arg17[%add3A_14, %dma_start3A_81] : memref<10112x128xf32, #tpu.memory_space<vmem_shared>> -> memref<104x128xf32, #tpu.memory_space<vmem_shared>>
      %dma_start3A_83 = arith.constant 0 : i32
      %dma_start3A_84 = arith.constant 0 : i32
      %dma_start3A_85 = tpu.memref_slice %arg14[%dma_start3A_83, %dma_start3A_84] : memref<104x128xf32, #tpu.memory_space<vmem>> -> memref<104x128xf32, #tpu.memory_space<vmem>>
      tpu.enqueue_dma source(%dma_start3A_85 : memref<104x128xf32, #tpu.memory_space<vmem>>) target(%dma_start3A_82 : memref<104x128xf32, #tpu.memory_space<vmem_shared>>) target_semaphore(%run_scoped3A : memref<!tpu.dma_semaphore, #tpu.memory_space<semaphore_mem>>)
      %dma_wait3A_86 = arith.constant 0 : i32
      %dma_wait3A_87 = arith.constant 0 : i32
      %dma_wait3A_88 = tpu.memref_slice %arg14[%dma_wait3A_86, %dma_wait3A_87] : memref<104x128xf32, #tpu.memory_space<vmem>> -> memref<104x128xf32, #tpu.memory_space<vmem>>
      %dma_wait3A_89 = arith.constant 0 : i32
      %dma_wait3A_90 = tpu.memref_slice %arg17[%add3A_14, %dma_wait3A_89] : memref<10112x128xf32, #tpu.memory_space<vmem_shared>> -> memref<104x128xf32, #tpu.memory_space<vmem_shared>>
      %dma_wait3A_91 = arith.constant 0 : i32
      %dma_wait3A_92 = tpu.memref_slice %arg17[%add3A_14, %dma_wait3A_91] : memref<10112x128xf32, #tpu.memory_space<vmem_shared>> -> memref<104x128xf32, #tpu.memory_space<vmem_shared>>
      %dma_wait3A_93 = arith.constant 0 : i32
      %dma_wait3A_94 = arith.constant 0 : i32
      %dma_wait3A_95 = tpu.memref_slice %arg14[%dma_wait3A_93, %dma_wait3A_94] : memref<104x128xf32, #tpu.memory_space<vmem>> -> memref<104x128xf32, #tpu.memory_space<vmem>>
      tpu.wait_dma2 semaphore(%run_scoped3A : memref<!tpu.dma_semaphore, #tpu.memory_space<semaphore_mem>>) src(%dma_wait3A_95 : memref<104x128xf32, #tpu.memory_space<vmem>>) dst(%dma_wait3A_92 : memref<104x128xf32, #tpu.memory_space<vmem_shared>>)
      tpu.yield
    }) : () -> ()
    %add3A_15 = arith.constant 416 : i32
    %add3A_16 = arith.addi %mul3A_6, %add3A_15 : i32
    "tpu.region"() ({
      %run_scoped3A = tpu.sem_alloc : memref<!tpu.dma_semaphore, #tpu.memory_space<semaphore_mem>>
      %dma_start3A_76 = arith.constant 0 : i32
      %dma_start3A_77 = arith.constant 0 : i32
      %dma_start3A_78 = tpu.memref_slice %arg14[%dma_start3A_76, %dma_start3A_77] : memref<104x128xf32, #tpu.memory_space<vmem>> -> memref<104x128xf32, #tpu.memory_space<vmem>>
      %dma_start3A_79 = arith.constant 0 : i32
      %dma_start3A_80 = tpu.memref_slice %arg17[%add3A_16, %dma_start3A_79] : memref<10112x128xf32, #tpu.memory_space<vmem_shared>> -> memref<104x128xf32, #tpu.memory_space<vmem_shared>>
      %dma_start3A_81 = arith.constant 0 : i32
      %dma_start3A_82 = tpu.memref_slice %arg17[%add3A_16, %dma_start3A_81] : memref<10112x128xf32, #tpu.memory_space<vmem_shared>> -> memref<104x128xf32, #tpu.memory_space<vmem_shared>>
      %dma_start3A_83 = arith.constant 0 : i32
      %dma_start3A_84 = arith.constant 0 : i32
      %dma_start3A_85 = tpu.memref_slice %arg14[%dma_start3A_83, %dma_start3A_84] : memref<104x128xf32, #tpu.memory_space<vmem>> -> memref<104x128xf32, #tpu.memory_space<vmem>>
      tpu.enqueue_dma source(%dma_start3A_85 : memref<104x128xf32, #tpu.memory_space<vmem>>) target(%dma_start3A_82 : memref<104x128xf32, #tpu.memory_space<vmem_shared>>) target_semaphore(%run_scoped3A : memref<!tpu.dma_semaphore, #tpu.memory_space<semaphore_mem>>)
      %dma_wait3A_86 = arith.constant 0 : i32
      %dma_wait3A_87 = arith.constant 0 : i32
      %dma_wait3A_88 = tpu.memref_slice %arg14[%dma_wait3A_86, %dma_wait3A_87] : memref<104x128xf32, #tpu.memory_space<vmem>> -> memref<104x128xf32, #tpu.memory_space<vmem>>
      %dma_wait3A_89 = arith.constant 0 : i32
      %dma_wait3A_90 = tpu.memref_slice %arg17[%add3A_16, %dma_wait3A_89] : memref<10112x128xf32, #tpu.memory_space<vmem_shared>> -> memref<104x128xf32, #tpu.memory_space<vmem_shared>>
      %dma_wait3A_91 = arith.constant 0 : i32
      %dma_wait3A_92 = tpu.memref_slice %arg17[%add3A_16, %dma_wait3A_91] : memref<10112x128xf32, #tpu.memory_space<vmem_shared>> -> memref<104x128xf32, #tpu.memory_space<vmem_shared>>
      %dma_wait3A_93 = arith.constant 0 : i32
      %dma_wait3A_94 = arith.constant 0 : i32
      %dma_wait3A_95 = tpu.memref_slice %arg14[%dma_wait3A_93, %dma_wait3A_94] : memref<104x128xf32, #tpu.memory_space<vmem>> -> memref<104x128xf32, #tpu.memory_space<vmem>>
      tpu.wait_dma2 semaphore(%run_scoped3A : memref<!tpu.dma_semaphore, #tpu.memory_space<semaphore_mem>>) src(%dma_wait3A_95 : memref<104x128xf32, #tpu.memory_space<vmem>>) dst(%dma_wait3A_92 : memref<104x128xf32, #tpu.memory_space<vmem_shared>>)
      tpu.yield
    }) : () -> ()
    %add3A_17 = arith.constant 520 : i32
    %add3A_18 = arith.addi %mul3A_6, %add3A_17 : i32
    "tpu.region"() ({
      %run_scoped3A = tpu.sem_alloc : memref<!tpu.dma_semaphore, #tpu.memory_space<semaphore_mem>>
      %dma_start3A_76 = arith.constant 0 : i32
      %dma_start3A_77 = arith.constant 0 : i32
      %dma_start3A_78 = tpu.memref_slice %arg14[%dma_start3A_76, %dma_start3A_77] : memref<104x128xf32, #tpu.memory_space<vmem>> -> memref<104x128xf32, #tpu.memory_space<vmem>>
      %dma_start3A_79 = arith.constant 0 : i32
      %dma_start3A_80 = tpu.memref_slice %arg17[%add3A_18, %dma_start3A_79] : memref<10112x128xf32, #tpu.memory_space<vmem_shared>> -> memref<104x128xf32, #tpu.memory_space<vmem_shared>>
      %dma_start3A_81 = arith.constant 0 : i32
      %dma_start3A_82 = tpu.memref_slice %arg17[%add3A_18, %dma_start3A_81] : memref<10112x128xf32, #tpu.memory_space<vmem_shared>> -> memref<104x128xf32, #tpu.memory_space<vmem_shared>>
      %dma_start3A_83 = arith.constant 0 : i32
      %dma_start3A_84 = arith.constant 0 : i32
      %dma_start3A_85 = tpu.memref_slice %arg14[%dma_start3A_83, %dma_start3A_84] : memref<104x128xf32, #tpu.memory_space<vmem>> -> memref<104x128xf32, #tpu.memory_space<vmem>>
      tpu.enqueue_dma source(%dma_start3A_85 : memref<104x128xf32, #tpu.memory_space<vmem>>) target(%dma_start3A_82 : memref<104x128xf32, #tpu.memory_space<vmem_shared>>) target_semaphore(%run_scoped3A : memref<!tpu.dma_semaphore, #tpu.memory_space<semaphore_mem>>)
      %dma_wait3A_86 = arith.constant 0 : i32
      %dma_wait3A_87 = arith.constant 0 : i32
      %dma_wait3A_88 = tpu.memref_slice %arg14[%dma_wait3A_86, %dma_wait3A_87] : memref<104x128xf32, #tpu.memory_space<vmem>> -> memref<104x128xf32, #tpu.memory_space<vmem>>
      %dma_wait3A_89 = arith.constant 0 : i32
      %dma_wait3A_90 = tpu.memref_slice %arg17[%add3A_18, %dma_wait3A_89] : memref<10112x128xf32, #tpu.memory_space<vmem_shared>> -> memref<104x128xf32, #tpu.memory_space<vmem_shared>>
      %dma_wait3A_91 = arith.constant 0 : i32
      %dma_wait3A_92 = tpu.memref_slice %arg17[%add3A_18, %dma_wait3A_91] : memref<10112x128xf32, #tpu.memory_space<vmem_shared>> -> memref<104x128xf32, #tpu.memory_space<vmem_shared>>
      %dma_wait3A_93 = arith.constant 0 : i32
      %dma_wait3A_94 = arith.constant 0 : i32
      %dma_wait3A_95 = tpu.memref_slice %arg14[%dma_wait3A_93, %dma_wait3A_94] : memref<104x128xf32, #tpu.memory_space<vmem>> -> memref<104x128xf32, #tpu.memory_space<vmem>>
      tpu.wait_dma2 semaphore(%run_scoped3A : memref<!tpu.dma_semaphore, #tpu.memory_space<semaphore_mem>>) src(%dma_wait3A_95 : memref<104x128xf32, #tpu.memory_space<vmem>>) dst(%dma_wait3A_92 : memref<104x128xf32, #tpu.memory_space<vmem_shared>>)
      tpu.yield
    }) : () -> ()
    %add3A_19 = arith.constant 624 : i32
    %add3A_20 = arith.addi %mul3A_6, %add3A_19 : i32
    "tpu.region"() ({
      %run_scoped3A = tpu.sem_alloc : memref<!tpu.dma_semaphore, #tpu.memory_space<semaphore_mem>>
      %dma_start3A_76 = arith.constant 0 : i32
      %dma_start3A_77 = arith.constant 0 : i32
      %dma_start3A_78 = tpu.memref_slice %arg14[%dma_start3A_76, %dma_start3A_77] : memref<104x128xf32, #tpu.memory_space<vmem>> -> memref<8x128xf32, #tpu.memory_space<vmem>>
      %dma_start3A_79 = arith.constant 0 : i32
      %dma_start3A_80 = tpu.memref_slice %arg17[%add3A_20, %dma_start3A_79] : memref<10112x128xf32, #tpu.memory_space<vmem_shared>> -> memref<8x128xf32, #tpu.memory_space<vmem_shared>>
      %dma_start3A_81 = arith.constant 0 : i32
      %dma_start3A_82 = tpu.memref_slice %arg17[%add3A_20, %dma_start3A_81] : memref<10112x128xf32, #tpu.memory_space<vmem_shared>> -> memref<8x128xf32, #tpu.memory_space<vmem_shared>>
      %dma_start3A_83 = arith.constant 0 : i32
      %dma_start3A_84 = arith.constant 0 : i32
      %dma_start3A_85 = tpu.memref_slice %arg14[%dma_start3A_83, %dma_start3A_84] : memref<104x128xf32, #tpu.memory_space<vmem>> -> memref<8x128xf32, #tpu.memory_space<vmem>>
      tpu.enqueue_dma source(%dma_start3A_85 : memref<8x128xf32, #tpu.memory_space<vmem>>) target(%dma_start3A_82 : memref<8x128xf32, #tpu.memory_space<vmem_shared>>) target_semaphore(%run_scoped3A : memref<!tpu.dma_semaphore, #tpu.memory_space<semaphore_mem>>)
      %dma_wait3A_86 = arith.constant 0 : i32
      %dma_wait3A_87 = arith.constant 0 : i32
      %dma_wait3A_88 = tpu.memref_slice %arg14[%dma_wait3A_86, %dma_wait3A_87] : memref<104x128xf32, #tpu.memory_space<vmem>> -> memref<8x128xf32, #tpu.memory_space<vmem>>
      %dma_wait3A_89 = arith.constant 0 : i32
      %dma_wait3A_90 = tpu.memref_slice %arg17[%add3A_20, %dma_wait3A_89] : memref<10112x128xf32, #tpu.memory_space<vmem_shared>> -> memref<8x128xf32, #tpu.memory_space<vmem_shared>>
      %dma_wait3A_91 = arith.constant 0 : i32
      %dma_wait3A_92 = tpu.memref_slice %arg17[%add3A_20, %dma_wait3A_91] : memref<10112x128xf32, #tpu.memory_space<vmem_shared>> -> memref<8x128xf32, #tpu.memory_space<vmem_shared>>
      %dma_wait3A_93 = arith.constant 0 : i32
      %dma_wait3A_94 = arith.constant 0 : i32
      %dma_wait3A_95 = tpu.memref_slice %arg14[%dma_wait3A_93, %dma_wait3A_94] : memref<104x128xf32, #tpu.memory_space<vmem>> -> memref<8x128xf32, #tpu.memory_space<vmem>>
      tpu.wait_dma2 semaphore(%run_scoped3A : memref<!tpu.dma_semaphore, #tpu.memory_space<semaphore_mem>>) src(%dma_wait3A_95 : memref<8x128xf32, #tpu.memory_space<vmem>>) dst(%dma_wait3A_92 : memref<8x128xf32, #tpu.memory_space<vmem_shared>>)
      tpu.yield
    }) : () -> ()
    %barrier3A = arith.constant 0 : index
    tpu.barrier barrier_id(%barrier3A)
    %mul3A_21 = arith.constant 10000 : i32
    %mul3A_22 = arith.muli %add3A, %mul3A_21 : i32
    %add3A_23 = arith.constant 0 : i32
    %add3A_24 = arith.addi %mul3A_22, %add3A_23 : i32
    %dma_start3A = tpu.memref_slice %arg3[%add3A_24] : memref<320000xi32, #tpu.memory_space<hbm>> -> memref<104xi32, #tpu.memory_space<hbm>>
    %dma_start3A_25 = tpu.memref_slice %arg3[%add3A_24] : memref<320000xi32, #tpu.memory_space<hbm>> -> memref<104xi32, #tpu.memory_space<hbm>>
    tpu.enqueue_dma source(%dma_start3A_25 : memref<104xi32, #tpu.memory_space<hbm>>) target(%arg6 : memref<104xi32, #tpu.memory_space<vmem>>) target_semaphore(%arg21 : memref<!tpu.dma_semaphore, #tpu.memory_space<semaphore_mem>>)
    %add3A_26 = arith.constant 0 : i32
    %add3A_27 = arith.addi %mul3A_22, %add3A_26 : i32
    %dma_start3A_28 = tpu.memref_slice %arg4[%add3A_27] : memref<320000xi32, #tpu.memory_space<hbm>> -> memref<104xi32, #tpu.memory_space<hbm>>
    %dma_start3A_29 = tpu.memref_slice %arg4[%add3A_27] : memref<320000xi32, #tpu.memory_space<hbm>> -> memref<104xi32, #tpu.memory_space<hbm>>
    tpu.enqueue_dma source(%dma_start3A_29 : memref<104xi32, #tpu.memory_space<hbm>>) target(%arg9 : memref<104xi32, #tpu.memory_space<vmem>>) target_semaphore(%arg24 : memref<!tpu.dma_semaphore, #tpu.memory_space<semaphore_mem>>)
    %add3A_30 = arith.constant 104 : i32
    %add3A_31 = arith.addi %mul3A_22, %add3A_30 : i32
    %dma_start3A_32 = tpu.memref_slice %arg3[%add3A_31] : memref<320000xi32, #tpu.memory_space<hbm>> -> memref<104xi32, #tpu.memory_space<hbm>>
    %dma_start3A_33 = tpu.memref_slice %arg3[%add3A_31] : memref<320000xi32, #tpu.memory_space<hbm>> -> memref<104xi32, #tpu.memory_space<hbm>>
    tpu.enqueue_dma source(%dma_start3A_33 : memref<104xi32, #tpu.memory_space<hbm>>) target(%arg7 : memref<104xi32, #tpu.memory_space<vmem>>) target_semaphore(%arg22 : memref<!tpu.dma_semaphore, #tpu.memory_space<semaphore_mem>>)
    %add3A_34 = arith.constant 104 : i32
    %add3A_35 = arith.addi %mul3A_22, %add3A_34 : i32
    %dma_start3A_36 = tpu.memref_slice %arg4[%add3A_35] : memref<320000xi32, #tpu.memory_space<hbm>> -> memref<104xi32, #tpu.memory_space<hbm>>
    %dma_start3A_37 = tpu.memref_slice %arg4[%add3A_35] : memref<320000xi32, #tpu.memory_space<hbm>> -> memref<104xi32, #tpu.memory_space<hbm>>
    tpu.enqueue_dma source(%dma_start3A_37 : memref<104xi32, #tpu.memory_space<hbm>>) target(%arg10 : memref<104xi32, #tpu.memory_space<vmem>>) target_semaphore(%arg25 : memref<!tpu.dma_semaphore, #tpu.memory_space<semaphore_mem>>)
    %add3A_38 = arith.constant 208 : i32
    %add3A_39 = arith.addi %mul3A_22, %add3A_38 : i32
    %dma_start3A_40 = tpu.memref_slice %arg3[%add3A_39] : memref<320000xi32, #tpu.memory_space<hbm>> -> memref<104xi32, #tpu.memory_space<hbm>>
    %dma_start3A_41 = tpu.memref_slice %arg3[%add3A_39] : memref<320000xi32, #tpu.memory_space<hbm>> -> memref<104xi32, #tpu.memory_space<hbm>>
    tpu.enqueue_dma source(%dma_start3A_41 : memref<104xi32, #tpu.memory_space<hbm>>) target(%arg8 : memref<104xi32, #tpu.memory_space<vmem>>) target_semaphore(%arg23 : memref<!tpu.dma_semaphore, #tpu.memory_space<semaphore_mem>>)
    %add3A_42 = arith.constant 208 : i32
    %add3A_43 = arith.addi %mul3A_22, %add3A_42 : i32
    %dma_start3A_44 = tpu.memref_slice %arg4[%add3A_43] : memref<320000xi32, #tpu.memory_space<hbm>> -> memref<104xi32, #tpu.memory_space<hbm>>
    %dma_start3A_45 = tpu.memref_slice %arg4[%add3A_43] : memref<320000xi32, #tpu.memory_space<hbm>> -> memref<104xi32, #tpu.memory_space<hbm>>
    tpu.enqueue_dma source(%dma_start3A_45 : memref<104xi32, #tpu.memory_space<hbm>>) target(%arg11 : memref<104xi32, #tpu.memory_space<vmem>>) target_semaphore(%arg26 : memref<!tpu.dma_semaphore, #tpu.memory_space<semaphore_mem>>)
    %add3A_46 = arith.constant 0 : i32
    %add3A_47 = arith.addi %mul3A_22, %add3A_46 : i32
    %dma_wait3A = tpu.memref_slice %arg3[%add3A_47] : memref<320000xi32, #tpu.memory_space<hbm>> -> memref<104xi32, #tpu.memory_space<hbm>>
    %dma_wait3A_48 = tpu.memref_slice %arg3[%add3A_47] : memref<320000xi32, #tpu.memory_space<hbm>> -> memref<104xi32, #tpu.memory_space<hbm>>
    tpu.wait_dma2 semaphore(%arg21 : memref<!tpu.dma_semaphore, #tpu.memory_space<semaphore_mem>>) src(%dma_wait3A_48 : memref<104xi32, #tpu.memory_space<hbm>>) dst(%arg6 : memref<104xi32, #tpu.memory_space<vmem>>)
    %dma_start3A_49 = arith.constant 0 : i32
    %dma_start3A_50 = arith.constant 0 : i32
    %dma_start3A_51 = tpu.memref_slice %arg2[%dma_start3A_49, %dma_start3A_50] : memref<10000x128xf32, #tpu.memory_space<hbm>> -> memref<10000x128xf32, #tpu.memory_space<hbm>>
    tpu.enqueue_indirect_dma source(%dma_start3A_51 : memref<10000x128xf32, #tpu.memory_space<hbm>>) target(%arg14 : memref<104x128xf32, #tpu.memory_space<vmem>>) offsets(%arg6 : memref<104xi32, #tpu.memory_space<vmem>>) semaphore(%arg18 : memref<!tpu.dma_semaphore, #tpu.memory_space<semaphore_mem>>)
    %add3A_52 = arith.constant 104 : i32
    %add3A_53 = arith.addi %mul3A_22, %add3A_52 : i32
    %dma_wait3A_54 = tpu.memref_slice %arg3[%add3A_53] : memref<320000xi32, #tpu.memory_space<hbm>> -> memref<104xi32, #tpu.memory_space<hbm>>
    %dma_wait3A_55 = tpu.memref_slice %arg3[%add3A_53] : memref<320000xi32, #tpu.memory_space<hbm>> -> memref<104xi32, #tpu.memory_space<hbm>>
    tpu.wait_dma2 semaphore(%arg22 : memref<!tpu.dma_semaphore, #tpu.memory_space<semaphore_mem>>) src(%dma_wait3A_55 : memref<104xi32, #tpu.memory_space<hbm>>) dst(%arg7 : memref<104xi32, #tpu.memory_space<vmem>>)
    %dma_start3A_56 = arith.constant 0 : i32
    %dma_start3A_57 = arith.constant 0 : i32
    %dma_start3A_58 = tpu.memref_slice %arg2[%dma_start3A_56, %dma_start3A_57] : memref<10000x128xf32, #tpu.memory_space<hbm>> -> memref<10000x128xf32, #tpu.memory_space<hbm>>
    tpu.enqueue_indirect_dma source(%dma_start3A_58 : memref<10000x128xf32, #tpu.memory_space<hbm>>) target(%arg15 : memref<104x128xf32, #tpu.memory_space<vmem>>) offsets(%arg7 : memref<104xi32, #tpu.memory_space<vmem>>) semaphore(%arg19 : memref<!tpu.dma_semaphore, #tpu.memory_space<semaphore_mem>>)
    %add3A_59 = arith.constant 208 : i32
    %add3A_60 = arith.addi %mul3A_22, %add3A_59 : i32
    %dma_wait3A_61 = tpu.memref_slice %arg3[%add3A_60] : memref<320000xi32, #tpu.memory_space<hbm>> -> memref<104xi32, #tpu.memory_space<hbm>>
    %dma_wait3A_62 = tpu.memref_slice %arg3[%add3A_60] : memref<320000xi32, #tpu.memory_space<hbm>> -> memref<104xi32, #tpu.memory_space<hbm>>
    tpu.wait_dma2 semaphore(%arg23 : memref<!tpu.dma_semaphore, #tpu.memory_space<semaphore_mem>>) src(%dma_wait3A_62 : memref<104xi32, #tpu.memory_space<hbm>>) dst(%arg8 : memref<104xi32, #tpu.memory_space<vmem>>)
    %dma_start3A_63 = arith.constant 0 : i32
    %dma_start3A_64 = arith.constant 0 : i32
    %dma_start3A_65 = tpu.memref_slice %arg2[%dma_start3A_63, %dma_start3A_64] : memref<10000x128xf32, #tpu.memory_space<hbm>> -> memref<10000x128xf32, #tpu.memory_space<hbm>>
    tpu.enqueue_indirect_dma source(%dma_start3A_65 : memref<10000x128xf32, #tpu.memory_space<hbm>>) target(%arg16 : memref<104x128xf32, #tpu.memory_space<vmem>>) offsets(%arg8 : memref<104xi32, #tpu.memory_space<vmem>>) semaphore(%arg20 : memref<!tpu.dma_semaphore, #tpu.memory_space<semaphore_mem>>)
    %scan3A_66 = arith.constant 0 : i32
    %scan3A_67 = arith.constant 32 : i32
    %scan3A_68 = arith.addi %scan3A_66, %scan3A_67 : i32
    %scan3A_69 = arith.constant 1 : i32
    scf.for %scan3A_76 = %scan3A_66 to %scan3A_68 step %scan3A_69  : i32 {
      %mul3A_77 = arith.constant 1 : i32
      %mul3A_78 = arith.muli %scan3A_76, %mul3A_77 : i32
      %add3A_79 = arith.constant 0 : i32
      %add3A_80 = arith.addi %add3A_79, %mul3A_78 : i32
      %mul3A_81 = arith.constant 3 : i32
      %mul3A_82 = arith.muli %add3A_80, %mul3A_81 : i32
      %lt3A = arith.constant 31 : i32
      %lt3A_83 = arith.cmpi slt, %add3A_80, %lt3A : i32
      %add3A_84 = arith.constant 0 : i32
      %add3A_85 = arith.addi %mul3A_82, %add3A_84 : i32
      %dma_wait3A_86 = arith.constant 0 : i32
      %dma_wait3A_87 = arith.constant 0 : i32
      %dma_wait3A_88 = tpu.memref_slice %arg2[%dma_wait3A_86, %dma_wait3A_87] : memref<10000x128xf32, #tpu.memory_space<hbm>> -> memref<10000x128xf32, #tpu.memory_space<hbm>>
      tpu.wait_indirect_dma semaphore(%arg18 : memref<!tpu.dma_semaphore, #tpu.memory_space<semaphore_mem>>) src(%dma_wait3A_88 : memref<10000x128xf32, #tpu.memory_space<hbm>>) dst(%arg14 : memref<104x128xf32, #tpu.memory_space<vmem>>)
      %convert_element_type3A = arith.extui %lt3A_83 : i1 to i32
      %cond3A = arith.constant 0 : i32
      %cond3A_89 = arith.cmpi ne, %convert_element_type3A, %cond3A : i32
      scf.if %cond3A_89 {
        %add3A_130 = arith.constant 3 : i32
        %add3A_131 = arith.addi %add3A_85, %add3A_130 : i32
        %mul3A_132 = arith.constant 104 : i32
        %mul3A_133 = arith.muli %add3A_131, %mul3A_132 : i32
        %add3A_134 = arith.addi %mul3A_22, %mul3A_133 : i32
        %dma_start3A_135 = tpu.memref_slice %arg3[%add3A_134] : memref<320000xi32, #tpu.memory_space<hbm>> -> memref<104xi32, #tpu.memory_space<hbm>>
        %dma_start3A_136 = tpu.memref_slice %arg3[%add3A_134] : memref<320000xi32, #tpu.memory_space<hbm>> -> memref<104xi32, #tpu.memory_space<hbm>>
        tpu.enqueue_dma source(%dma_start3A_136 : memref<104xi32, #tpu.memory_space<hbm>>) target(%arg6 : memref<104xi32, #tpu.memory_space<vmem>>) target_semaphore(%arg21 : memref<!tpu.dma_semaphore, #tpu.memory_space<semaphore_mem>>)
      } else {
      }
      %mul3A_90 = arith.constant 104 : i32
      %mul3A_91 = arith.muli %add3A_85, %mul3A_90 : i32
      %add3A_92 = arith.addi %mul3A_22, %mul3A_91 : i32
      %dma_wait3A_93 = tpu.memref_slice %arg4[%add3A_92] : memref<320000xi32, #tpu.memory_space<hbm>> -> memref<104xi32, #tpu.memory_space<hbm>>
      %dma_wait3A_94 = tpu.memref_slice %arg4[%add3A_92] : memref<320000xi32, #tpu.memory_space<hbm>> -> memref<104xi32, #tpu.memory_space<hbm>>
      tpu.wait_dma2 semaphore(%arg24 : memref<!tpu.dma_semaphore, #tpu.memory_space<semaphore_mem>>) src(%dma_wait3A_94 : memref<104xi32, #tpu.memory_space<hbm>>) dst(%arg9 : memref<104xi32, #tpu.memory_space<vmem>>)
      "tpu.region"() ({
        %run_scoped3A = tpu.sem_alloc : memref<!tpu.dma_semaphore, #tpu.memory_space<semaphore_mem>>
        %dma_start3A_130 = arith.constant 0 : i32
        %dma_start3A_131 = arith.constant 0 : i32
        %dma_start3A_132 = tpu.memref_slice %arg17[%dma_start3A_130, %dma_start3A_131] : memref<10112x128xf32, #tpu.memory_space<vmem_shared>> -> memref<10112x128xf32, #tpu.memory_space<vmem_shared>>
        tpu.enqueue_indirect_dma source(%arg14 : memref<104x128xf32, #tpu.memory_space<vmem>>) target(%dma_start3A_132 : memref<10112x128xf32, #tpu.memory_space<vmem_shared>>) offsets(%arg9 : memref<104xi32, #tpu.memory_space<vmem>>) semaphore(%run_scoped3A : memref<!tpu.dma_semaphore, #tpu.memory_space<semaphore_mem>>) {add = true}
        %dma_wait3A_133 = arith.constant 0 : i32
        %dma_wait3A_134 = arith.constant 0 : i32
        %dma_wait3A_135 = tpu.memref_slice %arg17[%dma_wait3A_133, %dma_wait3A_134] : memref<10112x128xf32, #tpu.memory_space<vmem_shared>> -> memref<10112x128xf32, #tpu.memory_space<vmem_shared>>
        tpu.wait_indirect_dma semaphore(%run_scoped3A : memref<!tpu.dma_semaphore, #tpu.memory_space<semaphore_mem>>) src(%arg14 : memref<104x128xf32, #tpu.memory_space<vmem>>) dst(%dma_wait3A_135 : memref<10112x128xf32, #tpu.memory_space<vmem_shared>>)
        tpu.yield
      }) : () -> ()
      %convert_element_type3A_95 = arith.extui %lt3A_83 : i1 to i32
      %cond3A_96 = arith.constant 0 : i32
      %cond3A_97 = arith.cmpi ne, %convert_element_type3A_95, %cond3A_96 : i32
      scf.if %cond3A_97 {
        %add3A_130 = arith.constant 3 : i32
        %add3A_131 = arith.addi %add3A_85, %add3A_130 : i32
        %mul3A_132 = arith.constant 104 : i32
        %mul3A_133 = arith.muli %add3A_131, %mul3A_132 : i32
        %add3A_134 = arith.addi %mul3A_22, %mul3A_133 : i32
        %dma_start3A_135 = tpu.memref_slice %arg4[%add3A_134] : memref<320000xi32, #tpu.memory_space<hbm>> -> memref<104xi32, #tpu.memory_space<hbm>>
        %dma_start3A_136 = tpu.memref_slice %arg4[%add3A_134] : memref<320000xi32, #tpu.memory_space<hbm>> -> memref<104xi32, #tpu.memory_space<hbm>>
        tpu.enqueue_dma source(%dma_start3A_136 : memref<104xi32, #tpu.memory_space<hbm>>) target(%arg9 : memref<104xi32, #tpu.memory_space<vmem>>) target_semaphore(%arg24 : memref<!tpu.dma_semaphore, #tpu.memory_space<semaphore_mem>>)
        %add3A_137 = arith.constant 3 : i32
        %add3A_138 = arith.addi %add3A_85, %add3A_137 : i32
        %mul3A_139 = arith.constant 104 : i32
        %mul3A_140 = arith.muli %add3A_138, %mul3A_139 : i32
        %add3A_141 = arith.addi %mul3A_22, %mul3A_140 : i32
        %dma_wait3A_142 = tpu.memref_slice %arg3[%add3A_141] : memref<320000xi32, #tpu.memory_space<hbm>> -> memref<104xi32, #tpu.memory_space<hbm>>
        %dma_wait3A_143 = tpu.memref_slice %arg3[%add3A_141] : memref<320000xi32, #tpu.memory_space<hbm>> -> memref<104xi32, #tpu.memory_space<hbm>>
        tpu.wait_dma2 semaphore(%arg21 : memref<!tpu.dma_semaphore, #tpu.memory_space<semaphore_mem>>) src(%dma_wait3A_143 : memref<104xi32, #tpu.memory_space<hbm>>) dst(%arg6 : memref<104xi32, #tpu.memory_space<vmem>>)
        %dma_start3A_144 = arith.constant 0 : i32
        %dma_start3A_145 = arith.constant 0 : i32
        %dma_start3A_146 = tpu.memref_slice %arg2[%dma_start3A_144, %dma_start3A_145] : memref<10000x128xf32, #tpu.memory_space<hbm>> -> memref<10000x128xf32, #tpu.memory_space<hbm>>
        tpu.enqueue_indirect_dma source(%dma_start3A_146 : memref<10000x128xf32, #tpu.memory_space<hbm>>) target(%arg14 : memref<104x128xf32, #tpu.memory_space<vmem>>) offsets(%arg6 : memref<104xi32, #tpu.memory_space<vmem>>) semaphore(%arg18 : memref<!tpu.dma_semaphore, #tpu.memory_space<semaphore_mem>>)
      } else {
      }
      %add3A_98 = arith.constant 1 : i32
      %add3A_99 = arith.addi %mul3A_82, %add3A_98 : i32
      %dma_wait3A_100 = arith.constant 0 : i32
      %dma_wait3A_101 = arith.constant 0 : i32
      %dma_wait3A_102 = tpu.memref_slice %arg2[%dma_wait3A_100, %dma_wait3A_101] : memref<10000x128xf32, #tpu.memory_space<hbm>> -> memref<10000x128xf32, #tpu.memory_space<hbm>>
      tpu.wait_indirect_dma semaphore(%arg19 : memref<!tpu.dma_semaphore, #tpu.memory_space<semaphore_mem>>) src(%dma_wait3A_102 : memref<10000x128xf32, #tpu.memory_space<hbm>>) dst(%arg15 : memref<104x128xf32, #tpu.memory_space<vmem>>)
      %convert_element_type3A_103 = arith.extui %lt3A_83 : i1 to i32
      %cond3A_104 = arith.constant 0 : i32
      %cond3A_105 = arith.cmpi ne, %convert_element_type3A_103, %cond3A_104 : i32
      scf.if %cond3A_105 {
        %add3A_130 = arith.constant 3 : i32
        %add3A_131 = arith.addi %add3A_99, %add3A_130 : i32
        %mul3A_132 = arith.constant 104 : i32
        %mul3A_133 = arith.muli %add3A_131, %mul3A_132 : i32
        %add3A_134 = arith.addi %mul3A_22, %mul3A_133 : i32
        %dma_start3A_135 = tpu.memref_slice %arg3[%add3A_134] : memref<320000xi32, #tpu.memory_space<hbm>> -> memref<104xi32, #tpu.memory_space<hbm>>
        %dma_start3A_136 = tpu.memref_slice %arg3[%add3A_134] : memref<320000xi32, #tpu.memory_space<hbm>> -> memref<104xi32, #tpu.memory_space<hbm>>
        tpu.enqueue_dma source(%dma_start3A_136 : memref<104xi32, #tpu.memory_space<hbm>>) target(%arg7 : memref<104xi32, #tpu.memory_space<vmem>>) target_semaphore(%arg22 : memref<!tpu.dma_semaphore, #tpu.memory_space<semaphore_mem>>)
      } else {
      }
      %mul3A_106 = arith.constant 104 : i32
      %mul3A_107 = arith.muli %add3A_99, %mul3A_106 : i32
      %add3A_108 = arith.addi %mul3A_22, %mul3A_107 : i32
      %dma_wait3A_109 = tpu.memref_slice %arg4[%add3A_108] : memref<320000xi32, #tpu.memory_space<hbm>> -> memref<104xi32, #tpu.memory_space<hbm>>
      %dma_wait3A_110 = tpu.memref_slice %arg4[%add3A_108] : memref<320000xi32, #tpu.memory_space<hbm>> -> memref<104xi32, #tpu.memory_space<hbm>>
      tpu.wait_dma2 semaphore(%arg25 : memref<!tpu.dma_semaphore, #tpu.memory_space<semaphore_mem>>) src(%dma_wait3A_110 : memref<104xi32, #tpu.memory_space<hbm>>) dst(%arg10 : memref<104xi32, #tpu.memory_space<vmem>>)
      "tpu.region"() ({
        %run_scoped3A = tpu.sem_alloc : memref<!tpu.dma_semaphore, #tpu.memory_space<semaphore_mem>>
        %dma_start3A_130 = arith.constant 0 : i32
        %dma_start3A_131 = arith.constant 0 : i32
        %dma_start3A_132 = tpu.memref_slice %arg17[%dma_start3A_130, %dma_start3A_131] : memref<10112x128xf32, #tpu.memory_space<vmem_shared>> -> memref<10112x128xf32, #tpu.memory_space<vmem_shared>>
        tpu.enqueue_indirect_dma source(%arg15 : memref<104x128xf32, #tpu.memory_space<vmem>>) target(%dma_start3A_132 : memref<10112x128xf32, #tpu.memory_space<vmem_shared>>) offsets(%arg10 : memref<104xi32, #tpu.memory_space<vmem>>) semaphore(%run_scoped3A : memref<!tpu.dma_semaphore, #tpu.memory_space<semaphore_mem>>) {add = true}
        %dma_wait3A_133 = arith.constant 0 : i32
        %dma_wait3A_134 = arith.constant 0 : i32
        %dma_wait3A_135 = tpu.memref_slice %arg17[%dma_wait3A_133, %dma_wait3A_134] : memref<10112x128xf32, #tpu.memory_space<vmem_shared>> -> memref<10112x128xf32, #tpu.memory_space<vmem_shared>>
        tpu.wait_indirect_dma semaphore(%run_scoped3A : memref<!tpu.dma_semaphore, #tpu.memory_space<semaphore_mem>>) src(%arg15 : memref<104x128xf32, #tpu.memory_space<vmem>>) dst(%dma_wait3A_135 : memref<10112x128xf32, #tpu.memory_space<vmem_shared>>)
        tpu.yield
      }) : () -> ()
      %convert_element_type3A_111 = arith.extui %lt3A_83 : i1 to i32
      %cond3A_112 = arith.constant 0 : i32
      %cond3A_113 = arith.cmpi ne, %convert_element_type3A_111, %cond3A_112 : i32
      scf.if %cond3A_113 {
        %add3A_130 = arith.constant 3 : i32
        %add3A_131 = arith.addi %add3A_99, %add3A_130 : i32
        %mul3A_132 = arith.constant 104 : i32
        %mul3A_133 = arith.muli %add3A_131, %mul3A_132 : i32
        %add3A_134 = arith.addi %mul3A_22, %mul3A_133 : i32
        %dma_start3A_135 = tpu.memref_slice %arg4[%add3A_134] : memref<320000xi32, #tpu.memory_space<hbm>> -> memref<104xi32, #tpu.memory_space<hbm>>
        %dma_start3A_136 = tpu.memref_slice %arg4[%add3A_134] : memref<320000xi32, #tpu.memory_space<hbm>> -> memref<104xi32, #tpu.memory_space<hbm>>
        tpu.enqueue_dma source(%dma_start3A_136 : memref<104xi32, #tpu.memory_space<hbm>>) target(%arg10 : memref<104xi32, #tpu.memory_space<vmem>>) target_semaphore(%arg25 : memref<!tpu.dma_semaphore, #tpu.memory_space<semaphore_mem>>)
        %add3A_137 = arith.constant 3 : i32
        %add3A_138 = arith.addi %add3A_99, %add3A_137 : i32
        %mul3A_139 = arith.constant 104 : i32
        %mul3A_140 = arith.muli %add3A_138, %mul3A_139 : i32
        %add3A_141 = arith.addi %mul3A_22, %mul3A_140 : i32
        %dma_wait3A_142 = tpu.memref_slice %arg3[%add3A_141] : memref<320000xi32, #tpu.memory_space<hbm>> -> memref<104xi32, #tpu.memory_space<hbm>>
        %dma_wait3A_143 = tpu.memref_slice %arg3[%add3A_141] : memref<320000xi32, #tpu.memory_space<hbm>> -> memref<104xi32, #tpu.memory_space<hbm>>
        tpu.wait_dma2 semaphore(%arg22 : memref<!tpu.dma_semaphore, #tpu.memory_space<semaphore_mem>>) src(%dma_wait3A_143 : memref<104xi32, #tpu.memory_space<hbm>>) dst(%arg7 : memref<104xi32, #tpu.memory_space<vmem>>)
        %dma_start3A_144 = arith.constant 0 : i32
        %dma_start3A_145 = arith.constant 0 : i32
        %dma_start3A_146 = tpu.memref_slice %arg2[%dma_start3A_144, %dma_start3A_145] : memref<10000x128xf32, #tpu.memory_space<hbm>> -> memref<10000x128xf32, #tpu.memory_space<hbm>>
        tpu.enqueue_indirect_dma source(%dma_start3A_146 : memref<10000x128xf32, #tpu.memory_space<hbm>>) target(%arg15 : memref<104x128xf32, #tpu.memory_space<vmem>>) offsets(%arg7 : memref<104xi32, #tpu.memory_space<vmem>>) semaphore(%arg19 : memref<!tpu.dma_semaphore, #tpu.memory_space<semaphore_mem>>)
      } else {
      }
      %add3A_114 = arith.constant 2 : i32
      %add3A_115 = arith.addi %mul3A_82, %add3A_114 : i32
      %dma_wait3A_116 = arith.constant 0 : i32
      %dma_wait3A_117 = arith.constant 0 : i32
      %dma_wait3A_118 = tpu.memref_slice %arg2[%dma_wait3A_116, %dma_wait3A_117] : memref<10000x128xf32, #tpu.memory_space<hbm>> -> memref<10000x128xf32, #tpu.memory_space<hbm>>
      tpu.wait_indirect_dma semaphore(%arg20 : memref<!tpu.dma_semaphore, #tpu.memory_space<semaphore_mem>>) src(%dma_wait3A_118 : memref<10000x128xf32, #tpu.memory_space<hbm>>) dst(%arg16 : memref<104x128xf32, #tpu.memory_space<vmem>>)
      %convert_element_type3A_119 = arith.extui %lt3A_83 : i1 to i32
      %cond3A_120 = arith.constant 0 : i32
      %cond3A_121 = arith.cmpi ne, %convert_element_type3A_119, %cond3A_120 : i32
      scf.if %cond3A_121 {
        %add3A_130 = arith.constant 3 : i32
        %add3A_131 = arith.addi %add3A_115, %add3A_130 : i32
        %mul3A_132 = arith.constant 104 : i32
        %mul3A_133 = arith.muli %add3A_131, %mul3A_132 : i32
        %add3A_134 = arith.addi %mul3A_22, %mul3A_133 : i32
        %dma_start3A_135 = tpu.memref_slice %arg3[%add3A_134] : memref<320000xi32, #tpu.memory_space<hbm>> -> memref<104xi32, #tpu.memory_space<hbm>>
        %dma_start3A_136 = tpu.memref_slice %arg3[%add3A_134] : memref<320000xi32, #tpu.memory_space<hbm>> -> memref<104xi32, #tpu.memory_space<hbm>>
        tpu.enqueue_dma source(%dma_start3A_136 : memref<104xi32, #tpu.memory_space<hbm>>) target(%arg8 : memref<104xi32, #tpu.memory_space<vmem>>) target_semaphore(%arg23 : memref<!tpu.dma_semaphore, #tpu.memory_space<semaphore_mem>>)
      } else {
      }
      %mul3A_122 = arith.constant 104 : i32
      %mul3A_123 = arith.muli %add3A_115, %mul3A_122 : i32
      %add3A_124 = arith.addi %mul3A_22, %mul3A_123 : i32
      %dma_wait3A_125 = tpu.memref_slice %arg4[%add3A_124] : memref<320000xi32, #tpu.memory_space<hbm>> -> memref<104xi32, #tpu.memory_space<hbm>>
      %dma_wait3A_126 = tpu.memref_slice %arg4[%add3A_124] : memref<320000xi32, #tpu.memory_space<hbm>> -> memref<104xi32, #tpu.memory_space<hbm>>
      tpu.wait_dma2 semaphore(%arg26 : memref<!tpu.dma_semaphore, #tpu.memory_space<semaphore_mem>>) src(%dma_wait3A_126 : memref<104xi32, #tpu.memory_space<hbm>>) dst(%arg11 : memref<104xi32, #tpu.memory_space<vmem>>)
      "tpu.region"() ({
        %run_scoped3A = tpu.sem_alloc : memref<!tpu.dma_semaphore, #tpu.memory_space<semaphore_mem>>
        %dma_start3A_130 = arith.constant 0 : i32
        %dma_start3A_131 = arith.constant 0 : i32
        %dma_start3A_132 = tpu.memref_slice %arg17[%dma_start3A_130, %dma_start3A_131] : memref<10112x128xf32, #tpu.memory_space<vmem_shared>> -> memref<10112x128xf32, #tpu.memory_space<vmem_shared>>
        tpu.enqueue_indirect_dma source(%arg16 : memref<104x128xf32, #tpu.memory_space<vmem>>) target(%dma_start3A_132 : memref<10112x128xf32, #tpu.memory_space<vmem_shared>>) offsets(%arg11 : memref<104xi32, #tpu.memory_space<vmem>>) semaphore(%run_scoped3A : memref<!tpu.dma_semaphore, #tpu.memory_space<semaphore_mem>>) {add = true}
        %dma_wait3A_133 = arith.constant 0 : i32
        %dma_wait3A_134 = arith.constant 0 : i32
        %dma_wait3A_135 = tpu.memref_slice %arg17[%dma_wait3A_133, %dma_wait3A_134] : memref<10112x128xf32, #tpu.memory_space<vmem_shared>> -> memref<10112x128xf32, #tpu.memory_space<vmem_shared>>
        tpu.wait_indirect_dma semaphore(%run_scoped3A : memref<!tpu.dma_semaphore, #tpu.memory_space<semaphore_mem>>) src(%arg16 : memref<104x128xf32, #tpu.memory_space<vmem>>) dst(%dma_wait3A_135 : memref<10112x128xf32, #tpu.memory_space<vmem_shared>>)
        tpu.yield
      }) : () -> ()
      %convert_element_type3A_127 = arith.extui %lt3A_83 : i1 to i32
      %cond3A_128 = arith.constant 0 : i32
      %cond3A_129 = arith.cmpi ne, %convert_element_type3A_127, %cond3A_128 : i32
      scf.if %cond3A_129 {
        %add3A_130 = arith.constant 3 : i32
        %add3A_131 = arith.addi %add3A_115, %add3A_130 : i32
        %mul3A_132 = arith.constant 104 : i32
        %mul3A_133 = arith.muli %add3A_131, %mul3A_132 : i32
        %add3A_134 = arith.addi %mul3A_22, %mul3A_133 : i32
        %dma_start3A_135 = tpu.memref_slice %arg4[%add3A_134] : memref<320000xi32, #tpu.memory_space<hbm>> -> memref<104xi32, #tpu.memory_space<hbm>>
        %dma_start3A_136 = tpu.memref_slice %arg4[%add3A_134] : memref<320000xi32, #tpu.memory_space<hbm>> -> memref<104xi32, #tpu.memory_space<hbm>>
        tpu.enqueue_dma source(%dma_start3A_136 : memref<104xi32, #tpu.memory_space<hbm>>) target(%arg11 : memref<104xi32, #tpu.memory_space<vmem>>) target_semaphore(%arg26 : memref<!tpu.dma_semaphore, #tpu.memory_space<semaphore_mem>>)
        %add3A_137 = arith.constant 3 : i32
        %add3A_138 = arith.addi %add3A_115, %add3A_137 : i32
        %mul3A_139 = arith.constant 104 : i32
        %mul3A_140 = arith.muli %add3A_138, %mul3A_139 : i32
        %add3A_141 = arith.addi %mul3A_22, %mul3A_140 : i32
        %dma_wait3A_142 = tpu.memref_slice %arg3[%add3A_141] : memref<320000xi32, #tpu.memory_space<hbm>> -> memref<104xi32, #tpu.memory_space<hbm>>
        %dma_wait3A_143 = tpu.memref_slice %arg3[%add3A_141] : memref<320000xi32, #tpu.memory_space<hbm>> -> memref<104xi32, #tpu.memory_space<hbm>>
        tpu.wait_dma2 semaphore(%arg23 : memref<!tpu.dma_semaphore, #tpu.memory_space<semaphore_mem>>) src(%dma_wait3A_143 : memref<104xi32, #tpu.memory_space<hbm>>) dst(%arg8 : memref<104xi32, #tpu.memory_space<vmem>>)
        %dma_start3A_144 = arith.constant 0 : i32
        %dma_start3A_145 = arith.constant 0 : i32
        %dma_start3A_146 = tpu.memref_slice %arg2[%dma_start3A_144, %dma_start3A_145] : memref<10000x128xf32, #tpu.memory_space<hbm>> -> memref<10000x128xf32, #tpu.memory_space<hbm>>
        tpu.enqueue_indirect_dma source(%dma_start3A_146 : memref<10000x128xf32, #tpu.memory_space<hbm>>) target(%arg16 : memref<104x128xf32, #tpu.memory_space<vmem>>) offsets(%arg8 : memref<104xi32, #tpu.memory_space<vmem>>) semaphore(%arg20 : memref<!tpu.dma_semaphore, #tpu.memory_space<semaphore_mem>>)
      } else {
      }
    }
    %scan3A_70 = arith.constant 32 : i32
    %add3A_71 = arith.constant 9984 : i32
    %add3A_72 = arith.addi %mul3A_22, %add3A_71 : i32
    "tpu.region"() ({
      %run_scoped3A = tpu.sem_alloc : memref<!tpu.dma_semaphore, #tpu.memory_space<semaphore_mem>>
      %dma_start3A_76 = tpu.memref_slice %arg3[%add3A_72] : memref<320000xi32, #tpu.memory_space<hbm>> -> memref<16xi32, #tpu.memory_space<hbm>>
      %dma_start3A_77 = tpu.memref_slice %arg3[%add3A_72] : memref<320000xi32, #tpu.memory_space<hbm>> -> memref<16xi32, #tpu.memory_space<hbm>>
      tpu.enqueue_dma source(%dma_start3A_77 : memref<16xi32, #tpu.memory_space<hbm>>) target(%arg12 : memref<16xi32, #tpu.memory_space<vmem>>) target_semaphore(%run_scoped3A : memref<!tpu.dma_semaphore, #tpu.memory_space<semaphore_mem>>)
      %dma_wait3A_78 = tpu.memref_slice %arg3[%add3A_72] : memref<320000xi32, #tpu.memory_space<hbm>> -> memref<16xi32, #tpu.memory_space<hbm>>
      %dma_wait3A_79 = tpu.memref_slice %arg3[%add3A_72] : memref<320000xi32, #tpu.memory_space<hbm>> -> memref<16xi32, #tpu.memory_space<hbm>>
      tpu.wait_dma2 semaphore(%run_scoped3A : memref<!tpu.dma_semaphore, #tpu.memory_space<semaphore_mem>>) src(%dma_wait3A_79 : memref<16xi32, #tpu.memory_space<hbm>>) dst(%arg12 : memref<16xi32, #tpu.memory_space<vmem>>)
      tpu.yield
    }) : () -> ()
    %add3A_73 = arith.constant 9984 : i32
    %add3A_74 = arith.addi %mul3A_22, %add3A_73 : i32
    "tpu.region"() ({
      %run_scoped3A = tpu.sem_alloc : memref<!tpu.dma_semaphore, #tpu.memory_space<semaphore_mem>>
      %dma_start3A_76 = tpu.memref_slice %arg4[%add3A_74] : memref<320000xi32, #tpu.memory_space<hbm>> -> memref<16xi32, #tpu.memory_space<hbm>>
      %dma_start3A_77 = tpu.memref_slice %arg4[%add3A_74] : memref<320000xi32, #tpu.memory_space<hbm>> -> memref<16xi32, #tpu.memory_space<hbm>>
      tpu.enqueue_dma source(%dma_start3A_77 : memref<16xi32, #tpu.memory_space<hbm>>) target(%arg13 : memref<16xi32, #tpu.memory_space<vmem>>) target_semaphore(%run_scoped3A : memref<!tpu.dma_semaphore, #tpu.memory_space<semaphore_mem>>)
      %dma_wait3A_78 = tpu.memref_slice %arg4[%add3A_74] : memref<320000xi32, #tpu.memory_space<hbm>> -> memref<16xi32, #tpu.memory_space<hbm>>
      %dma_wait3A_79 = tpu.memref_slice %arg4[%add3A_74] : memref<320000xi32, #tpu.memory_space<hbm>> -> memref<16xi32, #tpu.memory_space<hbm>>
      tpu.wait_dma2 semaphore(%run_scoped3A : memref<!tpu.dma_semaphore, #tpu.memory_space<semaphore_mem>>) src(%dma_wait3A_79 : memref<16xi32, #tpu.memory_space<hbm>>) dst(%arg13 : memref<16xi32, #tpu.memory_space<vmem>>)
      tpu.yield
    }) : () -> ()
    "tpu.region"() ({
      %run_scoped3A = tpu.sem_alloc : memref<!tpu.dma_semaphore, #tpu.memory_space<semaphore_mem>>
      %dma_start3A_76 = arith.constant 0 : i32
      %dma_start3A_77 = arith.constant 0 : i32
      %dma_start3A_78 = tpu.memref_slice %arg14[%dma_start3A_76, %dma_start3A_77] : memref<104x128xf32, #tpu.memory_space<vmem>> -> memref<16x128xf32, #tpu.memory_space<vmem>>
      %dma_start3A_79 = arith.constant 0 : i32
      %dma_start3A_80 = arith.constant 0 : i32
      %dma_start3A_81 = tpu.memref_slice %arg2[%dma_start3A_79, %dma_start3A_80] : memref<10000x128xf32, #tpu.memory_space<hbm>> -> memref<10000x128xf32, #tpu.memory_space<hbm>>
      tpu.enqueue_indirect_dma source(%dma_start3A_81 : memref<10000x128xf32, #tpu.memory_space<hbm>>) target(%dma_start3A_78 : memref<16x128xf32, #tpu.memory_space<vmem>>) offsets(%arg12 : memref<16xi32, #tpu.memory_space<vmem>>) semaphore(%run_scoped3A : memref<!tpu.dma_semaphore, #tpu.memory_space<semaphore_mem>>)
      %dma_wait3A_82 = arith.constant 0 : i32
      %dma_wait3A_83 = arith.constant 0 : i32
      %dma_wait3A_84 = tpu.memref_slice %arg14[%dma_wait3A_82, %dma_wait3A_83] : memref<104x128xf32, #tpu.memory_space<vmem>> -> memref<16x128xf32, #tpu.memory_space<vmem>>
      %dma_wait3A_85 = arith.constant 0 : i32
      %dma_wait3A_86 = arith.constant 0 : i32
      %dma_wait3A_87 = tpu.memref_slice %arg2[%dma_wait3A_85, %dma_wait3A_86] : memref<10000x128xf32, #tpu.memory_space<hbm>> -> memref<10000x128xf32, #tpu.memory_space<hbm>>
      tpu.wait_indirect_dma semaphore(%run_scoped3A : memref<!tpu.dma_semaphore, #tpu.memory_space<semaphore_mem>>) src(%dma_wait3A_87 : memref<10000x128xf32, #tpu.memory_space<hbm>>) dst(%dma_wait3A_84 : memref<16x128xf32, #tpu.memory_space<vmem>>)
      tpu.yield
    }) : () -> ()
    "tpu.region"() ({
      %run_scoped3A = tpu.sem_alloc : memref<!tpu.dma_semaphore, #tpu.memory_space<semaphore_mem>>
      %dma_start3A_76 = arith.constant 0 : i32
      %dma_start3A_77 = arith.constant 0 : i32
      %dma_start3A_78 = tpu.memref_slice %arg14[%dma_start3A_76, %dma_start3A_77] : memref<104x128xf32, #tpu.memory_space<vmem>> -> memref<16x128xf32, #tpu.memory_space<vmem>>
      %dma_start3A_79 = arith.constant 0 : i32
      %dma_start3A_80 = arith.constant 0 : i32
      %dma_start3A_81 = tpu.memref_slice %arg17[%dma_start3A_79, %dma_start3A_80] : memref<10112x128xf32, #tpu.memory_space<vmem_shared>> -> memref<10112x128xf32, #tpu.memory_space<vmem_shared>>
      tpu.enqueue_indirect_dma source(%dma_start3A_78 : memref<16x128xf32, #tpu.memory_space<vmem>>) target(%dma_start3A_81 : memref<10112x128xf32, #tpu.memory_space<vmem_shared>>) offsets(%arg13 : memref<16xi32, #tpu.memory_space<vmem>>) semaphore(%run_scoped3A : memref<!tpu.dma_semaphore, #tpu.memory_space<semaphore_mem>>) {add = true}
      %dma_wait3A_82 = arith.constant 0 : i32
      %dma_wait3A_83 = arith.constant 0 : i32
      %dma_wait3A_84 = tpu.memref_slice %arg14[%dma_wait3A_82, %dma_wait3A_83] : memref<104x128xf32, #tpu.memory_space<vmem>> -> memref<16x128xf32, #tpu.memory_space<vmem>>
      %dma_wait3A_85 = arith.constant 0 : i32
      %dma_wait3A_86 = arith.constant 0 : i32
      %dma_wait3A_87 = tpu.memref_slice %arg17[%dma_wait3A_85, %dma_wait3A_86] : memref<10112x128xf32, #tpu.memory_space<vmem_shared>> -> memref<10112x128xf32, #tpu.memory_space<vmem_shared>>
      tpu.wait_indirect_dma semaphore(%run_scoped3A : memref<!tpu.dma_semaphore, #tpu.memory_space<semaphore_mem>>) src(%dma_wait3A_84 : memref<16x128xf32, #tpu.memory_space<vmem>>) dst(%dma_wait3A_87 : memref<10112x128xf32, #tpu.memory_space<vmem_shared>>)
      tpu.yield
    }) : () -> ()
    %barrier3A_75 = arith.constant 0 : index
    tpu.barrier barrier_id(%barrier3A_75)
    "tpu.region"() ({
      %run_scoped3A = tpu.sem_alloc : memref<!tpu.dma_semaphore, #tpu.memory_space<semaphore_mem>>
      %dma_start3A_76 = arith.constant 0 : i32
      %dma_start3A_77 = tpu.memref_slice %arg5[%arg0, %mul3A_6, %dma_start3A_76] : memref<2x10112x128xf32, #tpu.memory_space<hbm>> -> memref<1x632x128xf32, #tpu.memory_space<hbm>>
      %dma_start3A_78 = tpu.memref_squeeze %dma_start3A_77 : memref<1x632x128xf32, #tpu.memory_space<hbm>> -> memref<632x128xf32, #tpu.memory_space<hbm>>
      %dma_start3A_79 = arith.constant 0 : i32
      %dma_start3A_80 = tpu.memref_slice %arg17[%mul3A_6, %dma_start3A_79] : memref<10112x128xf32, #tpu.memory_space<vmem_shared>> -> memref<632x128xf32, #tpu.memory_space<vmem_shared>>
      tpu.enqueue_dma source(%dma_start3A_80 : memref<632x128xf32, #tpu.memory_space<vmem_shared>>) target(%dma_start3A_78 : memref<632x128xf32, #tpu.memory_space<hbm>>) target_semaphore(%run_scoped3A : memref<!tpu.dma_semaphore, #tpu.memory_space<semaphore_mem>>)
      %dma_wait3A_81 = arith.constant 0 : i32
      %dma_wait3A_82 = tpu.memref_slice %arg5[%arg0, %mul3A_6, %dma_wait3A_81] : memref<2x10112x128xf32, #tpu.memory_space<hbm>> -> memref<1x632x128xf32, #tpu.memory_space<hbm>>
      %dma_wait3A_83 = tpu.memref_squeeze %dma_wait3A_82 : memref<1x632x128xf32, #tpu.memory_space<hbm>> -> memref<632x128xf32, #tpu.memory_space<hbm>>
      %dma_wait3A_84 = arith.constant 0 : i32
      %dma_wait3A_85 = tpu.memref_slice %arg17[%mul3A_6, %dma_wait3A_84] : memref<10112x128xf32, #tpu.memory_space<vmem_shared>> -> memref<632x128xf32, #tpu.memory_space<vmem_shared>>
      tpu.wait_dma2 semaphore(%run_scoped3A : memref<!tpu.dma_semaphore, #tpu.memory_space<semaphore_mem>>) src(%dma_wait3A_85 : memref<632x128xf32, #tpu.memory_space<vmem_shared>>) dst(%dma_wait3A_83 : memref<632x128xf32, #tpu.memory_space<hbm>>)
      tpu.yield
    }) : () -> ()
    return
  }
}

#map = affine_map<(d0, d1) -> (0, 0)>
#map1 = affine_map<(d0, d1) -> (0)>
#map2 = affine_map<(d0, d1) -> (0, 0, 0)>
module attributes {stable_mosaic.version = 14 : i64} {
  func.func @k(%arg0: i32, %arg1: i32, %arg2: memref<10000x128xf32, #tpu.memory_space<hbm>>, %arg3: memref<320000xi32, #tpu.memory_space<hbm>>, %arg4: memref<320000xi32, #tpu.memory_space<hbm>>, %arg5: memref<2x10112x128xf32, #tpu.memory_space<hbm>>, %arg6: memref<104xi32, #tpu.memory_space<vmem>>, %arg7: memref<104xi32, #tpu.memory_space<vmem>>, %arg8: memref<104xi32, #tpu.memory_space<vmem>>, %arg9: memref<104xi32, #tpu.memory_space<vmem>>, %arg10: memref<104xi32, #tpu.memory_space<vmem>>, %arg11: memref<104xi32, #tpu.memory_space<vmem>>, %arg12: memref<16xi32, #tpu.memory_space<vmem>>, %arg13: memref<16xi32, #tpu.memory_space<vmem>>, %arg14: memref<104x128xf32, #tpu.memory_space<vmem>>, %arg15: memref<104x128xf32, #tpu.memory_space<vmem>>, %arg16: memref<104x128xf32, #tpu.memory_space<vmem>>, %arg17: memref<10112x128xf32, #tpu.memory_space<vmem_shared>>, %arg18: memref<!tpu.dma_semaphore, #tpu.memory_space<semaphore_mem>>, %arg19: memref<!tpu.dma_semaphore, #tpu.memory_space<semaphore_mem>>, %arg20: memref<!tpu.dma_semaphore, #tpu.memory_space<semaphore_mem>>, %arg21: memref<!tpu.dma_semaphore, #tpu.memory_space<semaphore_mem>>, %arg22: memref<!tpu.dma_semaphore, #tpu.memory_space<semaphore_mem>>, %arg23: memref<!tpu.dma_semaphore, #tpu.memory_space<semaphore_mem>>, %arg24: memref<!tpu.dma_semaphore, #tpu.memory_space<semaphore_mem>>, %arg25: memref<!tpu.dma_semaphore, #tpu.memory_space<semaphore_mem>>, %arg26: memref<!tpu.dma_semaphore, #tpu.memory_space<semaphore_mem>>) attributes {dimension_semantics = [#tpu.dimension_semantics<core_parallel>, #tpu.dimension_semantics<subcore_parallel>], iteration_bounds = array<i64: 2, 16>, scalar_prefetch = 0 : i64, scratch_operands = 21 : i64, tpu.core_type = #tpu.core_type<sc_vector_subcore>, window_params = [{transform_indices = #map}, {transform_indices = #map1}, {transform_indices = #map1}, {transform_indices = #map2}]} {
    %mul3A = arith.constant 16 : i32
    %mul3A_0 = arith.muli %arg0, %mul3A : i32
    %add3A = arith.addi %mul3A_0, %arg1 : i32
    %scan3A = arith.constant 0 : i32
    %scan3A_1 = arith.constant 104 : i32
    %scan3A_2 = arith.addi %scan3A, %scan3A_1 : i32
    %scan3A_3 = arith.constant 1 : i32
    scf.for %scan3A_76 = %scan3A to %scan3A_2 step %scan3A_3  : i32 {
      %mul3A_77 = arith.constant 1 : i32
      %mul3A_78 = arith.muli %scan3A_76, %mul3A_77 : i32
      %add3A_79 = arith.constant 0 : i32
      %add3A_80 = arith.addi %add3A_79, %mul3A_78 : i32
      %broadcast_in_dim3A = arith.constant 0.000000e+00 : f32
      %broadcast_in_dim3A_81 = vector.broadcast %broadcast_in_dim3A : f32 to vector<1x16xf32>
      %swap3A = arith.index_cast %add3A_80 : i32 to index
      %swap3A_82 = arith.constant 0 : index
      %swap3A_83 = tpu.vector_load %arg14[%swap3A, %swap3A_82] {strides = array<i32>} : memref<104x128xf32, #tpu.memory_space<vmem>>, vector<1x16xf32>,
      %swap3A_84 = vector.shape_cast %swap3A_83 : vector<1x16xf32> to vector<1x16xf32>
      %swap3A_85 = vector.shape_cast %broadcast_in_dim3A_81 : vector<1x16xf32> to vector<1x16xf32>
      tpu.vector_store %arg14[%swap3A, %swap3A_82], %swap3A_85 {strides = array<i32>} : memref<104x128xf32, #tpu.memory_space<vmem>>, vector<1x16xf32>,
      %broadcast_in_dim3A_86 = arith.constant 0.000000e+00 : f32
      %broadcast_in_dim3A_87 = vector.broadcast %broadcast_in_dim3A_86 : f32 to vector<1x16xf32>
      %swap3A_88 = arith.index_cast %add3A_80 : i32 to index
      %swap3A_89 = arith.constant 16 : index
      %swap3A_90 = tpu.vector_load %arg14[%swap3A_88, %swap3A_89] {strides = array<i32>} : memref<104x128xf32, #tpu.memory_space<vmem>>, vector<1x16xf32>,
      %swap3A_91 = vector.shape_cast %swap3A_90 : vector<1x16xf32> to vector<1x16xf32>
      %swap3A_92 = vector.shape_cast %broadcast_in_dim3A_87 : vector<1x16xf32> to vector<1x16xf32>
      tpu.vector_store %arg14[%swap3A_88, %swap3A_89], %swap3A_92 {strides = array<i32>} : memref<104x128xf32, #tpu.memory_space<vmem>>, vector<1x16xf32>,
      %broadcast_in_dim3A_93 = arith.constant 0.000000e+00 : f32
      %broadcast_in_dim3A_94 = vector.broadcast %broadcast_in_dim3A_93 : f32 to vector<1x16xf32>
      %swap3A_95 = arith.index_cast %add3A_80 : i32 to index
      %swap3A_96 = arith.constant 32 : index
      %swap3A_97 = tpu.vector_load %arg14[%swap3A_95, %swap3A_96] {strides = array<i32>} : memref<104x128xf32, #tpu.memory_space<vmem>>, vector<1x16xf32>,
      %swap3A_98 = vector.shape_cast %swap3A_97 : vector<1x16xf32> to vector<1x16xf32>
      %swap3A_99 = vector.shape_cast %broadcast_in_dim3A_94 : vector<1x16xf32> to vector<1x16xf32>
      tpu.vector_store %arg14[%swap3A_95, %swap3A_96], %swap3A_99 {strides = array<i32>} : memref<104x128xf32, #tpu.memory_space<vmem>>, vector<1x16xf32>,
      %broadcast_in_dim3A_100 = arith.constant 0.000000e+00 : f32
      %broadcast_in_dim3A_101 = vector.broadcast %broadcast_in_dim3A_100 : f32 to vector<1x16xf32>
      %swap3A_102 = arith.index_cast %add3A_80 : i32 to index
      %swap3A_103 = arith.constant 48 : index
      %swap3A_104 = tpu.vector_load %arg14[%swap3A_102, %swap3A_103] {strides = array<i32>} : memref<104x128xf32, #tpu.memory_space<vmem>>, vector<1x16xf32>,
      %swap3A_105 = vector.shape_cast %swap3A_104 : vector<1x16xf32> to vector<1x16xf32>
      %swap3A_106 = vector.shape_cast %broadcast_in_dim3A_101 : vector<1x16xf32> to vector<1x16xf32>
      tpu.vector_store %arg14[%swap3A_102, %swap3A_103], %swap3A_106 {strides = array<i32>} : memref<104x128xf32, #tpu.memory_space<vmem>>, vector<1x16xf32>,
      %broadcast_in_dim3A_107 = arith.constant 0.000000e+00 : f32
      %broadcast_in_dim3A_108 = vector.broadcast %broadcast_in_dim3A_107 : f32 to vector<1x16xf32>
      %swap3A_109 = arith.index_cast %add3A_80 : i32 to index
      %swap3A_110 = arith.constant 64 : index
      %swap3A_111 = tpu.vector_load %arg14[%swap3A_109, %swap3A_110] {strides = array<i32>} : memref<104x128xf32, #tpu.memory_space<vmem>>, vector<1x16xf32>,
      %swap3A_112 = vector.shape_cast %swap3A_111 : vector<1x16xf32> to vector<1x16xf32>
      %swap3A_113 = vector.shape_cast %broadcast_in_dim3A_108 : vector<1x16xf32> to vector<1x16xf32>
      tpu.vector_store %arg14[%swap3A_109, %swap3A_110], %swap3A_113 {strides = array<i32>} : memref<104x128xf32, #tpu.memory_space<vmem>>, vector<1x16xf32>,
      %broadcast_in_dim3A_114 = arith.constant 0.000000e+00 : f32
      %broadcast_in_dim3A_115 = vector.broadcast %broadcast_in_dim3A_114 : f32 to vector<1x16xf32>
      %swap3A_116 = arith.index_cast %add3A_80 : i32 to index
      %swap3A_117 = arith.constant 80 : index
      %swap3A_118 = tpu.vector_load %arg14[%swap3A_116, %swap3A_117] {strides = array<i32>} : memref<104x128xf32, #tpu.memory_space<vmem>>, vector<1x16xf32>,
      %swap3A_119 = vector.shape_cast %swap3A_118 : vector<1x16xf32> to vector<1x16xf32>
      %swap3A_120 = vector.shape_cast %broadcast_in_dim3A_115 : vector<1x16xf32> to vector<1x16xf32>
      tpu.vector_store %arg14[%swap3A_116, %swap3A_117], %swap3A_120 {strides = array<i32>} : memref<104x128xf32, #tpu.memory_space<vmem>>, vector<1x16xf32>,
      %broadcast_in_dim3A_121 = arith.constant 0.000000e+00 : f32
      %broadcast_in_dim3A_122 = vector.broadcast %broadcast_in_dim3A_121 : f32 to vector<1x16xf32>
      %swap3A_123 = arith.index_cast %add3A_80 : i32 to index
      %swap3A_124 = arith.constant 96 : index
      %swap3A_125 = tpu.vector_load %arg14[%swap3A_123, %swap3A_124] {strides = array<i32>} : memref<104x128xf32, #tpu.memory_space<vmem>>, vector<1x16xf32>,
      %swap3A_126 = vector.shape_cast %swap3A_125 : vector<1x16xf32> to vector<1x16xf32>
      %swap3A_127 = vector.shape_cast %broadcast_in_dim3A_122 : vector<1x16xf32> to vector<1x16xf32>
      tpu.vector_store %arg14[%swap3A_123, %swap3A_124], %swap3A_127 {strides = array<i32>} : memref<104x128xf32, #tpu.memory_space<vmem>>, vector<1x16xf32>,
      %broadcast_in_dim3A_128 = arith.constant 0.000000e+00 : f32
      %broadcast_in_dim3A_129 = vector.broadcast %broadcast_in_dim3A_128 : f32 to vector<1x16xf32>
      %swap3A_130 = arith.index_cast %add3A_80 : i32 to index
      %swap3A_131 = arith.constant 112 : index
      %swap3A_132 = tpu.vector_load %arg14[%swap3A_130, %swap3A_131] {strides = array<i32>} : memref<104x128xf32, #tpu.memory_space<vmem>>, vector<1x16xf32>,
      %swap3A_133 = vector.shape_cast %swap3A_132 : vector<1x16xf32> to vector<1x16xf32>
      %swap3A_134 = vector.shape_cast %broadcast_in_dim3A_129 : vector<1x16xf32> to vector<1x16xf32>
      tpu.vector_store %arg14[%swap3A_130, %swap3A_131], %swap3A_134 {strides = array<i32>} : memref<104x128xf32, #tpu.memory_space<vmem>>, vector<1x16xf32>,
    }
    %scan3A_4 = arith.constant 104 : i32
    %mul3A_5 = arith.constant 632 : i32
    %mul3A_6 = arith.muli %arg1, %mul3A_5 : i32
    %add3A_7 = arith.constant 0 : i32
    %add3A_8 = arith.addi %mul3A_6, %add3A_7 : i32
    "tpu.region"() ({
      %run_scoped3A = tpu.sem_alloc : memref<!tpu.dma_semaphore, #tpu.memory_space<semaphore_mem>>
      %dma_start3A_76 = arith.constant 0 : i32
      %dma_start3A_77 = arith.constant 0 : i32
      %dma_start3A_78 = tpu.memref_slice %arg14[%dma_start3A_76, %dma_start3A_77] : memref<104x128xf32, #tpu.memory_space<vmem>> -> memref<104x128xf32, #tpu.memory_space<vmem>>
      %dma_start3A_79 = arith.constant 0 : i32
      %dma_start3A_80 = tpu.memref_slice %arg17[%add3A_8, %dma_start3A_79] : memref<10112x128xf32, #tpu.memory_space<vmem_shared>> -> memref<104x128xf32, #tpu.memory_space<vmem_shared>>
      %dma_start3A_81 = arith.constant 0 : i32
      %dma_start3A_82 = tpu.memref_slice %arg17[%add3A_8, %dma_start3A_81] : memref<10112x128xf32, #tpu.memory_space<vmem_shared>> -> memref<104x128xf32, #tpu.memory_space<vmem_shared>>
      %dma_start3A_83 = arith.constant 0 : i32
      %dma_start3A_84 = arith.constant 0 : i32
      %dma_start3A_85 = tpu.memref_slice %arg14[%dma_start3A_83, %dma_start3A_84] : memref<104x128xf32, #tpu.memory_space<vmem>> -> memref<104x128xf32, #tpu.memory_space<vmem>>
      tpu.enqueue_dma source(%dma_start3A_85 : memref<104x128xf32, #tpu.memory_space<vmem>>) target(%dma_start3A_82 : memref<104x128xf32, #tpu.memory_space<vmem_shared>>) target_semaphore(%run_scoped3A : memref<!tpu.dma_semaphore, #tpu.memory_space<semaphore_mem>>)
      %dma_wait3A_86 = arith.constant 0 : i32
      %dma_wait3A_87 = arith.constant 0 : i32
      %dma_wait3A_88 = tpu.memref_slice %arg14[%dma_wait3A_86, %dma_wait3A_87] : memref<104x128xf32, #tpu.memory_space<vmem>> -> memref<104x128xf32, #tpu.memory_space<vmem>>
      %dma_wait3A_89 = arith.constant 0 : i32
      %dma_wait3A_90 = tpu.memref_slice %arg17[%add3A_8, %dma_wait3A_89] : memref<10112x128xf32, #tpu.memory_space<vmem_shared>> -> memref<104x128xf32, #tpu.memory_space<vmem_shared>>
      %dma_wait3A_91 = arith.constant 0 : i32
      %dma_wait3A_92 = tpu.memref_slice %arg17[%add3A_8, %dma_wait3A_91] : memref<10112x128xf32, #tpu.memory_space<vmem_shared>> -> memref<104x128xf32, #tpu.memory_space<vmem_shared>>
      %dma_wait3A_93 = arith.constant 0 : i32
      %dma_wait3A_94 = arith.constant 0 : i32
      %dma_wait3A_95 = tpu.memref_slice %arg14[%dma_wait3A_93, %dma_wait3A_94] : memref<104x128xf32, #tpu.memory_space<vmem>> -> memref<104x128xf32, #tpu.memory_space<vmem>>
      tpu.wait_dma2 semaphore(%run_scoped3A : memref<!tpu.dma_semaphore, #tpu.memory_space<semaphore_mem>>) src(%dma_wait3A_95 : memref<104x128xf32, #tpu.memory_space<vmem>>) dst(%dma_wait3A_92 : memref<104x128xf32, #tpu.memory_space<vmem_shared>>)
      tpu.yield
    }) : () -> ()
    %add3A_9 = arith.constant 104 : i32
    %add3A_10 = arith.addi %mul3A_6, %add3A_9 : i32
    "tpu.region"() ({
      %run_scoped3A = tpu.sem_alloc : memref<!tpu.dma_semaphore, #tpu.memory_space<semaphore_mem>>
      %dma_start3A_76 = arith.constant 0 : i32
      %dma_start3A_77 = arith.constant 0 : i32
      %dma_start3A_78 = tpu.memref_slice %arg14[%dma_start3A_76, %dma_start3A_77] : memref<104x128xf32, #tpu.memory_space<vmem>> -> memref<104x128xf32, #tpu.memory_space<vmem>>
      %dma_start3A_79 = arith.constant 0 : i32
      %dma_start3A_80 = tpu.memref_slice %arg17[%add3A_10, %dma_start3A_79] : memref<10112x128xf32, #tpu.memory_space<vmem_shared>> -> memref<104x128xf32, #tpu.memory_space<vmem_shared>>
      %dma_start3A_81 = arith.constant 0 : i32
      %dma_start3A_82 = tpu.memref_slice %arg17[%add3A_10, %dma_start3A_81] : memref<10112x128xf32, #tpu.memory_space<vmem_shared>> -> memref<104x128xf32, #tpu.memory_space<vmem_shared>>
      %dma_start3A_83 = arith.constant 0 : i32
      %dma_start3A_84 = arith.constant 0 : i32
      %dma_start3A_85 = tpu.memref_slice %arg14[%dma_start3A_83, %dma_start3A_84] : memref<104x128xf32, #tpu.memory_space<vmem>> -> memref<104x128xf32, #tpu.memory_space<vmem>>
      tpu.enqueue_dma source(%dma_start3A_85 : memref<104x128xf32, #tpu.memory_space<vmem>>) target(%dma_start3A_82 : memref<104x128xf32, #tpu.memory_space<vmem_shared>>) target_semaphore(%run_scoped3A : memref<!tpu.dma_semaphore, #tpu.memory_space<semaphore_mem>>)
      %dma_wait3A_86 = arith.constant 0 : i32
      %dma_wait3A_87 = arith.constant 0 : i32
      %dma_wait3A_88 = tpu.memref_slice %arg14[%dma_wait3A_86, %dma_wait3A_87] : memref<104x128xf32, #tpu.memory_space<vmem>> -> memref<104x128xf32, #tpu.memory_space<vmem>>
      %dma_wait3A_89 = arith.constant 0 : i32
      %dma_wait3A_90 = tpu.memref_slice %arg17[%add3A_10, %dma_wait3A_89] : memref<10112x128xf32, #tpu.memory_space<vmem_shared>> -> memref<104x128xf32, #tpu.memory_space<vmem_shared>>
      %dma_wait3A_91 = arith.constant 0 : i32
      %dma_wait3A_92 = tpu.memref_slice %arg17[%add3A_10, %dma_wait3A_91] : memref<10112x128xf32, #tpu.memory_space<vmem_shared>> -> memref<104x128xf32, #tpu.memory_space<vmem_shared>>
      %dma_wait3A_93 = arith.constant 0 : i32
      %dma_wait3A_94 = arith.constant 0 : i32
      %dma_wait3A_95 = tpu.memref_slice %arg14[%dma_wait3A_93, %dma_wait3A_94] : memref<104x128xf32, #tpu.memory_space<vmem>> -> memref<104x128xf32, #tpu.memory_space<vmem>>
      tpu.wait_dma2 semaphore(%run_scoped3A : memref<!tpu.dma_semaphore, #tpu.memory_space<semaphore_mem>>) src(%dma_wait3A_95 : memref<104x128xf32, #tpu.memory_space<vmem>>) dst(%dma_wait3A_92 : memref<104x128xf32, #tpu.memory_space<vmem_shared>>)
      tpu.yield
    }) : () -> ()
    %add3A_11 = arith.constant 208 : i32
    %add3A_12 = arith.addi %mul3A_6, %add3A_11 : i32
    "tpu.region"() ({
      %run_scoped3A = tpu.sem_alloc : memref<!tpu.dma_semaphore, #tpu.memory_space<semaphore_mem>>
      %dma_start3A_76 = arith.constant 0 : i32
      %dma_start3A_77 = arith.constant 0 : i32
      %dma_start3A_78 = tpu.memref_slice %arg14[%dma_start3A_76, %dma_start3A_77] : memref<104x128xf32, #tpu.memory_space<vmem>> -> memref<104x128xf32, #tpu.memory_space<vmem>>
      %dma_start3A_79 = arith.constant 0 : i32
      %dma_start3A_80 = tpu.memref_slice %arg17[%add3A_12, %dma_start3A_79] : memref<10112x128xf32, #tpu.memory_space<vmem_shared>> -> memref<104x128xf32, #tpu.memory_space<vmem_shared>>
      %dma_start3A_81 = arith.constant 0 : i32
      %dma_start3A_82 = tpu.memref_slice %arg17[%add3A_12, %dma_start3A_81] : memref<10112x128xf32, #tpu.memory_space<vmem_shared>> -> memref<104x128xf32, #tpu.memory_space<vmem_shared>>
      %dma_start3A_83 = arith.constant 0 : i32
      %dma_start3A_84 = arith.constant 0 : i32
      %dma_start3A_85 = tpu.memref_slice %arg14[%dma_start3A_83, %dma_start3A_84] : memref<104x128xf32, #tpu.memory_space<vmem>> -> memref<104x128xf32, #tpu.memory_space<vmem>>
      tpu.enqueue_dma source(%dma_start3A_85 : memref<104x128xf32, #tpu.memory_space<vmem>>) target(%dma_start3A_82 : memref<104x128xf32, #tpu.memory_space<vmem_shared>>) target_semaphore(%run_scoped3A : memref<!tpu.dma_semaphore, #tpu.memory_space<semaphore_mem>>)
      %dma_wait3A_86 = arith.constant 0 : i32
      %dma_wait3A_87 = arith.constant 0 : i32
      %dma_wait3A_88 = tpu.memref_slice %arg14[%dma_wait3A_86, %dma_wait3A_87] : memref<104x128xf32, #tpu.memory_space<vmem>> -> memref<104x128xf32, #tpu.memory_space<vmem>>
      %dma_wait3A_89 = arith.constant 0 : i32
      %dma_wait3A_90 = tpu.memref_slice %arg17[%add3A_12, %dma_wait3A_89] : memref<10112x128xf32, #tpu.memory_space<vmem_shared>> -> memref<104x128xf32, #tpu.memory_space<vmem_shared>>
      %dma_wait3A_91 = arith.constant 0 : i32
      %dma_wait3A_92 = tpu.memref_slice %arg17[%add3A_12, %dma_wait3A_91] : memref<10112x128xf32, #tpu.memory_space<vmem_shared>> -> memref<104x128xf32, #tpu.memory_space<vmem_shared>>
      %dma_wait3A_93 = arith.constant 0 : i32
      %dma_wait3A_94 = arith.constant 0 : i32
      %dma_wait3A_95 = tpu.memref_slice %arg14[%dma_wait3A_93, %dma_wait3A_94] : memref<104x128xf32, #tpu.memory_space<vmem>> -> memref<104x128xf32, #tpu.memory_space<vmem>>
      tpu.wait_dma2 semaphore(%run_scoped3A : memref<!tpu.dma_semaphore, #tpu.memory_space<semaphore_mem>>) src(%dma_wait3A_95 : memref<104x128xf32, #tpu.memory_space<vmem>>) dst(%dma_wait3A_92 : memref<104x128xf32, #tpu.memory_space<vmem_shared>>)
      tpu.yield
    }) : () -> ()
    %add3A_13 = arith.constant 312 : i32
    %add3A_14 = arith.addi %mul3A_6, %add3A_13 : i32
    "tpu.region"() ({
      %run_scoped3A = tpu.sem_alloc : memref<!tpu.dma_semaphore, #tpu.memory_space<semaphore_mem>>
      %dma_start3A_76 = arith.constant 0 : i32
      %dma_start3A_77 = arith.constant 0 : i32
      %dma_start3A_78 = tpu.memref_slice %arg14[%dma_start3A_76, %dma_start3A_77] : memref<104x128xf32, #tpu.memory_space<vmem>> -> memref<104x128xf32, #tpu.memory_space<vmem>>
      %dma_start3A_79 = arith.constant 0 : i32
      %dma_start3A_80 = tpu.memref_slice %arg17[%add3A_14, %dma_start3A_79] : memref<10112x128xf32, #tpu.memory_space<vmem_shared>> -> memref<104x128xf32, #tpu.memory_space<vmem_shared>>
      %dma_start3A_81 = arith.constant 0 : i32
      %dma_start3A_82 = tpu.memref_slice %arg17[%add3A_14, %dma_start3A_81] : memref<10112x128xf32, #tpu.memory_space<vmem_shared>> -> memref<104x128xf32, #tpu.memory_space<vmem_shared>>
      %dma_start3A_83 = arith.constant 0 : i32
      %dma_start3A_84 = arith.constant 0 : i32
      %dma_start3A_85 = tpu.memref_slice %arg14[%dma_start3A_83, %dma_start3A_84] : memref<104x128xf32, #tpu.memory_space<vmem>> -> memref<104x128xf32, #tpu.memory_space<vmem>>
      tpu.enqueue_dma source(%dma_start3A_85 : memref<104x128xf32, #tpu.memory_space<vmem>>) target(%dma_start3A_82 : memref<104x128xf32, #tpu.memory_space<vmem_shared>>) target_semaphore(%run_scoped3A : memref<!tpu.dma_semaphore, #tpu.memory_space<semaphore_mem>>)
      %dma_wait3A_86 = arith.constant 0 : i32
      %dma_wait3A_87 = arith.constant 0 : i32
      %dma_wait3A_88 = tpu.memref_slice %arg14[%dma_wait3A_86, %dma_wait3A_87] : memref<104x128xf32, #tpu.memory_space<vmem>> -> memref<104x128xf32, #tpu.memory_space<vmem>>
      %dma_wait3A_89 = arith.constant 0 : i32
      %dma_wait3A_90 = tpu.memref_slice %arg17[%add3A_14, %dma_wait3A_89] : memref<10112x128xf32, #tpu.memory_space<vmem_shared>> -> memref<104x128xf32, #tpu.memory_space<vmem_shared>>
      %dma_wait3A_91 = arith.constant 0 : i32
      %dma_wait3A_92 = tpu.memref_slice %arg17[%add3A_14, %dma_wait3A_91] : memref<10112x128xf32, #tpu.memory_space<vmem_shared>> -> memref<104x128xf32, #tpu.memory_space<vmem_shared>>
      %dma_wait3A_93 = arith.constant 0 : i32
      %dma_wait3A_94 = arith.constant 0 : i32
      %dma_wait3A_95 = tpu.memref_slice %arg14[%dma_wait3A_93, %dma_wait3A_94] : memref<104x128xf32, #tpu.memory_space<vmem>> -> memref<104x128xf32, #tpu.memory_space<vmem>>
      tpu.wait_dma2 semaphore(%run_scoped3A : memref<!tpu.dma_semaphore, #tpu.memory_space<semaphore_mem>>) src(%dma_wait3A_95 : memref<104x128xf32, #tpu.memory_space<vmem>>) dst(%dma_wait3A_92 : memref<104x128xf32, #tpu.memory_space<vmem_shared>>)
      tpu.yield
    }) : () -> ()
    %add3A_15 = arith.constant 416 : i32
    %add3A_16 = arith.addi %mul3A_6, %add3A_15 : i32
    "tpu.region"() ({
      %run_scoped3A = tpu.sem_alloc : memref<!tpu.dma_semaphore, #tpu.memory_space<semaphore_mem>>
      %dma_start3A_76 = arith.constant 0 : i32
      %dma_start3A_77 = arith.constant 0 : i32
      %dma_start3A_78 = tpu.memref_slice %arg14[%dma_start3A_76, %dma_start3A_77] : memref<104x128xf32, #tpu.memory_space<vmem>> -> memref<104x128xf32, #tpu.memory_space<vmem>>
      %dma_start3A_79 = arith.constant 0 : i32
      %dma_start3A_80 = tpu.memref_slice %arg17[%add3A_16, %dma_start3A_79] : memref<10112x128xf32, #tpu.memory_space<vmem_shared>> -> memref<104x128xf32, #tpu.memory_space<vmem_shared>>
      %dma_start3A_81 = arith.constant 0 : i32
      %dma_start3A_82 = tpu.memref_slice %arg17[%add3A_16, %dma_start3A_81] : memref<10112x128xf32, #tpu.memory_space<vmem_shared>> -> memref<104x128xf32, #tpu.memory_space<vmem_shared>>
      %dma_start3A_83 = arith.constant 0 : i32
      %dma_start3A_84 = arith.constant 0 : i32
      %dma_start3A_85 = tpu.memref_slice %arg14[%dma_start3A_83, %dma_start3A_84] : memref<104x128xf32, #tpu.memory_space<vmem>> -> memref<104x128xf32, #tpu.memory_space<vmem>>
      tpu.enqueue_dma source(%dma_start3A_85 : memref<104x128xf32, #tpu.memory_space<vmem>>) target(%dma_start3A_82 : memref<104x128xf32, #tpu.memory_space<vmem_shared>>) target_semaphore(%run_scoped3A : memref<!tpu.dma_semaphore, #tpu.memory_space<semaphore_mem>>)
      %dma_wait3A_86 = arith.constant 0 : i32
      %dma_wait3A_87 = arith.constant 0 : i32
      %dma_wait3A_88 = tpu.memref_slice %arg14[%dma_wait3A_86, %dma_wait3A_87] : memref<104x128xf32, #tpu.memory_space<vmem>> -> memref<104x128xf32, #tpu.memory_space<vmem>>
      %dma_wait3A_89 = arith.constant 0 : i32
      %dma_wait3A_90 = tpu.memref_slice %arg17[%add3A_16, %dma_wait3A_89] : memref<10112x128xf32, #tpu.memory_space<vmem_shared>> -> memref<104x128xf32, #tpu.memory_space<vmem_shared>>
      %dma_wait3A_91 = arith.constant 0 : i32
      %dma_wait3A_92 = tpu.memref_slice %arg17[%add3A_16, %dma_wait3A_91] : memref<10112x128xf32, #tpu.memory_space<vmem_shared>> -> memref<104x128xf32, #tpu.memory_space<vmem_shared>>
      %dma_wait3A_93 = arith.constant 0 : i32
      %dma_wait3A_94 = arith.constant 0 : i32
      %dma_wait3A_95 = tpu.memref_slice %arg14[%dma_wait3A_93, %dma_wait3A_94] : memref<104x128xf32, #tpu.memory_space<vmem>> -> memref<104x128xf32, #tpu.memory_space<vmem>>
      tpu.wait_dma2 semaphore(%run_scoped3A : memref<!tpu.dma_semaphore, #tpu.memory_space<semaphore_mem>>) src(%dma_wait3A_95 : memref<104x128xf32, #tpu.memory_space<vmem>>) dst(%dma_wait3A_92 : memref<104x128xf32, #tpu.memory_space<vmem_shared>>)
      tpu.yield
    }) : () -> ()
    %add3A_17 = arith.constant 520 : i32
    %add3A_18 = arith.addi %mul3A_6, %add3A_17 : i32
    "tpu.region"() ({
      %run_scoped3A = tpu.sem_alloc : memref<!tpu.dma_semaphore, #tpu.memory_space<semaphore_mem>>
      %dma_start3A_76 = arith.constant 0 : i32
      %dma_start3A_77 = arith.constant 0 : i32
      %dma_start3A_78 = tpu.memref_slice %arg14[%dma_start3A_76, %dma_start3A_77] : memref<104x128xf32, #tpu.memory_space<vmem>> -> memref<104x128xf32, #tpu.memory_space<vmem>>
      %dma_start3A_79 = arith.constant 0 : i32
      %dma_start3A_80 = tpu.memref_slice %arg17[%add3A_18, %dma_start3A_79] : memref<10112x128xf32, #tpu.memory_space<vmem_shared>> -> memref<104x128xf32, #tpu.memory_space<vmem_shared>>
      %dma_start3A_81 = arith.constant 0 : i32
      %dma_start3A_82 = tpu.memref_slice %arg17[%add3A_18, %dma_start3A_81] : memref<10112x128xf32, #tpu.memory_space<vmem_shared>> -> memref<104x128xf32, #tpu.memory_space<vmem_shared>>
      %dma_start3A_83 = arith.constant 0 : i32
      %dma_start3A_84 = arith.constant 0 : i32
      %dma_start3A_85 = tpu.memref_slice %arg14[%dma_start3A_83, %dma_start3A_84] : memref<104x128xf32, #tpu.memory_space<vmem>> -> memref<104x128xf32, #tpu.memory_space<vmem>>
      tpu.enqueue_dma source(%dma_start3A_85 : memref<104x128xf32, #tpu.memory_space<vmem>>) target(%dma_start3A_82 : memref<104x128xf32, #tpu.memory_space<vmem_shared>>) target_semaphore(%run_scoped3A : memref<!tpu.dma_semaphore, #tpu.memory_space<semaphore_mem>>)
      %dma_wait3A_86 = arith.constant 0 : i32
      %dma_wait3A_87 = arith.constant 0 : i32
      %dma_wait3A_88 = tpu.memref_slice %arg14[%dma_wait3A_86, %dma_wait3A_87] : memref<104x128xf32, #tpu.memory_space<vmem>> -> memref<104x128xf32, #tpu.memory_space<vmem>>
      %dma_wait3A_89 = arith.constant 0 : i32
      %dma_wait3A_90 = tpu.memref_slice %arg17[%add3A_18, %dma_wait3A_89] : memref<10112x128xf32, #tpu.memory_space<vmem_shared>> -> memref<104x128xf32, #tpu.memory_space<vmem_shared>>
      %dma_wait3A_91 = arith.constant 0 : i32
      %dma_wait3A_92 = tpu.memref_slice %arg17[%add3A_18, %dma_wait3A_91] : memref<10112x128xf32, #tpu.memory_space<vmem_shared>> -> memref<104x128xf32, #tpu.memory_space<vmem_shared>>
      %dma_wait3A_93 = arith.constant 0 : i32
      %dma_wait3A_94 = arith.constant 0 : i32
      %dma_wait3A_95 = tpu.memref_slice %arg14[%dma_wait3A_93, %dma_wait3A_94] : memref<104x128xf32, #tpu.memory_space<vmem>> -> memref<104x128xf32, #tpu.memory_space<vmem>>
      tpu.wait_dma2 semaphore(%run_scoped3A : memref<!tpu.dma_semaphore, #tpu.memory_space<semaphore_mem>>) src(%dma_wait3A_95 : memref<104x128xf32, #tpu.memory_space<vmem>>) dst(%dma_wait3A_92 : memref<104x128xf32, #tpu.memory_space<vmem_shared>>)
      tpu.yield
    }) : () -> ()
    %add3A_19 = arith.constant 624 : i32
    %add3A_20 = arith.addi %mul3A_6, %add3A_19 : i32
    "tpu.region"() ({
      %run_scoped3A = tpu.sem_alloc : memref<!tpu.dma_semaphore, #tpu.memory_space<semaphore_mem>>
      %dma_start3A_76 = arith.constant 0 : i32
      %dma_start3A_77 = arith.constant 0 : i32
      %dma_start3A_78 = tpu.memref_slice %arg14[%dma_start3A_76, %dma_start3A_77] : memref<104x128xf32, #tpu.memory_space<vmem>> -> memref<8x128xf32, #tpu.memory_space<vmem>>
      %dma_start3A_79 = arith.constant 0 : i32
      %dma_start3A_80 = tpu.memref_slice %arg17[%add3A_20, %dma_start3A_79] : memref<10112x128xf32, #tpu.memory_space<vmem_shared>> -> memref<8x128xf32, #tpu.memory_space<vmem_shared>>
      %dma_start3A_81 = arith.constant 0 : i32
      %dma_start3A_82 = tpu.memref_slice %arg17[%add3A_20, %dma_start3A_81] : memref<10112x128xf32, #tpu.memory_space<vmem_shared>> -> memref<8x128xf32, #tpu.memory_space<vmem_shared>>
      %dma_start3A_83 = arith.constant 0 : i32
      %dma_start3A_84 = arith.constant 0 : i32
      %dma_start3A_85 = tpu.memref_slice %arg14[%dma_start3A_83, %dma_start3A_84] : memref<104x128xf32, #tpu.memory_space<vmem>> -> memref<8x128xf32, #tpu.memory_space<vmem>>
      tpu.enqueue_dma source(%dma_start3A_85 : memref<8x128xf32, #tpu.memory_space<vmem>>) target(%dma_start3A_82 : memref<8x128xf32, #tpu.memory_space<vmem_shared>>) target_semaphore(%run_scoped3A : memref<!tpu.dma_semaphore, #tpu.memory_space<semaphore_mem>>)
      %dma_wait3A_86 = arith.constant 0 : i32
      %dma_wait3A_87 = arith.constant 0 : i32
      %dma_wait3A_88 = tpu.memref_slice %arg14[%dma_wait3A_86, %dma_wait3A_87] : memref<104x128xf32, #tpu.memory_space<vmem>> -> memref<8x128xf32, #tpu.memory_space<vmem>>
      %dma_wait3A_89 = arith.constant 0 : i32
      %dma_wait3A_90 = tpu.memref_slice %arg17[%add3A_20, %dma_wait3A_89] : memref<10112x128xf32, #tpu.memory_space<vmem_shared>> -> memref<8x128xf32, #tpu.memory_space<vmem_shared>>
      %dma_wait3A_91 = arith.constant 0 : i32
      %dma_wait3A_92 = tpu.memref_slice %arg17[%add3A_20, %dma_wait3A_91] : memref<10112x128xf32, #tpu.memory_space<vmem_shared>> -> memref<8x128xf32, #tpu.memory_space<vmem_shared>>
      %dma_wait3A_93 = arith.constant 0 : i32
      %dma_wait3A_94 = arith.constant 0 : i32
      %dma_wait3A_95 = tpu.memref_slice %arg14[%dma_wait3A_93, %dma_wait3A_94] : memref<104x128xf32, #tpu.memory_space<vmem>> -> memref<8x128xf32, #tpu.memory_space<vmem>>
      tpu.wait_dma2 semaphore(%run_scoped3A : memref<!tpu.dma_semaphore, #tpu.memory_space<semaphore_mem>>) src(%dma_wait3A_95 : memref<8x128xf32, #tpu.memory_space<vmem>>) dst(%dma_wait3A_92 : memref<8x128xf32, #tpu.memory_space<vmem_shared>>)
      tpu.yield
    }) : () -> ()
    %barrier3A = arith.constant 0 : index
    tpu.barrier barrier_id(%barrier3A)
    %mul3A_21 = arith.constant 10000 : i32
    %mul3A_22 = arith.muli %add3A, %mul3A_21 : i32
    %add3A_23 = arith.constant 0 : i32
    %add3A_24 = arith.addi %mul3A_22, %add3A_23 : i32
    %dma_start3A = tpu.memref_slice %arg3[%add3A_24] : memref<320000xi32, #tpu.memory_space<hbm>> -> memref<104xi32, #tpu.memory_space<hbm>>
    %dma_start3A_25 = tpu.memref_slice %arg3[%add3A_24] : memref<320000xi32, #tpu.memory_space<hbm>> -> memref<104xi32, #tpu.memory_space<hbm>>
    tpu.enqueue_dma source(%dma_start3A_25 : memref<104xi32, #tpu.memory_space<hbm>>) target(%arg6 : memref<104xi32, #tpu.memory_space<vmem>>) target_semaphore(%arg21 : memref<!tpu.dma_semaphore, #tpu.memory_space<semaphore_mem>>)
    %add3A_26 = arith.constant 0 : i32
    %add3A_27 = arith.addi %mul3A_22, %add3A_26 : i32
    %dma_start3A_28 = tpu.memref_slice %arg4[%add3A_27] : memref<320000xi32, #tpu.memory_space<hbm>> -> memref<104xi32, #tpu.memory_space<hbm>>
    %dma_start3A_29 = tpu.memref_slice %arg4[%add3A_27] : memref<320000xi32, #tpu.memory_space<hbm>> -> memref<104xi32, #tpu.memory_space<hbm>>
    tpu.enqueue_dma source(%dma_start3A_29 : memref<104xi32, #tpu.memory_space<hbm>>) target(%arg9 : memref<104xi32, #tpu.memory_space<vmem>>) target_semaphore(%arg24 : memref<!tpu.dma_semaphore, #tpu.memory_space<semaphore_mem>>)
    %add3A_30 = arith.constant 104 : i32
    %add3A_31 = arith.addi %mul3A_22, %add3A_30 : i32
    %dma_start3A_32 = tpu.memref_slice %arg3[%add3A_31] : memref<320000xi32, #tpu.memory_space<hbm>> -> memref<104xi32, #tpu.memory_space<hbm>>
    %dma_start3A_33 = tpu.memref_slice %arg3[%add3A_31] : memref<320000xi32, #tpu.memory_space<hbm>> -> memref<104xi32, #tpu.memory_space<hbm>>
    tpu.enqueue_dma source(%dma_start3A_33 : memref<104xi32, #tpu.memory_space<hbm>>) target(%arg7 : memref<104xi32, #tpu.memory_space<vmem>>) target_semaphore(%arg22 : memref<!tpu.dma_semaphore, #tpu.memory_space<semaphore_mem>>)
    %add3A_34 = arith.constant 104 : i32
    %add3A_35 = arith.addi %mul3A_22, %add3A_34 : i32
    %dma_start3A_36 = tpu.memref_slice %arg4[%add3A_35] : memref<320000xi32, #tpu.memory_space<hbm>> -> memref<104xi32, #tpu.memory_space<hbm>>
    %dma_start3A_37 = tpu.memref_slice %arg4[%add3A_35] : memref<320000xi32, #tpu.memory_space<hbm>> -> memref<104xi32, #tpu.memory_space<hbm>>
    tpu.enqueue_dma source(%dma_start3A_37 : memref<104xi32, #tpu.memory_space<hbm>>) target(%arg10 : memref<104xi32, #tpu.memory_space<vmem>>) target_semaphore(%arg25 : memref<!tpu.dma_semaphore, #tpu.memory_space<semaphore_mem>>)
    %add3A_38 = arith.constant 208 : i32
    %add3A_39 = arith.addi %mul3A_22, %add3A_38 : i32
    %dma_start3A_40 = tpu.memref_slice %arg3[%add3A_39] : memref<320000xi32, #tpu.memory_space<hbm>> -> memref<104xi32, #tpu.memory_space<hbm>>
    %dma_start3A_41 = tpu.memref_slice %arg3[%add3A_39] : memref<320000xi32, #tpu.memory_space<hbm>> -> memref<104xi32, #tpu.memory_space<hbm>>
    tpu.enqueue_dma source(%dma_start3A_41 : memref<104xi32, #tpu.memory_space<hbm>>) target(%arg8 : memref<104xi32, #tpu.memory_space<vmem>>) target_semaphore(%arg23 : memref<!tpu.dma_semaphore, #tpu.memory_space<semaphore_mem>>)
    %add3A_42 = arith.constant 208 : i32
    %add3A_43 = arith.addi %mul3A_22, %add3A_42 : i32
    %dma_start3A_44 = tpu.memref_slice %arg4[%add3A_43] : memref<320000xi32, #tpu.memory_space<hbm>> -> memref<104xi32, #tpu.memory_space<hbm>>
    %dma_start3A_45 = tpu.memref_slice %arg4[%add3A_43] : memref<320000xi32, #tpu.memory_space<hbm>> -> memref<104xi32, #tpu.memory_space<hbm>>
    tpu.enqueue_dma source(%dma_start3A_45 : memref<104xi32, #tpu.memory_space<hbm>>) target(%arg11 : memref<104xi32, #tpu.memory_space<vmem>>) target_semaphore(%arg26 : memref<!tpu.dma_semaphore, #tpu.memory_space<semaphore_mem>>)
    %add3A_46 = arith.constant 0 : i32
    %add3A_47 = arith.addi %mul3A_22, %add3A_46 : i32
    %dma_wait3A = tpu.memref_slice %arg3[%add3A_47] : memref<320000xi32, #tpu.memory_space<hbm>> -> memref<104xi32, #tpu.memory_space<hbm>>
    %dma_wait3A_48 = tpu.memref_slice %arg3[%add3A_47] : memref<320000xi32, #tpu.memory_space<hbm>> -> memref<104xi32, #tpu.memory_space<hbm>>
    tpu.wait_dma2 semaphore(%arg21 : memref<!tpu.dma_semaphore, #tpu.memory_space<semaphore_mem>>) src(%dma_wait3A_48 : memref<104xi32, #tpu.memory_space<hbm>>) dst(%arg6 : memref<104xi32, #tpu.memory_space<vmem>>)
    %dma_start3A_49 = arith.constant 0 : i32
    %dma_start3A_50 = arith.constant 0 : i32
    %dma_start3A_51 = tpu.memref_slice %arg2[%dma_start3A_49, %dma_start3A_50] : memref<10000x128xf32, #tpu.memory_space<hbm>> -> memref<10000x128xf32, #tpu.memory_space<hbm>>
    tpu.enqueue_indirect_dma source(%dma_start3A_51 : memref<10000x128xf32, #tpu.memory_space<hbm>>) target(%arg14 : memref<104x128xf32, #tpu.memory_space<vmem>>) offsets(%arg6 : memref<104xi32, #tpu.memory_space<vmem>>) semaphore(%arg18 : memref<!tpu.dma_semaphore, #tpu.memory_space<semaphore_mem>>)
    %add3A_52 = arith.constant 104 : i32
    %add3A_53 = arith.addi %mul3A_22, %add3A_52 : i32
    %dma_wait3A_54 = tpu.memref_slice %arg3[%add3A_53] : memref<320000xi32, #tpu.memory_space<hbm>> -> memref<104xi32, #tpu.memory_space<hbm>>
    %dma_wait3A_55 = tpu.memref_slice %arg3[%add3A_53] : memref<320000xi32, #tpu.memory_space<hbm>> -> memref<104xi32, #tpu.memory_space<hbm>>
    tpu.wait_dma2 semaphore(%arg22 : memref<!tpu.dma_semaphore, #tpu.memory_space<semaphore_mem>>) src(%dma_wait3A_55 : memref<104xi32, #tpu.memory_space<hbm>>) dst(%arg7 : memref<104xi32, #tpu.memory_space<vmem>>)
    %dma_start3A_56 = arith.constant 0 : i32
    %dma_start3A_57 = arith.constant 0 : i32
    %dma_start3A_58 = tpu.memref_slice %arg2[%dma_start3A_56, %dma_start3A_57] : memref<10000x128xf32, #tpu.memory_space<hbm>> -> memref<10000x128xf32, #tpu.memory_space<hbm>>
    tpu.enqueue_indirect_dma source(%dma_start3A_58 : memref<10000x128xf32, #tpu.memory_space<hbm>>) target(%arg15 : memref<104x128xf32, #tpu.memory_space<vmem>>) offsets(%arg7 : memref<104xi32, #tpu.memory_space<vmem>>) semaphore(%arg19 : memref<!tpu.dma_semaphore, #tpu.memory_space<semaphore_mem>>)
    %add3A_59 = arith.constant 208 : i32
    %add3A_60 = arith.addi %mul3A_22, %add3A_59 : i32
    %dma_wait3A_61 = tpu.memref_slice %arg3[%add3A_60] : memref<320000xi32, #tpu.memory_space<hbm>> -> memref<104xi32, #tpu.memory_space<hbm>>
    %dma_wait3A_62 = tpu.memref_slice %arg3[%add3A_60] : memref<320000xi32, #tpu.memory_space<hbm>> -> memref<104xi32, #tpu.memory_space<hbm>>
    tpu.wait_dma2 semaphore(%arg23 : memref<!tpu.dma_semaphore, #tpu.memory_space<semaphore_mem>>) src(%dma_wait3A_62 : memref<104xi32, #tpu.memory_space<hbm>>) dst(%arg8 : memref<104xi32, #tpu.memory_space<vmem>>)
    %dma_start3A_63 = arith.constant 0 : i32
    %dma_start3A_64 = arith.constant 0 : i32
    %dma_start3A_65 = tpu.memref_slice %arg2[%dma_start3A_63, %dma_start3A_64] : memref<10000x128xf32, #tpu.memory_space<hbm>> -> memref<10000x128xf32, #tpu.memory_space<hbm>>
    tpu.enqueue_indirect_dma source(%dma_start3A_65 : memref<10000x128xf32, #tpu.memory_space<hbm>>) target(%arg16 : memref<104x128xf32, #tpu.memory_space<vmem>>) offsets(%arg8 : memref<104xi32, #tpu.memory_space<vmem>>) semaphore(%arg20 : memref<!tpu.dma_semaphore, #tpu.memory_space<semaphore_mem>>)
    %scan3A_66 = arith.constant 0 : i32
    %scan3A_67 = arith.constant 32 : i32
    %scan3A_68 = arith.addi %scan3A_66, %scan3A_67 : i32
    %scan3A_69 = arith.constant 1 : i32
    scf.for %scan3A_76 = %scan3A_66 to %scan3A_68 step %scan3A_69  : i32 {
      %mul3A_77 = arith.constant 1 : i32
      %mul3A_78 = arith.muli %scan3A_76, %mul3A_77 : i32
      %add3A_79 = arith.constant 0 : i32
      %add3A_80 = arith.addi %add3A_79, %mul3A_78 : i32
      %mul3A_81 = arith.constant 3 : i32
      %mul3A_82 = arith.muli %add3A_80, %mul3A_81 : i32
      %lt3A = arith.constant 31 : i32
      %lt3A_83 = arith.cmpi slt, %add3A_80, %lt3A : i32
      %add3A_84 = arith.constant 0 : i32
      %add3A_85 = arith.addi %mul3A_82, %add3A_84 : i32
      %dma_wait3A_86 = arith.constant 0 : i32
      %dma_wait3A_87 = arith.constant 0 : i32
      %dma_wait3A_88 = tpu.memref_slice %arg2[%dma_wait3A_86, %dma_wait3A_87] : memref<10000x128xf32, #tpu.memory_space<hbm>> -> memref<10000x128xf32, #tpu.memory_space<hbm>>
      tpu.wait_indirect_dma semaphore(%arg18 : memref<!tpu.dma_semaphore, #tpu.memory_space<semaphore_mem>>) src(%dma_wait3A_88 : memref<10000x128xf32, #tpu.memory_space<hbm>>) dst(%arg14 : memref<104x128xf32, #tpu.memory_space<vmem>>)
      %convert_element_type3A = arith.extui %lt3A_83 : i1 to i32
      %cond3A = arith.constant 0 : i32
      %cond3A_89 = arith.cmpi ne, %convert_element_type3A, %cond3A : i32
      scf.if %cond3A_89 {
        %add3A_130 = arith.constant 3 : i32
        %add3A_131 = arith.addi %add3A_85, %add3A_130 : i32
        %mul3A_132 = arith.constant 104 : i32
        %mul3A_133 = arith.muli %add3A_131, %mul3A_132 : i32
        %add3A_134 = arith.addi %mul3A_22, %mul3A_133 : i32
        %dma_start3A_135 = tpu.memref_slice %arg3[%add3A_134] : memref<320000xi32, #tpu.memory_space<hbm>> -> memref<104xi32, #tpu.memory_space<hbm>>
        %dma_start3A_136 = tpu.memref_slice %arg3[%add3A_134] : memref<320000xi32, #tpu.memory_space<hbm>> -> memref<104xi32, #tpu.memory_space<hbm>>
        tpu.enqueue_dma source(%dma_start3A_136 : memref<104xi32, #tpu.memory_space<hbm>>) target(%arg6 : memref<104xi32, #tpu.memory_space<vmem>>) target_semaphore(%arg21 : memref<!tpu.dma_semaphore, #tpu.memory_space<semaphore_mem>>)
      } else {
      }
      %mul3A_90 = arith.constant 104 : i32
      %mul3A_91 = arith.muli %add3A_85, %mul3A_90 : i32
      %add3A_92 = arith.addi %mul3A_22, %mul3A_91 : i32
      %dma_wait3A_93 = tpu.memref_slice %arg4[%add3A_92] : memref<320000xi32, #tpu.memory_space<hbm>> -> memref<104xi32, #tpu.memory_space<hbm>>
      %dma_wait3A_94 = tpu.memref_slice %arg4[%add3A_92] : memref<320000xi32, #tpu.memory_space<hbm>> -> memref<104xi32, #tpu.memory_space<hbm>>
      tpu.wait_dma2 semaphore(%arg24 : memref<!tpu.dma_semaphore, #tpu.memory_space<semaphore_mem>>) src(%dma_wait3A_94 : memref<104xi32, #tpu.memory_space<hbm>>) dst(%arg9 : memref<104xi32, #tpu.memory_space<vmem>>)
      "tpu.region"() ({
        %run_scoped3A = tpu.sem_alloc : memref<!tpu.dma_semaphore, #tpu.memory_space<semaphore_mem>>
        %dma_start3A_130 = arith.constant 0 : i32
        %dma_start3A_131 = arith.constant 0 : i32
        %dma_start3A_132 = tpu.memref_slice %arg17[%dma_start3A_130, %dma_start3A_131] : memref<10112x128xf32, #tpu.memory_space<vmem_shared>> -> memref<10112x128xf32, #tpu.memory_space<vmem_shared>>
        tpu.enqueue_indirect_dma source(%arg14 : memref<104x128xf32, #tpu.memory_space<vmem>>) target(%dma_start3A_132 : memref<10112x128xf32, #tpu.memory_space<vmem_shared>>) offsets(%arg9 : memref<104xi32, #tpu.memory_space<vmem>>) semaphore(%run_scoped3A : memref<!tpu.dma_semaphore, #tpu.memory_space<semaphore_mem>>) {add = true}
        %dma_wait3A_133 = arith.constant 0 : i32
        %dma_wait3A_134 = arith.constant 0 : i32
        %dma_wait3A_135 = tpu.memref_slice %arg17[%dma_wait3A_133, %dma_wait3A_134] : memref<10112x128xf32, #tpu.memory_space<vmem_shared>> -> memref<10112x128xf32, #tpu.memory_space<vmem_shared>>
        tpu.wait_indirect_dma semaphore(%run_scoped3A : memref<!tpu.dma_semaphore, #tpu.memory_space<semaphore_mem>>) src(%arg14 : memref<104x128xf32, #tpu.memory_space<vmem>>) dst(%dma_wait3A_135 : memref<10112x128xf32, #tpu.memory_space<vmem_shared>>)
        tpu.yield
      }) : () -> ()
      %convert_element_type3A_95 = arith.extui %lt3A_83 : i1 to i32
      %cond3A_96 = arith.constant 0 : i32
      %cond3A_97 = arith.cmpi ne, %convert_element_type3A_95, %cond3A_96 : i32
      scf.if %cond3A_97 {
        %add3A_130 = arith.constant 3 : i32
        %add3A_131 = arith.addi %add3A_85, %add3A_130 : i32
        %mul3A_132 = arith.constant 104 : i32
        %mul3A_133 = arith.muli %add3A_131, %mul3A_132 : i32
        %add3A_134 = arith.addi %mul3A_22, %mul3A_133 : i32
        %dma_start3A_135 = tpu.memref_slice %arg4[%add3A_134] : memref<320000xi32, #tpu.memory_space<hbm>> -> memref<104xi32, #tpu.memory_space<hbm>>
        %dma_start3A_136 = tpu.memref_slice %arg4[%add3A_134] : memref<320000xi32, #tpu.memory_space<hbm>> -> memref<104xi32, #tpu.memory_space<hbm>>
        tpu.enqueue_dma source(%dma_start3A_136 : memref<104xi32, #tpu.memory_space<hbm>>) target(%arg9 : memref<104xi32, #tpu.memory_space<vmem>>) target_semaphore(%arg24 : memref<!tpu.dma_semaphore, #tpu.memory_space<semaphore_mem>>)
        %add3A_137 = arith.constant 3 : i32
        %add3A_138 = arith.addi %add3A_85, %add3A_137 : i32
        %mul3A_139 = arith.constant 104 : i32
        %mul3A_140 = arith.muli %add3A_138, %mul3A_139 : i32
        %add3A_141 = arith.addi %mul3A_22, %mul3A_140 : i32
        %dma_wait3A_142 = tpu.memref_slice %arg3[%add3A_141] : memref<320000xi32, #tpu.memory_space<hbm>> -> memref<104xi32, #tpu.memory_space<hbm>>
        %dma_wait3A_143 = tpu.memref_slice %arg3[%add3A_141] : memref<320000xi32, #tpu.memory_space<hbm>> -> memref<104xi32, #tpu.memory_space<hbm>>
        tpu.wait_dma2 semaphore(%arg21 : memref<!tpu.dma_semaphore, #tpu.memory_space<semaphore_mem>>) src(%dma_wait3A_143 : memref<104xi32, #tpu.memory_space<hbm>>) dst(%arg6 : memref<104xi32, #tpu.memory_space<vmem>>)
        %dma_start3A_144 = arith.constant 0 : i32
        %dma_start3A_145 = arith.constant 0 : i32
        %dma_start3A_146 = tpu.memref_slice %arg2[%dma_start3A_144, %dma_start3A_145] : memref<10000x128xf32, #tpu.memory_space<hbm>> -> memref<10000x128xf32, #tpu.memory_space<hbm>>
        tpu.enqueue_indirect_dma source(%dma_start3A_146 : memref<10000x128xf32, #tpu.memory_space<hbm>>) target(%arg14 : memref<104x128xf32, #tpu.memory_space<vmem>>) offsets(%arg6 : memref<104xi32, #tpu.memory_space<vmem>>) semaphore(%arg18 : memref<!tpu.dma_semaphore, #tpu.memory_space<semaphore_mem>>)
      } else {
      }
      %add3A_98 = arith.constant 1 : i32
      %add3A_99 = arith.addi %mul3A_82, %add3A_98 : i32
      %dma_wait3A_100 = arith.constant 0 : i32
      %dma_wait3A_101 = arith.constant 0 : i32
      %dma_wait3A_102 = tpu.memref_slice %arg2[%dma_wait3A_100, %dma_wait3A_101] : memref<10000x128xf32, #tpu.memory_space<hbm>> -> memref<10000x128xf32, #tpu.memory_space<hbm>>
      tpu.wait_indirect_dma semaphore(%arg19 : memref<!tpu.dma_semaphore, #tpu.memory_space<semaphore_mem>>) src(%dma_wait3A_102 : memref<10000x128xf32, #tpu.memory_space<hbm>>) dst(%arg15 : memref<104x128xf32, #tpu.memory_space<vmem>>)
      %convert_element_type3A_103 = arith.extui %lt3A_83 : i1 to i32
      %cond3A_104 = arith.constant 0 : i32
      %cond3A_105 = arith.cmpi ne, %convert_element_type3A_103, %cond3A_104 : i32
      scf.if %cond3A_105 {
        %add3A_130 = arith.constant 3 : i32
        %add3A_131 = arith.addi %add3A_99, %add3A_130 : i32
        %mul3A_132 = arith.constant 104 : i32
        %mul3A_133 = arith.muli %add3A_131, %mul3A_132 : i32
        %add3A_134 = arith.addi %mul3A_22, %mul3A_133 : i32
        %dma_start3A_135 = tpu.memref_slice %arg3[%add3A_134] : memref<320000xi32, #tpu.memory_space<hbm>> -> memref<104xi32, #tpu.memory_space<hbm>>
        %dma_start3A_136 = tpu.memref_slice %arg3[%add3A_134] : memref<320000xi32, #tpu.memory_space<hbm>> -> memref<104xi32, #tpu.memory_space<hbm>>
        tpu.enqueue_dma source(%dma_start3A_136 : memref<104xi32, #tpu.memory_space<hbm>>) target(%arg7 : memref<104xi32, #tpu.memory_space<vmem>>) target_semaphore(%arg22 : memref<!tpu.dma_semaphore, #tpu.memory_space<semaphore_mem>>)
      } else {
      }
      %mul3A_106 = arith.constant 104 : i32
      %mul3A_107 = arith.muli %add3A_99, %mul3A_106 : i32
      %add3A_108 = arith.addi %mul3A_22, %mul3A_107 : i32
      %dma_wait3A_109 = tpu.memref_slice %arg4[%add3A_108] : memref<320000xi32, #tpu.memory_space<hbm>> -> memref<104xi32, #tpu.memory_space<hbm>>
      %dma_wait3A_110 = tpu.memref_slice %arg4[%add3A_108] : memref<320000xi32, #tpu.memory_space<hbm>> -> memref<104xi32, #tpu.memory_space<hbm>>
      tpu.wait_dma2 semaphore(%arg25 : memref<!tpu.dma_semaphore, #tpu.memory_space<semaphore_mem>>) src(%dma_wait3A_110 : memref<104xi32, #tpu.memory_space<hbm>>) dst(%arg10 : memref<104xi32, #tpu.memory_space<vmem>>)
      "tpu.region"() ({
        %run_scoped3A = tpu.sem_alloc : memref<!tpu.dma_semaphore, #tpu.memory_space<semaphore_mem>>
        %dma_start3A_130 = arith.constant 0 : i32
        %dma_start3A_131 = arith.constant 0 : i32
        %dma_start3A_132 = tpu.memref_slice %arg17[%dma_start3A_130, %dma_start3A_131] : memref<10112x128xf32, #tpu.memory_space<vmem_shared>> -> memref<10112x128xf32, #tpu.memory_space<vmem_shared>>
        tpu.enqueue_indirect_dma source(%arg15 : memref<104x128xf32, #tpu.memory_space<vmem>>) target(%dma_start3A_132 : memref<10112x128xf32, #tpu.memory_space<vmem_shared>>) offsets(%arg10 : memref<104xi32, #tpu.memory_space<vmem>>) semaphore(%run_scoped3A : memref<!tpu.dma_semaphore, #tpu.memory_space<semaphore_mem>>) {add = true}
        %dma_wait3A_133 = arith.constant 0 : i32
        %dma_wait3A_134 = arith.constant 0 : i32
        %dma_wait3A_135 = tpu.memref_slice %arg17[%dma_wait3A_133, %dma_wait3A_134] : memref<10112x128xf32, #tpu.memory_space<vmem_shared>> -> memref<10112x128xf32, #tpu.memory_space<vmem_shared>>
        tpu.wait_indirect_dma semaphore(%run_scoped3A : memref<!tpu.dma_semaphore, #tpu.memory_space<semaphore_mem>>) src(%arg15 : memref<104x128xf32, #tpu.memory_space<vmem>>) dst(%dma_wait3A_135 : memref<10112x128xf32, #tpu.memory_space<vmem_shared>>)
        tpu.yield
      }) : () -> ()
      %convert_element_type3A_111 = arith.extui %lt3A_83 : i1 to i32
      %cond3A_112 = arith.constant 0 : i32
      %cond3A_113 = arith.cmpi ne, %convert_element_type3A_111, %cond3A_112 : i32
      scf.if %cond3A_113 {
        %add3A_130 = arith.constant 3 : i32
        %add3A_131 = arith.addi %add3A_99, %add3A_130 : i32
        %mul3A_132 = arith.constant 104 : i32
        %mul3A_133 = arith.muli %add3A_131, %mul3A_132 : i32
        %add3A_134 = arith.addi %mul3A_22, %mul3A_133 : i32
        %dma_start3A_135 = tpu.memref_slice %arg4[%add3A_134] : memref<320000xi32, #tpu.memory_space<hbm>> -> memref<104xi32, #tpu.memory_space<hbm>>
        %dma_start3A_136 = tpu.memref_slice %arg4[%add3A_134] : memref<320000xi32, #tpu.memory_space<hbm>> -> memref<104xi32, #tpu.memory_space<hbm>>
        tpu.enqueue_dma source(%dma_start3A_136 : memref<104xi32, #tpu.memory_space<hbm>>) target(%arg10 : memref<104xi32, #tpu.memory_space<vmem>>) target_semaphore(%arg25 : memref<!tpu.dma_semaphore, #tpu.memory_space<semaphore_mem>>)
        %add3A_137 = arith.constant 3 : i32
        %add3A_138 = arith.addi %add3A_99, %add3A_137 : i32
        %mul3A_139 = arith.constant 104 : i32
        %mul3A_140 = arith.muli %add3A_138, %mul3A_139 : i32
        %add3A_141 = arith.addi %mul3A_22, %mul3A_140 : i32
        %dma_wait3A_142 = tpu.memref_slice %arg3[%add3A_141] : memref<320000xi32, #tpu.memory_space<hbm>> -> memref<104xi32, #tpu.memory_space<hbm>>
        %dma_wait3A_143 = tpu.memref_slice %arg3[%add3A_141] : memref<320000xi32, #tpu.memory_space<hbm>> -> memref<104xi32, #tpu.memory_space<hbm>>
        tpu.wait_dma2 semaphore(%arg22 : memref<!tpu.dma_semaphore, #tpu.memory_space<semaphore_mem>>) src(%dma_wait3A_143 : memref<104xi32, #tpu.memory_space<hbm>>) dst(%arg7 : memref<104xi32, #tpu.memory_space<vmem>>)
        %dma_start3A_144 = arith.constant 0 : i32
        %dma_start3A_145 = arith.constant 0 : i32
        %dma_start3A_146 = tpu.memref_slice %arg2[%dma_start3A_144, %dma_start3A_145] : memref<10000x128xf32, #tpu.memory_space<hbm>> -> memref<10000x128xf32, #tpu.memory_space<hbm>>
        tpu.enqueue_indirect_dma source(%dma_start3A_146 : memref<10000x128xf32, #tpu.memory_space<hbm>>) target(%arg15 : memref<104x128xf32, #tpu.memory_space<vmem>>) offsets(%arg7 : memref<104xi32, #tpu.memory_space<vmem>>) semaphore(%arg19 : memref<!tpu.dma_semaphore, #tpu.memory_space<semaphore_mem>>)
      } else {
      }
      %add3A_114 = arith.constant 2 : i32
      %add3A_115 = arith.addi %mul3A_82, %add3A_114 : i32
      %dma_wait3A_116 = arith.constant 0 : i32
      %dma_wait3A_117 = arith.constant 0 : i32
      %dma_wait3A_118 = tpu.memref_slice %arg2[%dma_wait3A_116, %dma_wait3A_117] : memref<10000x128xf32, #tpu.memory_space<hbm>> -> memref<10000x128xf32, #tpu.memory_space<hbm>>
      tpu.wait_indirect_dma semaphore(%arg20 : memref<!tpu.dma_semaphore, #tpu.memory_space<semaphore_mem>>) src(%dma_wait3A_118 : memref<10000x128xf32, #tpu.memory_space<hbm>>) dst(%arg16 : memref<104x128xf32, #tpu.memory_space<vmem>>)
      %convert_element_type3A_119 = arith.extui %lt3A_83 : i1 to i32
      %cond3A_120 = arith.constant 0 : i32
      %cond3A_121 = arith.cmpi ne, %convert_element_type3A_119, %cond3A_120 : i32
      scf.if %cond3A_121 {
        %add3A_130 = arith.constant 3 : i32
        %add3A_131 = arith.addi %add3A_115, %add3A_130 : i32
        %mul3A_132 = arith.constant 104 : i32
        %mul3A_133 = arith.muli %add3A_131, %mul3A_132 : i32
        %add3A_134 = arith.addi %mul3A_22, %mul3A_133 : i32
        %dma_start3A_135 = tpu.memref_slice %arg3[%add3A_134] : memref<320000xi32, #tpu.memory_space<hbm>> -> memref<104xi32, #tpu.memory_space<hbm>>
        %dma_start3A_136 = tpu.memref_slice %arg3[%add3A_134] : memref<320000xi32, #tpu.memory_space<hbm>> -> memref<104xi32, #tpu.memory_space<hbm>>
        tpu.enqueue_dma source(%dma_start3A_136 : memref<104xi32, #tpu.memory_space<hbm>>) target(%arg8 : memref<104xi32, #tpu.memory_space<vmem>>) target_semaphore(%arg23 : memref<!tpu.dma_semaphore, #tpu.memory_space<semaphore_mem>>)
      } else {
      }
      %mul3A_122 = arith.constant 104 : i32
      %mul3A_123 = arith.muli %add3A_115, %mul3A_122 : i32
      %add3A_124 = arith.addi %mul3A_22, %mul3A_123 : i32
      %dma_wait3A_125 = tpu.memref_slice %arg4[%add3A_124] : memref<320000xi32, #tpu.memory_space<hbm>> -> memref<104xi32, #tpu.memory_space<hbm>>
      %dma_wait3A_126 = tpu.memref_slice %arg4[%add3A_124] : memref<320000xi32, #tpu.memory_space<hbm>> -> memref<104xi32, #tpu.memory_space<hbm>>
      tpu.wait_dma2 semaphore(%arg26 : memref<!tpu.dma_semaphore, #tpu.memory_space<semaphore_mem>>) src(%dma_wait3A_126 : memref<104xi32, #tpu.memory_space<hbm>>) dst(%arg11 : memref<104xi32, #tpu.memory_space<vmem>>)
      "tpu.region"() ({
        %run_scoped3A = tpu.sem_alloc : memref<!tpu.dma_semaphore, #tpu.memory_space<semaphore_mem>>
        %dma_start3A_130 = arith.constant 0 : i32
        %dma_start3A_131 = arith.constant 0 : i32
        %dma_start3A_132 = tpu.memref_slice %arg17[%dma_start3A_130, %dma_start3A_131] : memref<10112x128xf32, #tpu.memory_space<vmem_shared>> -> memref<10112x128xf32, #tpu.memory_space<vmem_shared>>
        tpu.enqueue_indirect_dma source(%arg16 : memref<104x128xf32, #tpu.memory_space<vmem>>) target(%dma_start3A_132 : memref<10112x128xf32, #tpu.memory_space<vmem_shared>>) offsets(%arg11 : memref<104xi32, #tpu.memory_space<vmem>>) semaphore(%run_scoped3A : memref<!tpu.dma_semaphore, #tpu.memory_space<semaphore_mem>>) {add = true}
        %dma_wait3A_133 = arith.constant 0 : i32
        %dma_wait3A_134 = arith.constant 0 : i32
        %dma_wait3A_135 = tpu.memref_slice %arg17[%dma_wait3A_133, %dma_wait3A_134] : memref<10112x128xf32, #tpu.memory_space<vmem_shared>> -> memref<10112x128xf32, #tpu.memory_space<vmem_shared>>
        tpu.wait_indirect_dma semaphore(%run_scoped3A : memref<!tpu.dma_semaphore, #tpu.memory_space<semaphore_mem>>) src(%arg16 : memref<104x128xf32, #tpu.memory_space<vmem>>) dst(%dma_wait3A_135 : memref<10112x128xf32, #tpu.memory_space<vmem_shared>>)
        tpu.yield
      }) : () -> ()
      %convert_element_type3A_127 = arith.extui %lt3A_83 : i1 to i32
      %cond3A_128 = arith.constant 0 : i32
      %cond3A_129 = arith.cmpi ne, %convert_element_type3A_127, %cond3A_128 : i32
      scf.if %cond3A_129 {
        %add3A_130 = arith.constant 3 : i32
        %add3A_131 = arith.addi %add3A_115, %add3A_130 : i32
        %mul3A_132 = arith.constant 104 : i32
        %mul3A_133 = arith.muli %add3A_131, %mul3A_132 : i32
        %add3A_134 = arith.addi %mul3A_22, %mul3A_133 : i32
        %dma_start3A_135 = tpu.memref_slice %arg4[%add3A_134] : memref<320000xi32, #tpu.memory_space<hbm>> -> memref<104xi32, #tpu.memory_space<hbm>>
        %dma_start3A_136 = tpu.memref_slice %arg4[%add3A_134] : memref<320000xi32, #tpu.memory_space<hbm>> -> memref<104xi32, #tpu.memory_space<hbm>>
        tpu.enqueue_dma source(%dma_start3A_136 : memref<104xi32, #tpu.memory_space<hbm>>) target(%arg11 : memref<104xi32, #tpu.memory_space<vmem>>) target_semaphore(%arg26 : memref<!tpu.dma_semaphore, #tpu.memory_space<semaphore_mem>>)
        %add3A_137 = arith.constant 3 : i32
        %add3A_138 = arith.addi %add3A_115, %add3A_137 : i32
        %mul3A_139 = arith.constant 104 : i32
        %mul3A_140 = arith.muli %add3A_138, %mul3A_139 : i32
        %add3A_141 = arith.addi %mul3A_22, %mul3A_140 : i32
        %dma_wait3A_142 = tpu.memref_slice %arg3[%add3A_141] : memref<320000xi32, #tpu.memory_space<hbm>> -> memref<104xi32, #tpu.memory_space<hbm>>
        %dma_wait3A_143 = tpu.memref_slice %arg3[%add3A_141] : memref<320000xi32, #tpu.memory_space<hbm>> -> memref<104xi32, #tpu.memory_space<hbm>>
        tpu.wait_dma2 semaphore(%arg23 : memref<!tpu.dma_semaphore, #tpu.memory_space<semaphore_mem>>) src(%dma_wait3A_143 : memref<104xi32, #tpu.memory_space<hbm>>) dst(%arg8 : memref<104xi32, #tpu.memory_space<vmem>>)
        %dma_start3A_144 = arith.constant 0 : i32
        %dma_start3A_145 = arith.constant 0 : i32
        %dma_start3A_146 = tpu.memref_slice %arg2[%dma_start3A_144, %dma_start3A_145] : memref<10000x128xf32, #tpu.memory_space<hbm>> -> memref<10000x128xf32, #tpu.memory_space<hbm>>
        tpu.enqueue_indirect_dma source(%dma_start3A_146 : memref<10000x128xf32, #tpu.memory_space<hbm>>) target(%arg16 : memref<104x128xf32, #tpu.memory_space<vmem>>) offsets(%arg8 : memref<104xi32, #tpu.memory_space<vmem>>) semaphore(%arg20 : memref<!tpu.dma_semaphore, #tpu.memory_space<semaphore_mem>>)
      } else {
      }
    }
    %scan3A_70 = arith.constant 32 : i32
    %add3A_71 = arith.constant 9984 : i32
    %add3A_72 = arith.addi %mul3A_22, %add3A_71 : i32
    "tpu.region"() ({
      %run_scoped3A = tpu.sem_alloc : memref<!tpu.dma_semaphore, #tpu.memory_space<semaphore_mem>>
      %dma_start3A_76 = tpu.memref_slice %arg3[%add3A_72] : memref<320000xi32, #tpu.memory_space<hbm>> -> memref<16xi32, #tpu.memory_space<hbm>>
      %dma_start3A_77 = tpu.memref_slice %arg3[%add3A_72] : memref<320000xi32, #tpu.memory_space<hbm>> -> memref<16xi32, #tpu.memory_space<hbm>>
      tpu.enqueue_dma source(%dma_start3A_77 : memref<16xi32, #tpu.memory_space<hbm>>) target(%arg12 : memref<16xi32, #tpu.memory_space<vmem>>) target_semaphore(%run_scoped3A : memref<!tpu.dma_semaphore, #tpu.memory_space<semaphore_mem>>)
      %dma_wait3A_78 = tpu.memref_slice %arg3[%add3A_72] : memref<320000xi32, #tpu.memory_space<hbm>> -> memref<16xi32, #tpu.memory_space<hbm>>
      %dma_wait3A_79 = tpu.memref_slice %arg3[%add3A_72] : memref<320000xi32, #tpu.memory_space<hbm>> -> memref<16xi32, #tpu.memory_space<hbm>>
      tpu.wait_dma2 semaphore(%run_scoped3A : memref<!tpu.dma_semaphore, #tpu.memory_space<semaphore_mem>>) src(%dma_wait3A_79 : memref<16xi32, #tpu.memory_space<hbm>>) dst(%arg12 : memref<16xi32, #tpu.memory_space<vmem>>)
      tpu.yield
    }) : () -> ()
    %add3A_73 = arith.constant 9984 : i32
    %add3A_74 = arith.addi %mul3A_22, %add3A_73 : i32
    "tpu.region"() ({
      %run_scoped3A = tpu.sem_alloc : memref<!tpu.dma_semaphore, #tpu.memory_space<semaphore_mem>>
      %dma_start3A_76 = tpu.memref_slice %arg4[%add3A_74] : memref<320000xi32, #tpu.memory_space<hbm>> -> memref<16xi32, #tpu.memory_space<hbm>>
      %dma_start3A_77 = tpu.memref_slice %arg4[%add3A_74] : memref<320000xi32, #tpu.memory_space<hbm>> -> memref<16xi32, #tpu.memory_space<hbm>>
      tpu.enqueue_dma source(%dma_start3A_77 : memref<16xi32, #tpu.memory_space<hbm>>) target(%arg13 : memref<16xi32, #tpu.memory_space<vmem>>) target_semaphore(%run_scoped3A : memref<!tpu.dma_semaphore, #tpu.memory_space<semaphore_mem>>)
      %dma_wait3A_78 = tpu.memref_slice %arg4[%add3A_74] : memref<320000xi32, #tpu.memory_space<hbm>> -> memref<16xi32, #tpu.memory_space<hbm>>
      %dma_wait3A_79 = tpu.memref_slice %arg4[%add3A_74] : memref<320000xi32, #tpu.memory_space<hbm>> -> memref<16xi32, #tpu.memory_space<hbm>>
      tpu.wait_dma2 semaphore(%run_scoped3A : memref<!tpu.dma_semaphore, #tpu.memory_space<semaphore_mem>>) src(%dma_wait3A_79 : memref<16xi32, #tpu.memory_space<hbm>>) dst(%arg13 : memref<16xi32, #tpu.memory_space<vmem>>)
      tpu.yield
    }) : () -> ()
    "tpu.region"() ({
      %run_scoped3A = tpu.sem_alloc : memref<!tpu.dma_semaphore, #tpu.memory_space<semaphore_mem>>
      %dma_start3A_76 = arith.constant 0 : i32
      %dma_start3A_77 = arith.constant 0 : i32
      %dma_start3A_78 = tpu.memref_slice %arg14[%dma_start3A_76, %dma_start3A_77] : memref<104x128xf32, #tpu.memory_space<vmem>> -> memref<16x128xf32, #tpu.memory_space<vmem>>
      %dma_start3A_79 = arith.constant 0 : i32
      %dma_start3A_80 = arith.constant 0 : i32
      %dma_start3A_81 = tpu.memref_slice %arg2[%dma_start3A_79, %dma_start3A_80] : memref<10000x128xf32, #tpu.memory_space<hbm>> -> memref<10000x128xf32, #tpu.memory_space<hbm>>
      tpu.enqueue_indirect_dma source(%dma_start3A_81 : memref<10000x128xf32, #tpu.memory_space<hbm>>) target(%dma_start3A_78 : memref<16x128xf32, #tpu.memory_space<vmem>>) offsets(%arg12 : memref<16xi32, #tpu.memory_space<vmem>>) semaphore(%run_scoped3A : memref<!tpu.dma_semaphore, #tpu.memory_space<semaphore_mem>>)
      %dma_wait3A_82 = arith.constant 0 : i32
      %dma_wait3A_83 = arith.constant 0 : i32
      %dma_wait3A_84 = tpu.memref_slice %arg14[%dma_wait3A_82, %dma_wait3A_83] : memref<104x128xf32, #tpu.memory_space<vmem>> -> memref<16x128xf32, #tpu.memory_space<vmem>>
      %dma_wait3A_85 = arith.constant 0 : i32
      %dma_wait3A_86 = arith.constant 0 : i32
      %dma_wait3A_87 = tpu.memref_slice %arg2[%dma_wait3A_85, %dma_wait3A_86] : memref<10000x128xf32, #tpu.memory_space<hbm>> -> memref<10000x128xf32, #tpu.memory_space<hbm>>
      tpu.wait_indirect_dma semaphore(%run_scoped3A : memref<!tpu.dma_semaphore, #tpu.memory_space<semaphore_mem>>) src(%dma_wait3A_87 : memref<10000x128xf32, #tpu.memory_space<hbm>>) dst(%dma_wait3A_84 : memref<16x128xf32, #tpu.memory_space<vmem>>)
      tpu.yield
    }) : () -> ()
    "tpu.region"() ({
      %run_scoped3A = tpu.sem_alloc : memref<!tpu.dma_semaphore, #tpu.memory_space<semaphore_mem>>
      %dma_start3A_76 = arith.constant 0 : i32
      %dma_start3A_77 = arith.constant 0 : i32
      %dma_start3A_78 = tpu.memref_slice %arg14[%dma_start3A_76, %dma_start3A_77] : memref<104x128xf32, #tpu.memory_space<vmem>> -> memref<16x128xf32, #tpu.memory_space<vmem>>
      %dma_start3A_79 = arith.constant 0 : i32
      %dma_start3A_80 = arith.constant 0 : i32
      %dma_start3A_81 = tpu.memref_slice %arg17[%dma_start3A_79, %dma_start3A_80] : memref<10112x128xf32, #tpu.memory_space<vmem_shared>> -> memref<10112x128xf32, #tpu.memory_space<vmem_shared>>
      tpu.enqueue_indirect_dma source(%dma_start3A_78 : memref<16x128xf32, #tpu.memory_space<vmem>>) target(%dma_start3A_81 : memref<10112x128xf32, #tpu.memory_space<vmem_shared>>) offsets(%arg13 : memref<16xi32, #tpu.memory_space<vmem>>) semaphore(%run_scoped3A : memref<!tpu.dma_semaphore, #tpu.memory_space<semaphore_mem>>) {add = true}
      %dma_wait3A_82 = arith.constant 0 : i32
      %dma_wait3A_83 = arith.constant 0 : i32
      %dma_wait3A_84 = tpu.memref_slice %arg14[%dma_wait3A_82, %dma_wait3A_83] : memref<104x128xf32, #tpu.memory_space<vmem>> -> memref<16x128xf32, #tpu.memory_space<vmem>>
      %dma_wait3A_85 = arith.constant 0 : i32
      %dma_wait3A_86 = arith.constant 0 : i32
      %dma_wait3A_87 = tpu.memref_slice %arg17[%dma_wait3A_85, %dma_wait3A_86] : memref<10112x128xf32, #tpu.memory_space<vmem_shared>> -> memref<10112x128xf32, #tpu.memory_space<vmem_shared>>
      tpu.wait_indirect_dma semaphore(%run_scoped3A : memref<!tpu.dma_semaphore, #tpu.memory_space<semaphore_mem>>) src(%dma_wait3A_84 : memref<16x128xf32, #tpu.memory_space<vmem>>) dst(%dma_wait3A_87 : memref<10112x128xf32, #tpu.memory_space<vmem_shared>>)
      tpu.yield
    }) : () -> ()
    %barrier3A_75 = arith.constant 0 : index
    tpu.barrier barrier_id(%barrier3A_75)
    "tpu.region"() ({
      %run_scoped3A = tpu.sem_alloc : memref<!tpu.dma_semaphore, #tpu.memory_space<semaphore_mem>>
      %dma_start3A_76 = arith.constant 0 : i32
      %dma_start3A_77 = tpu.memref_slice %arg5[%arg0, %mul3A_6, %dma_start3A_76] : memref<2x10112x128xf32, #tpu.memory_space<hbm>> -> memref<1x632x128xf32, #tpu.memory_space<hbm>>
      %dma_start3A_78 = tpu.memref_squeeze %dma_start3A_77 : memref<1x632x128xf32, #tpu.memory_space<hbm>> -> memref<632x128xf32, #tpu.memory_space<hbm>>
      %dma_start3A_79 = arith.constant 0 : i32
      %dma_start3A_80 = tpu.memref_slice %arg17[%mul3A_6, %dma_start3A_79] : memref<10112x128xf32, #tpu.memory_space<vmem_shared>> -> memref<632x128xf32, #tpu.memory_space<vmem_shared>>
      tpu.enqueue_dma source(%dma_start3A_80 : memref<632x128xf32, #tpu.memory_space<vmem_shared>>) target(%dma_start3A_78 : memref<632x128xf32, #tpu.memory_space<hbm>>) target_semaphore(%run_scoped3A : memref<!tpu.dma_semaphore, #tpu.memory_space<semaphore_mem>>)
      %dma_wait3A_81 = arith.constant 0 : i32
      %dma_wait3A_82 = tpu.memref_slice %arg5[%arg0, %mul3A_6, %dma_wait3A_81] : memref<2x10112x128xf32, #tpu.memory_space<hbm>> -> memref<1x632x128xf32, #tpu.memory_space<hbm>>
      %dma_wait3A_83 = tpu.memref_squeeze %dma_wait3A_82 : memref<1x632x128xf32, #tpu.memory_space<hbm>> -> memref<632x128xf32, #tpu.memory_space<hbm>>
      %dma_wait3A_84 = arith.constant 0 : i32
      %dma_wait3A_85 = tpu.memref_slice %arg17[%mul3A_6, %dma_wait3A_84] : memref<10112x128xf32, #tpu.memory_space<vmem_shared>> -> memref<632x128xf32, #tpu.memory_space<vmem_shared>>
      tpu.wait_dma2 semaphore(%run_scoped3A : memref<!tpu.dma_semaphore, #tpu.memory_space<semaphore_mem>>) src(%dma_wait3A_85 : memref<632x128xf32, #tpu.memory_space<vmem_shared>>) dst(%dma_wait3A_83 : memref<632x128xf32, #tpu.memory_space<hbm>>)
      tpu.yield
    }) : () -> ()
    return
  }
}

module attributes {stable_mosaic.version = 14 : i64} {
  func.func @body(%arg0: i32, %arg1: memref<2x1000x128xf32, #tpu.memory_space<vmem>>, %arg2: memref<1000x128xf32, #tpu.memory_space<vmem>>, %arg3: memref<1000x1xf32, #tpu.memory_space<vmem>>, %arg4: memref<1x128xf32, #tpu.memory_space<vmem>>, %arg5: memref<128x128xf32, #tpu.memory_space<vmem>>, %arg6: memref<1000x128xf32, #tpu.memory_space<vmem>>, %arg7: memref<1000x128xf32, #tpu.memory_space<vmem>>) attributes {dimension_semantics = [#tpu.dimension_semantics<arbitrary>], iteration_bounds = array<i64: 10>, scalar_prefetch = 0 : i64, scratch_operands = 0 : i64, tpu.core_type = #tpu.core_type<tc>, window_params = [{transform_indices = @transform_0, window_bounds = array<i64: 2, 1000, 128>}, {transform_indices = @transform_1, window_bounds = array<i64: 1000, 128>}, {transform_indices = @transform_2, window_bounds = array<i64: 1000, 1>}, {pipeline_mode = #tpu.pipeline_mode<synchronous>, transform_indices = @transform_3, window_bounds = array<i64: 1, 128>}, {pipeline_mode = #tpu.pipeline_mode<synchronous>, transform_indices = @transform_4, window_bounds = array<i64: 128, 128>}, {transform_indices = @transform_5, window_bounds = array<i64: 1000, 128>}, {transform_indices = @transform_6, window_bounds = array<i64: 1000, 128>}]} {
    %get3A = arith.constant 0 : index
    %get3A_0 = arith.constant 0 : index
    %get3A_1 = arith.constant 0 : index
    %get3A_2 = vector.load %arg1[%get3A, %get3A_0, %get3A_1] : memref<2x1000x128xf32, #tpu.memory_space<vmem>>, vector<1x1000x128xf32>
    %get3A_3 = vector.shape_cast %get3A_2 : vector<1x1000x128xf32> to vector<1000x128xf32>
    %get3A_4 = arith.constant 1 : index
    %get3A_5 = arith.constant 0 : index
    %get3A_6 = arith.constant 0 : index
    %get3A_7 = vector.load %arg1[%get3A_4, %get3A_5, %get3A_6] : memref<2x1000x128xf32, #tpu.memory_space<vmem>>, vector<1x1000x128xf32>
    %get3A_8 = vector.shape_cast %get3A_7 : vector<1x1000x128xf32> to vector<1000x128xf32>
    %add3A = arith.addf %get3A_3, %get3A_8 : vector<1000x128xf32>
    %get3A_9 = arith.constant 0 : index
    %get3A_10 = arith.constant 0 : index
    %get3A_11 = vector.load %arg3[%get3A_9, %get3A_10] : memref<1000x1xf32, #tpu.memory_space<vmem>>, vector<1000x1xf32>
    %get3A_12 = arith.constant 0 : index
    %get3A_13 = arith.constant 0 : index
    %get3A_14 = vector.load %arg2[%get3A_12, %get3A_13] : memref<1000x128xf32, #tpu.memory_space<vmem>>, vector<1000x128xf32>
    %add3A_15 = arith.addf %add3A, %get3A_14 : vector<1000x128xf32>
    %mul3A = vector.broadcast %get3A_11 : vector<1000x1xf32> to vector<1000x128xf32>
    %mul3A_16 = arith.mulf %mul3A, %add3A_15 : vector<1000x128xf32>
    %get3A_17 = arith.constant 0 : index
    %get3A_18 = arith.constant 0 : index
    %get3A_19 = vector.load %arg4[%get3A_17, %get3A_18] : memref<1x128xf32, #tpu.memory_space<vmem>>, vector<1x128xf32>
    %add3A_20 = vector.broadcast %get3A_19 : vector<1x128xf32> to vector<1000x128xf32>
    %add3A_21 = arith.addf %mul3A_16, %add3A_20 : vector<1000x128xf32>
    %max3A = arith.constant 0.000000e+00 : f32
    %max3A_22 = vector.broadcast %max3A : f32 to vector<1000x128xf32>
    %max3A_23 = arith.maximumf %add3A_21, %max3A_22 : vector<1000x128xf32>
    %swap3A = arith.constant 0 : index
    %swap3A_24 = arith.constant 0 : index
    %swap3A_25 = vector.load %arg6[%swap3A, %swap3A_24] : memref<1000x128xf32, #tpu.memory_space<vmem>>, vector<1000x128xf32>
    tpu.vector_store %arg6[%swap3A, %swap3A_24], %max3A_23 {strides = array<i32>} : memref<1000x128xf32, #tpu.memory_space<vmem>>, vector<1000x128xf32>,
    %get3A_26 = arith.constant 0 : index
    %get3A_27 = arith.constant 0 : index
    %get3A_28 = vector.load %arg3[%get3A_26, %get3A_27] : memref<1000x1xf32, #tpu.memory_space<vmem>>, vector<1000x1xf32>
    %get3A_29 = arith.constant 0 : index
    %get3A_30 = arith.constant 0 : index
    %get3A_31 = vector.load %arg5[%get3A_29, %get3A_30] : memref<128x128xf32, #tpu.memory_space<vmem>>, vector<128x128xf32>
    %dot_general3A = arith.constant dense<0.000000e+00> : vector<1000x128xf32>
    %dot_general3A_32 = tpu.matmul %max3A_23, %get3A_31, %dot_general3A {dimension_numbers = #tpu.dot_dimension_numbers<[1], [0], [0], [1], [0, 0, 1, 1], [], []>, transpose_lhs_hint = false} : vector<1000x128xf32>, vector<128x128xf32>, vector<1000x128xf32> -> vector<1000x128xf32>
    %mul3A_33 = vector.broadcast %get3A_28 : vector<1000x1xf32> to vector<1000x128xf32>
    %mul3A_34 = arith.mulf %mul3A_33, %dot_general3A_32 : vector<1000x128xf32>
    %swap3A_35 = arith.constant 0 : index
    %swap3A_36 = arith.constant 0 : index
    %swap3A_37 = vector.load %arg7[%swap3A_35, %swap3A_36] : memref<1000x128xf32, #tpu.memory_space<vmem>>, vector<1000x128xf32>
    tpu.vector_store %arg7[%swap3A_35, %swap3A_36], %mul3A_34 {strides = array<i32>} : memref<1000x128xf32, #tpu.memory_space<vmem>>, vector<1000x128xf32>,
    return
  }
  func.func @transform_0(%arg0: i32) -> (i32, i32, i32) {
    %c0_i32 = arith.constant 0 : i32
    %c0_i32_0 = arith.constant 0 : i32
    %c0_i32_1 = arith.constant 0 : i32
    return %c0_i32, %arg0, %c0_i32_0 : i32, i32, i32
  }
  func.func @transform_1(%arg0: i32) -> (i32, i32) {
    %c0_i32 = arith.constant 0 : i32
    %c0_i32_0 = arith.constant 0 : i32
    return %arg0, %c0_i32 : i32, i32
  }
  func.func @transform_2(%arg0: i32) -> (i32, i32) {
    %c0_i32 = arith.constant 0 : i32
    %c0_i32_0 = arith.constant 0 : i32
    return %arg0, %c0_i32 : i32, i32
  }
  func.func @transform_3(%arg0: i32) -> (i32, i32) {
    %c0_i32 = arith.constant 0 : i32
    %c0_i32_0 = arith.constant 0 : i32
    %c0_i32_1 = arith.constant 0 : i32
    return %c0_i32, %c0_i32_0 : i32, i32
  }
  func.func @transform_4(%arg0: i32) -> (i32, i32) {
    %c0_i32 = arith.constant 0 : i32
    %c0_i32_0 = arith.constant 0 : i32
    %c0_i32_1 = arith.constant 0 : i32
    return %c0_i32, %c0_i32_0 : i32, i32
  }
  func.func @transform_5(%arg0: i32) -> (i32, i32) {
    %c0_i32 = arith.constant 0 : i32
    %c0_i32_0 = arith.constant 0 : i32
    return %arg0, %c0_i32 : i32, i32
  }
  func.func @transform_6(%arg0: i32) -> (i32, i32) {
    %c0_i32 = arith.constant 0 : i32
    %c0_i32_0 = arith.constant 0 : i32
    return %arg0, %c0_i32 : i32, i32
  }
}

module attributes {stable_mosaic.version = 14 : i64} {
  func.func @body(%arg0: i32, %arg1: memref<1000x128xf32, #tpu.memory_space<vmem>>, %arg2: memref<128x128xf32, #tpu.memory_space<vmem>>, %arg3: memref<2x1000x16xf32, #tpu.memory_space<vmem>>, %arg4: memref<1000x128xf32, #tpu.memory_space<vmem>>, %arg5: memref<1000x1xf32, #tpu.memory_space<vmem>>) attributes {dimension_semantics = [#tpu.dimension_semantics<arbitrary>], iteration_bounds = array<i64: 10>, scalar_prefetch = 0 : i64, scratch_operands = 0 : i64, tpu.core_type = #tpu.core_type<tc>, window_params = [{transform_indices = @transform_0, window_bounds = array<i64: 1000, 128>}, {pipeline_mode = #tpu.pipeline_mode<synchronous>, transform_indices = @transform_1, window_bounds = array<i64: 128, 128>}, {transform_indices = @transform_2, window_bounds = array<i64: 2, 1000, 16>}, {transform_indices = @transform_3, window_bounds = array<i64: 1000, 128>}, {transform_indices = @transform_4, window_bounds = array<i64: 1000, 1>}]} {
    %get3A = arith.constant 0 : index
    %get3A_0 = arith.constant 0 : index
    %get3A_1 = arith.constant 0 : index
    %get3A_2 = vector.load %arg3[%get3A, %get3A_0, %get3A_1] : memref<2x1000x16xf32, #tpu.memory_space<vmem>>, vector<1x1000x1xf32>
    %get3A_3 = vector.shape_cast %get3A_2 : vector<1x1000x1xf32> to vector<1000x1xf32>
    %add3A = arith.constant 1.000000e+00 : f32
    %add3A_4 = vector.broadcast %add3A : f32 to vector<1000x1xf32>
    %add3A_5 = arith.addf %add3A_4, %get3A_3 : vector<1000x1xf32>
    %get3A_6 = arith.constant 1 : index
    %get3A_7 = arith.constant 0 : index
    %get3A_8 = arith.constant 0 : index
    %get3A_9 = vector.load %arg3[%get3A_6, %get3A_7, %get3A_8] : memref<2x1000x16xf32, #tpu.memory_space<vmem>>, vector<1x1000x1xf32>
    %get3A_10 = vector.shape_cast %get3A_9 : vector<1x1000x1xf32> to vector<1000x1xf32>
    %add3A_11 = arith.addf %add3A_5, %get3A_10 : vector<1000x1xf32>
    %rsqrt3A = math.rsqrt %add3A_11 : vector<1000x1xf32>
    %get3A_12 = arith.constant 0 : index
    %get3A_13 = arith.constant 0 : index
    %get3A_14 = vector.load %arg1[%get3A_12, %get3A_13] : memref<1000x128xf32, #tpu.memory_space<vmem>>, vector<1000x128xf32>
    %get3A_15 = arith.constant 0 : index
    %get3A_16 = arith.constant 0 : index
    %get3A_17 = vector.load %arg2[%get3A_15, %get3A_16] : memref<128x128xf32, #tpu.memory_space<vmem>>, vector<128x128xf32>
    %dot_general3A = arith.constant dense<0.000000e+00> : vector<1000x128xf32>
    %dot_general3A_18 = tpu.matmul %get3A_14, %get3A_17, %dot_general3A {dimension_numbers = #tpu.dot_dimension_numbers<[1], [0], [0], [1], [0, 0, 1, 1], [], []>, transpose_lhs_hint = false} : vector<1000x128xf32>, vector<128x128xf32>, vector<1000x128xf32> -> vector<1000x128xf32>
    %mul3A = vector.broadcast %rsqrt3A : vector<1000x1xf32> to vector<1000x128xf32>
    %mul3A_19 = arith.mulf %dot_general3A_18, %mul3A : vector<1000x128xf32>
    %swap3A = arith.constant 0 : index
    %swap3A_20 = arith.constant 0 : index
    %swap3A_21 = vector.load %arg4[%swap3A, %swap3A_20] : memref<1000x128xf32, #tpu.memory_space<vmem>>, vector<1000x128xf32>
    tpu.vector_store %arg4[%swap3A, %swap3A_20], %mul3A_19 {strides = array<i32>} : memref<1000x128xf32, #tpu.memory_space<vmem>>, vector<1000x128xf32>,
    %swap3A_22 = arith.constant 0 : index
    %swap3A_23 = arith.constant 0 : index
    %swap3A_24 = vector.load %arg5[%swap3A_22, %swap3A_23] : memref<1000x1xf32, #tpu.memory_space<vmem>>, vector<1000x1xf32>
    tpu.vector_store %arg5[%swap3A_22, %swap3A_23], %rsqrt3A {strides = array<i32>} : memref<1000x1xf32, #tpu.memory_space<vmem>>, vector<1000x1xf32>,
    return
  }
  func.func @transform_0(%arg0: i32) -> (i32, i32) {
    %c0_i32 = arith.constant 0 : i32
    %c0_i32_0 = arith.constant 0 : i32
    return %arg0, %c0_i32 : i32, i32
  }
  func.func @transform_1(%arg0: i32) -> (i32, i32) {
    %c0_i32 = arith.constant 0 : i32
    %c0_i32_0 = arith.constant 0 : i32
    %c0_i32_1 = arith.constant 0 : i32
    return %c0_i32, %c0_i32_0 : i32, i32
  }
  func.func @transform_2(%arg0: i32) -> (i32, i32, i32) {
    %c0_i32 = arith.constant 0 : i32
    %c0_i32_0 = arith.constant 0 : i32
    %c0_i32_1 = arith.constant 0 : i32
    return %c0_i32, %arg0, %c0_i32_0 : i32, i32, i32
  }
  func.func @transform_3(%arg0: i32) -> (i32, i32) {
    %c0_i32 = arith.constant 0 : i32
    %c0_i32_0 = arith.constant 0 : i32
    return %arg0, %c0_i32 : i32, i32
  }
  func.func @transform_4(%arg0: i32) -> (i32, i32) {
    %c0_i32 = arith.constant 0 : i32
    %c0_i32_0 = arith.constant 0 : i32
    return %arg0, %c0_i32 : i32, i32
  }
}

module attributes {stable_mosaic.version = 14 : i64} {
  func.func @body(%arg0: i32, %arg1: memref<2x1000x128xf32, #tpu.memory_space<vmem>>, %arg2: memref<1000x128xf32, #tpu.memory_space<vmem>>, %arg3: memref<1000x1xf32, #tpu.memory_space<vmem>>, %arg4: memref<1x128xf32, #tpu.memory_space<vmem>>, %arg5: memref<1000x128xf32, #tpu.memory_space<vmem>>, %arg6: memref<128x64xf32, #tpu.memory_space<vmem>>, %arg7: memref<1x64xf32, #tpu.memory_space<vmem>>, %arg8: memref<1000x64xf32, #tpu.memory_space<vmem>>) attributes {dimension_semantics = [#tpu.dimension_semantics<arbitrary>], iteration_bounds = array<i64: 10>, scalar_prefetch = 0 : i64, scratch_operands = 0 : i64, tpu.core_type = #tpu.core_type<tc>, window_params = [{transform_indices = @transform_0, window_bounds = array<i64: 2, 1000, 128>}, {transform_indices = @transform_1, window_bounds = array<i64: 1000, 128>}, {transform_indices = @transform_2, window_bounds = array<i64: 1000, 1>}, {pipeline_mode = #tpu.pipeline_mode<synchronous>, transform_indices = @transform_3, window_bounds = array<i64: 1, 128>}, {transform_indices = @transform_4, window_bounds = array<i64: 1000, 128>}, {pipeline_mode = #tpu.pipeline_mode<synchronous>, transform_indices = @transform_5, window_bounds = array<i64: 128, 64>}, {pipeline_mode = #tpu.pipeline_mode<synchronous>, transform_indices = @transform_6, window_bounds = array<i64: 1, 64>}, {transform_indices = @transform_7, window_bounds = array<i64: 1000, 64>}]} {
    %get3A = arith.constant 0 : index
    %get3A_0 = arith.constant 0 : index
    %get3A_1 = arith.constant 0 : index
    %get3A_2 = vector.load %arg1[%get3A, %get3A_0, %get3A_1] : memref<2x1000x128xf32, #tpu.memory_space<vmem>>, vector<1x1000x128xf32>
    %get3A_3 = vector.shape_cast %get3A_2 : vector<1x1000x128xf32> to vector<1000x128xf32>
    %get3A_4 = arith.constant 1 : index
    %get3A_5 = arith.constant 0 : index
    %get3A_6 = arith.constant 0 : index
    %get3A_7 = vector.load %arg1[%get3A_4, %get3A_5, %get3A_6] : memref<2x1000x128xf32, #tpu.memory_space<vmem>>, vector<1x1000x128xf32>
    %get3A_8 = vector.shape_cast %get3A_7 : vector<1x1000x128xf32> to vector<1000x128xf32>
    %add3A = arith.addf %get3A_3, %get3A_8 : vector<1000x128xf32>
    %get3A_9 = arith.constant 0 : index
    %get3A_10 = arith.constant 0 : index
    %get3A_11 = vector.load %arg3[%get3A_9, %get3A_10] : memref<1000x1xf32, #tpu.memory_space<vmem>>, vector<1000x1xf32>
    %get3A_12 = arith.constant 0 : index
    %get3A_13 = arith.constant 0 : index
    %get3A_14 = vector.load %arg2[%get3A_12, %get3A_13] : memref<1000x128xf32, #tpu.memory_space<vmem>>, vector<1000x128xf32>
    %add3A_15 = arith.addf %add3A, %get3A_14 : vector<1000x128xf32>
    %mul3A = vector.broadcast %get3A_11 : vector<1000x1xf32> to vector<1000x128xf32>
    %mul3A_16 = arith.mulf %mul3A, %add3A_15 : vector<1000x128xf32>
    %get3A_17 = arith.constant 0 : index
    %get3A_18 = arith.constant 0 : index
    %get3A_19 = vector.load %arg4[%get3A_17, %get3A_18] : memref<1x128xf32, #tpu.memory_space<vmem>>, vector<1x128xf32>
    %add3A_20 = vector.broadcast %get3A_19 : vector<1x128xf32> to vector<1000x128xf32>
    %add3A_21 = arith.addf %mul3A_16, %add3A_20 : vector<1000x128xf32>
    %max3A = arith.constant 0.000000e+00 : f32
    %max3A_22 = vector.broadcast %max3A : f32 to vector<1000x128xf32>
    %max3A_23 = arith.maximumf %add3A_21, %max3A_22 : vector<1000x128xf32>
    %get3A_24 = arith.constant 0 : index
    %get3A_25 = arith.constant 0 : index
    %get3A_26 = vector.load %arg5[%get3A_24, %get3A_25] : memref<1000x128xf32, #tpu.memory_space<vmem>>, vector<1000x128xf32>
    %add3A_27 = arith.addf %max3A_23, %get3A_26 : vector<1000x128xf32>
    %get3A_28 = arith.constant 0 : index
    %get3A_29 = arith.constant 0 : index
    %get3A_30 = vector.load %arg6[%get3A_28, %get3A_29] : memref<128x64xf32, #tpu.memory_space<vmem>>, vector<128x64xf32>
    %dot_general3A = arith.constant dense<0.000000e+00> : vector<1000x64xf32>
    %dot_general3A_31 = tpu.matmul %add3A_27, %get3A_30, %dot_general3A {dimension_numbers = #tpu.dot_dimension_numbers<[1], [0], [0], [1], [0, 0, 1, 1], [], []>, transpose_lhs_hint = false} : vector<1000x128xf32>, vector<128x64xf32>, vector<1000x64xf32> -> vector<1000x64xf32>
    %get3A_32 = arith.constant 0 : index
    %get3A_33 = arith.constant 0 : index
    %get3A_34 = vector.load %arg7[%get3A_32, %get3A_33] : memref<1x64xf32, #tpu.memory_space<vmem>>, vector<1x64xf32>
    %add3A_35 = vector.broadcast %get3A_34 : vector<1x64xf32> to vector<1000x64xf32>
    %add3A_36 = arith.addf %dot_general3A_31, %add3A_35 : vector<1000x64xf32>
    %swap3A = arith.constant 0 : index
    %swap3A_37 = arith.constant 0 : index
    %swap3A_38 = vector.load %arg8[%swap3A, %swap3A_37] : memref<1000x64xf32, #tpu.memory_space<vmem>>, vector<1000x64xf32>
    tpu.vector_store %arg8[%swap3A, %swap3A_37], %add3A_36 {strides = array<i32>} : memref<1000x64xf32, #tpu.memory_space<vmem>>, vector<1000x64xf32>,
    return
  }
  func.func @transform_0(%arg0: i32) -> (i32, i32, i32) {
    %c0_i32 = arith.constant 0 : i32
    %c0_i32_0 = arith.constant 0 : i32
    %c0_i32_1 = arith.constant 0 : i32
    return %c0_i32, %arg0, %c0_i32_0 : i32, i32, i32
  }
  func.func @transform_1(%arg0: i32) -> (i32, i32) {
    %c0_i32 = arith.constant 0 : i32
    %c0_i32_0 = arith.constant 0 : i32
    return %arg0, %c0_i32 : i32, i32
  }
  func.func @transform_2(%arg0: i32) -> (i32, i32) {
    %c0_i32 = arith.constant 0 : i32
    %c0_i32_0 = arith.constant 0 : i32
    return %arg0, %c0_i32 : i32, i32
  }
  func.func @transform_3(%arg0: i32) -> (i32, i32) {
    %c0_i32 = arith.constant 0 : i32
    %c0_i32_0 = arith.constant 0 : i32
    %c0_i32_1 = arith.constant 0 : i32
    return %c0_i32, %c0_i32_0 : i32, i32
  }
  func.func @transform_4(%arg0: i32) -> (i32, i32) {
    %c0_i32 = arith.constant 0 : i32
    %c0_i32_0 = arith.constant 0 : i32
    return %arg0, %c0_i32 : i32, i32
  }
  func.func @transform_5(%arg0: i32) -> (i32, i32) {
    %c0_i32 = arith.constant 0 : i32
    %c0_i32_0 = arith.constant 0 : i32
    %c0_i32_1 = arith.constant 0 : i32
    return %c0_i32, %c0_i32_0 : i32, i32
  }
  func.func @transform_6(%arg0: i32) -> (i32, i32) {
    %c0_i32 = arith.constant 0 : i32
    %c0_i32_0 = arith.constant 0 : i32
    %c0_i32_1 = arith.constant 0 : i32
    return %c0_i32, %c0_i32_0 : i32, i32
  }
  func.func @transform_7(%arg0: i32) -> (i32, i32) {
    %c0_i32 = arith.constant 0 : i32
    %c0_i32_0 = arith.constant 0 : i32
    return %arg0, %c0_i32 : i32, i32
  }
}

</mosaic_0001>

<sc_bundles>
// kernel: kernel.11.cloned.1.call-start
scs
__scs_entry_jumppad:
0x0: {  	(pc) =	sbr.rel $0x88, $3  }
0x1: {  	(tag) =	ssettag $0x0;
	lr =	simm.s32 $0x1  }
0x2: {  	[smem:$0x3F99] =	sst lr;
	_ =	strace $0xD0000000  }
0x3: {  	_ = 	snop  }
0x4: {  	_ = 	snop  }
0x5: {  	_ = 	snop  }
0x6: {  	_ = 	snop  }
0x7: {  	_ = 	snop  }
__scs_overlays_trampoline_lowered:
0x8: {  	[smem:$0x3FA8] =	sst s0  }
0x9: {  	[smem:$0x3FA9] =	sst s1  }
0xa: {  	[smem:$0x3FAA] =	sst s2  }
0xb: {  	[smem:$0x3FAB] =	sst s3  }
0xc: {  	[smem:$0x3FAC] =	sst s4  }
0xd: {  	[smem:$0x3FAD] =	sst s5  }
0xe: {  	[smem:$0x3FAE] =	sst s6  }
0xf: {  	[smem:$0x3FAF] =	sst s7  }
0x10: {  	[smem:$0x3FB0] =	sst s8  }
0x11: {  	[smem:$0x3FB1] =	sst s9;
	s0 =	simm.s32 @!p0 $0x0  }
0x12: {  	s1 =	sld [smem:$0x3F97];
	s0 =	simm.s32 @p0 $0x1  }
0x13: {  	[smem:$0x3FB2] =	sst s0;
	s0 =	simm.s32 @!p1 $0x0  }
0x14: {  	s2 =	sld [smem:$0x3F96];
	s0 =	simm.s32 @p1 $0x1  }
0x15: {  	[smem:$0x3FB3] =	sst s0;
	s0 =	simm.s32 @!p2 $0x0  }
0x16: {  	s3 =	sld [smem:$0x3FDB];
	s0 =	simm.s32 @p2 $0x1  }
0x17: {  	s4 =	simm.s32 $0x1BF5;
	[smem:$0x3FB5] =	sst s0  }
0x18: {  	s0 =	sld [smem:$0x3F98];
	_ =	swait.ge [sflag:s4], $0x0  }
0x19: {  	s7 =	sld [smem:$0x3F99]  }
0x1a: {  	s8 =	sadd.s32 $0xFFFFE003, lr  }
0x1b: {  	s9 =	sadd.s32 $0xFFFFFEF7, lr;
	s5 =	simm.s32 $0xFFFFFFFF;
	p2 =	slt.u32 s8, $0xFFFFF086  }
0x1c: {  	p1 =	slt.u32 s9, $0xF7A;
	s5 =	simm.s32 @!p2 $0x0  }
0x1d: {  	s5 =	simm.s32 @p1 $0x1;
	p0 =	seq.s32 s7, s2  }
0x1e: {  	s7 =	smul.u32 @!p0 $0xF7A, s2;
	p2 =	seq.s32 @!p0 s5, $0x0  }
0x1f: {  	s9 =	smul.u32 $0xF7A, s1;
	s8 =	simm.s32 @!p0 $0x1BF5;
	p2 =	por !p2, p0  }
0x20: {  	[sflag:s8] =	ssyncset.s32 @!p0 $0xFFFFF086;
	s6 =	sadd.s32 @!p0 s3, s7;
	s7 =	simm.s32 @!p0 $0x108  }
0x21: {  	s3 =	sadd.s32 s3, s9;
	s6 =	sadd.s32 @!p0 $0x88, s6;
	s7 =	simm.s32 @p2 $0x1082  }
0x22: {  	[simem:s7], [sflag:s8] =	dma.local @!p0 [hbm:s6], $0xF7A  }
0x23: {  	s9 =	sor.u32 $0xD0000000, s2;
	s6 =	simm.s32 $0x108;
	_ =	swait.ge @!p0 [sflag:s8], $0x0  }
0x24: {  	s3 =	sadd.s32 $0x88, s3;
	s6 =	simm.s32 @!p1 $0x1082;
	[sflag:s4] =	ssyncset.s32 $0xFFFFF086  }
0x25: {  	[simem:s6], [sflag:s4] =	dma.local [hbm:s3], $0xF7A  }
0x26: {  	[smem:$0x3F99] =	sst s1;
	(tag) =	ssettag s2;
	_ =	strace s9  }
0x27: {  	s1 =	sld [smem:$0x3FA9]  }
0x28: {  	s2 =	sld [smem:$0x3FAA]  }
0x29: {  	s4 =	sld [smem:$0x3FAC]  }
0x2a: {  	p0 =	seq.s32 s5, $0x0;
	s5 =	sld [smem:$0x3FAD]  }
0x2b: {  	s6 =	sld [smem:$0x3FAE]  }
0x2c: {  	s7 =	sld [smem:$0x3FAF]  }
0x2d: {  	s3 =	simm.s32 $0x108;
	s8 =	sld [smem:$0x3FB0]  }
0x2e: {  	s3 =	simm.s32 @!p0 $0x1082;
	s9 =	sld [smem:$0x3FB1]  }
0x2f: {  	lr =	sadd.s32 s0, s3;
	s0 =	sld [smem:$0x3FA8]  }
0x30: {  	s3 =	sld [smem:$0x3FAB]  }
0x31: {  	[smem:$0x3FB4] =	sst s10  }
0x32: {  	s10 =	sld [smem:$0x3FB2];
	_ =	sdelay $0x3  }
0x33: {  	p0 =	seq.s32 s10, $0x1;
	s10 =	sld [smem:$0x3FB4];
	_ =	sdelay $0x3  }
0x34: {  	[smem:$0x3FB4] =	sst s10  }
0x35: {  	s10 =	sld [smem:$0x3FB3];
	_ =	sdelay $0x3  }
0x36: {  	p1 =	seq.s32 s10, $0x1;
	s10 =	sld [smem:$0x3FB4];
	_ =	sdelay $0x3  }
0x37: {  	[smem:$0x3FB4] =	sst s10  }
0x38: {  	s10 =	sld [smem:$0x3FB5]  }
0x39: {  	_ = 	snop;
	(pc) =	sbr.ind lr, $3  }
0x3a: {  	_ = 	snop  }
0x3b: {  	_ = 	snop  }
0x3c: {  	p2 =	seq.s32 s10, $0x1;
	s10 =	sld [smem:$0x3FB4]  }
0x3d: {  	_ =	shalt  }
0x3e: {  	_ =	shalt  }
0x3f: {  	_ =	shalt  }
0x40: {  	_ =	shalt  }
0x41: {  	_ =	shalt  }
0x42: {  	_ =	shalt  }
0x43: {  	_ =	shalt  }
0x44: {  	_ =	shalt  }
0x45: {  	_ =	shalt  }
0x46: {  	_ =	shalt  }
0x47: {  	_ =	shalt  }
0x48: {  	_ =	shalt  }
0x49: {  	_ =	shalt  }
0x4a: {  	_ =	shalt  }
0x4b: {  	_ =	shalt  }
0x4c: {  	_ =	shalt  }
0x4d: {  	_ =	shalt  }
0x4e: {  	_ =	shalt  }
0x4f: {  	_ =	shalt  }
0x50: {  	_ =	shalt  }
0x51: {  	_ =	shalt  }
0x52: {  	_ =	shalt  }
0x53: {  	_ =	shalt  }
0x54: {  	_ =	shalt  }
0x55: {  	_ =	shalt  }
0x56: {  	_ =	shalt  }
0x57: {  	_ =	shalt  }
0x58: {  	_ =	shalt  }
0x59: {  	_ =	shalt  }
0x5a: {  	_ =	shalt  }
0x5b: {  	_ =	shalt  }
0x5c: {  	_ =	shalt  }
0x5d: {  	_ =	shalt  }
0x5e: {  	_ =	shalt  }
0x5f: {  	_ =	shalt  }
0x60: {  	_ =	shalt  }
0x61: {  	_ =	shalt  }
0x62: {  	_ =	shalt  }
0x63: {  	_ =	shalt  }
0x64: {  	_ =	shalt  }
0x65: {  	_ =	shalt  }
0x66: {  	_ =	shalt  }
0x67: {  	_ =	shalt  }
0x68: {  	_ =	shalt  }
0x69: {  	_ =	shalt  }
0x6a: {  	_ =	shalt  }
0x6b: {  	_ =	shalt  }
0x6c: {  	_ =	shalt  }
0x6d: {  	_ =	shalt  }
0x6e: {  	_ =	shalt  }
0x6f: {  	_ =	shalt  }
0x70: {  	_ =	shalt  }
0x71: {  	_ =	shalt  }
0x72: {  	_ =	shalt  }
0x73: {  	_ =	shalt  }
0x74: {  	_ =	shalt  }
0x75: {  	_ =	shalt  }
0x76: {  	_ =	shalt  }
0x77: {  	_ =	shalt  }
0x78: {  	_ =	shalt  }
0x79: {  	_ =	shalt  }
0x7a: {  	_ =	shalt  }
0x7b: {  	_ =	shalt  }
0x7c: {  	_ =	shalt  }
0x7d: {  	_ =	shalt  }
0x7e: {  	_ =	shalt  }
0x7f: {  	_ =	shalt  }
0x80: {  	_ =	shalt  }
0x81: {  	_ =	shalt  }
0x82: {  	_ =	shalt  }
0x83: {  	_ =	shalt  }
0x84: {  	_ =	shalt  }
0x85: {  	_ =	shalt  }
0x86: {  	_ =	shalt  }
0x87: {  	_ =	shalt  }
.Lfunc_end0:
.L_simem_size_0:
called_computation.1_lowered:
.L_overlay_start_0:
0x88: {  	s2 =	sld [smem:$0x3FD9]  }
0x89: {  	s3 =	sld [smem:$0x3FFE];
	_ =	sdelay $0x1  }
0x8a: {  	s1 =	srdreg.scid  }
0x8b: {  	s0 =	sand.u32 $0x1, s1  }
0x8c: {  	s17 =	sshll.u32 s0, $0xA;
	s2 =	sadd.s32 s3, s2  }
0x8d: {  	s2 =	sadd.s32 s2, s17  }
0x8e: {  	[smem:$0x3FC0] =	sst s2  }
0x8f: {  	_ = 	snop  }
0x90: {  	s2 =	sld [smem:$0x3FD0];
	(tm) =	ssettm $0x1  }
0x91: {  	s18 =	sld [smem:$0x3FFB];
	_ =	sdelay $0x3  }
0x92: {  	_ =	strace s18  }
0x93: {  	s3 =	sld [smem:$0x3FFC];
	_ =	sdelay $0x3  }
0x94: {  	_ =	strace s3  }
0x95: {  	s3 =	sld [smem:$0x3FFD];
	_ =	sdelay $0x3  }
0x96: {  	_ =	strace s3  }
0x97: {  	_ =	strace $0x8FFFFFFF  }
0x98: {  	s19 =	sld [smem:$0x3FDB];
	_ =	sdelay $0x1  }
0x99: {  	s4 =	simm.s32 $_scs_section_size  }
0x9a: {  	s5 =	simm.s32 $_size__tile_overlayer_lowered;
	s6 =	simm.s32 $_tile_overlayer_lowered  }
0x9b: {  	s22 =	simm.s32 $0x1BFF;
	s21 =	sshll.u32 s6, $0x1;
	s3 =	sadd.s32 s4, s19  }
0x9c: {  	s7 =	simm.s32 $0x0;
	s20 =	sshll.u32 s5, $0x1;
	s5 =	sadd.s32 s21, s3  }
0x9d: {  	[timem:s7], [sflag:s22] =	dma.local [hbm:s5], s20  }
0x9e: {  	_ =	swait.ge [sflag:s22], s20  }
0x9f: {  	s4 =	ssub.s32 $0x0, s20;
	[sflag:s22] =	ssyncset.done $0x0  }
0xa0: {  	[sflag:s22] =	ssyncadd.s32 s4;
	_ =	sdelay $0x1  }
0xa1: {  	s23 =	simm.s32 $0x1B8B  }
0xa2: {  	_ =	swait.ge [sflag:s23], $0x1  }
0xa3: {  	[sflag:s23] =	ssyncset.done $0x0  }
0xa4: {  	s25 =	simm.s32 $0x1B8E;
	s24 =	sld [smem:$0x3FFE];
	[sflag:s23] =	ssyncadd.s32 $0xFFFFFFFF  }
0xa5: {  	s26 =	simm.s32 $execute0_lowered;
	[smem:$0x3FD2] =	sst s25  }
0xa6: {  	s5 =	sshll.u32 s26, $0x1;
	_ =	strace $0x80000049;
	[dreg:$0x1] =	wrdreg $0xFFFFFFFF  }
0xa7: {  	s28 =	simm.s32 $_size_execute0_lowered;
	s3 =	sadd.s32 s3, s5;
	[dreg:$0x0] =	wrdreg $0x0  }
0xa8: {  	s5 =	sshll.u32 s28, $0x1;
	[dreg:$0x2] =	wrdreg s3  }
0xa9: {  	[dreg:$0x3] =	wrdreg s5  }
0xaa: {  	[dreg:$0x4] =	wrdreg $0xC0  }
0xab: {  	_ =	task [dreg:s7], $0x5FFFF  }
0xac: {  	[dreg:$0x1] =	wrdreg $0xFFFFFFFF  }
0xad: {  	[dreg:$0x0] =	wrdreg $0x60  }
0xae: {  	[dreg:$0x2] =	wrdreg s24  }
0xaf: {  	[dreg:$0x3] =	wrdreg s2  }
0xb0: {  	[dreg:$0x4] =	wrdreg $0xA0000  }
0xb1: {  	[dreg:$0x5] =	wrdreg $0x9  }
0xb2: {  	_ =	task.clear_ibuf [dreg:s7], $0x6FFFF;
	_ =	strace $0x90000049  }
0xb3: {  	s29 =	simm.s32 $0x9;
	_ =	strace $0x8000004B  }
0xb4: {  	_ =	swait.ge [sflag:s29], $0x1  }
0xb5: {  	[sflag:s29] =	ssyncadd.s32 $0xFFFFFFFF  }
0xb6: {  	_ =	strace $0x9000004B  }
0xb7: {  	_ =	sfence  }
0xb8: {  	s30 =	sld [smem:$0x0];
	_ =	sdelay $0x2  }
0xb9: {  	s31 =	sshll.u32 s1, $0xD;
	s1 =	sshrl.u32 s1, $0x2  }
0xba: {  	s3 =	sand.u32 $0x4000, s31;
	s1 =	sadd.s32 s1, s30  }
0xbb: {  	s0 =	sor.u32 s3, s0;
	s1 =	sshll.u32 s1, $0x11  }
0xbc: {  	s0 =	sor.u32 s1, s0  }
0xbd: {  	s0 =	sadd.s32 $0x8F2B, s0  }
0xbe: {  	[sflag:s0] =	ssyncadd.remote.s32 $0x1  }
0xbf: {  	_ =	sfence.sel $0xFFFF  }
0xc0: {  	[dreg:$0x0] =	wrdreg $0xFFFFFFFF;
	(pc) =	sbr.abs _section_cstart, $3  }
0xc1: {  	[dreg:$0x1] =	wrdreg $0xFFFFFFFF  }
0xc2: {  	_ =	task.clear_ibuf [dreg:s7], $0x2FFFF;
	_ =	strace $0x9FFFFFFF  }
0xc3: {  	(tm) =	ssettm $0x7FFFFFFF  }
tec
execute0_lowered:
.L_overlay_start_1:
0x0: {  	(tag) =	ssettag $0x1  }
0x1: {  	s0 =	rddreg [dreg:$0x0]  }
0x2: {  	s1 =	rddreg [dreg:$0x1]  }
0x3: {  	s2 =	rddreg [dreg:$0x2];
	s3 =	srdreg.scid;
	s4 =	simm.s32 $0x0  }
0x4: {  	s12 =	stileid.u32;
	s30 =	simm.s32 $0x400;
	s31 =	simm.s32 $0xA  }
0x5: {  	s28 =	simm.s32 $0x0;
	s3 =	sand.u32 $0x1, s3;
	s7 =	smul.u32 $0x13C00, s12  }
0x6: {  	[smem:$0x7FF] =	sst s4;
	s5 =	sadd.s32 $0xC200, s0;
	s9 =	smul.u32 $0x4F000, s12  }
0x7: {  	s6 =	smul.u32 $0x13C000, s3;
	_ =	strace $0x8000004A;
	s8 =	sshll.u32 s3, $0x4  }
0x8: {  	s10 =	ssub.s32 $0x2, s3;
	s3 =	smul.u32 $0x27100, s3;
	s8 =	sor.u32 s12, s8  }
0x9: {  	s9 =	sshrl.u32 s9, $0x2;
	s11 =	sshrl.u32 s10, $0x1;
	s12 =	smul.u32 $0x2710, s12  }
0xa: {  	s7 =	sadd.s32 s7, s6;
	s6 =	sadd.s32 $0x2400, s0;
	s8 =	smul.u32 $0x2710, s8  }
0xb: {  	s20 =	ssub.s32 s10, s11;
	s7 =	sshrl.u32 s7, $0x3;
	s3 =	sadd.s32 s12, s3  }
0xc: {  	s0 =	sadd.s32 s7, s0;
	s7 =	sadd.s32 s9, s2;
	s9 =	smax.u32 s20, $0x1  }
0xd: {  	s11 =	simm.s32 $0x68;
	s20 =	sadd.s32 $0x138, s3;
	[dreg:$0x10] =	wrdreg s9  }
0xe: {  	s22 =	sshrl.u32 s8, $0x3;
	s21 =	sadd.s32 $0x3400, s7;
	[dreg:$0x11] =	wrdreg s20  }
0xf: {  	s8 =	sadd.s32 $0x68, s8;
	s23 =	sadd.s32 $0x6800, s7;
	[dreg:$0x4] =	wrdreg s21  }
0x10: {  	s17 =	sadd.s32 $0x208, s3;
	s24 =	sadd.s32 $0x9C00, s7;
	[dreg:$0x5] =	wrdreg s23  }
0x11: {  	s19 =	sadd.s32 $0x1A0, s3;
	s25 =	sadd.s32 s1, s22;
	[dreg:$0x6] =	wrdreg s24  }
0x12: {  	s26 =	sadd.s32 s6, s22;
	s8 =	sshrl.u32 s8, $0x3;
	[dreg:$0x7] =	wrdreg s25  }
0x13: {  	s29 =	sadd.s32 $0x1A, s22;
	s0 =	sadd.s32 $0x33400, s0;
	[dreg:$0x8] =	wrdreg s26  }
0x14: {  	s16 =	sadd.s32 $0x4E0, s22;
	s13 =	sadd.s32 s1, s8;
	[dreg:$0xf] =	wrdreg s0  }
0x15: {  	s18 =	sshrl.u32 s17, $0x3;
	s8 =	sadd.s32 s6, s8;
	[dreg:$0x9] =	wrdreg s13  }
0x16: {  	s9 =	simm.s32 $0x280;
	s14 =	sadd.s32 s1, s29;
	[dreg:$0xa] =	wrdreg s8  }
0x17: {  	s17 =	simm.s32 $0x8;
	s15 =	sadd.s32 s6, s29;
	[dreg:$0xb] =	wrdreg s14  }
0x18: {  	s10 =	sadd.s32 s1, s16;
	s21 =	sadd.s32 s18, s6;
	[dreg:$0xc] =	wrdreg s15  }
0x19: {  	s22 =	sadd.s32 s18, s1;
	s25 =	sadd.s32 $0xD000, s7;
	[dreg:$0xd] =	wrdreg s10  }
0x1a: {  	s26 =	sadd.s32 $0x10400, s7;
	s29 =	sadd.s32 $0x13800, s7;
	[dreg:$0x12] =	wrdreg s25  }
.Ltmp0:
0x1b: {  	s0 =	simm.s32 $0x200;
	[dreg:$0x13] =	wrdreg s26;
	(pc) =	sbr.rel .LBB2_1-.Ltmp0, $4  }
0x1c: {  	s18 =	simm.s32 $0x9;
	s8 =	sadd.s32 s6, s16;
	[dreg:$0x14] =	wrdreg s29  }
0x1d: {  	s13 =	simm.s32 $0x3800;
	s14 =	simm.s32 $0x6;
	s15 =	simm.s32 $0x6C00  }
0x1e: {  	s16 =	simm.s32 $0x1;
	[dreg:$0xe] =	wrdreg s8;
	s8 =	sshrl.u32 s19, $0x3  }
0x1f: {  	v0 =	vimm.f32 $0.0e+00;
	s23 =	sadd.s32 s8, s6;
	s24 =	sadd.s32 s8, s1;
	s8 =	simm.s32 $0x100  }
.LBB2_6:
0x20: {  	s3 =	rddreg [dreg:$0xd];
	s10 =	simm.s32 $0x300  }
0x21: {  	[tilespmem:s10], [sflag:$0xA] =	stream.linear.gather [hbm4b:s3+s4], $0x10, $0x38;
	[tilespmem:$0x1DC00] =	vst v63  }
0x22: {  	_ =	swait.ge [sflag:s31], $0x10  }
0x23: {  	[sflag:s31] =	ssyncset.done $0x0  }
0x24: {  	s12 =	simm.s32 $0x380;
	s29 =	rddreg [dreg:$0xe];
	[sflag:s31] =	ssyncadd.s32 $0xFFFFFFF0  }
0x25: {  	[tilespmem:s12], [sflag:$0xA] =	stream.linear.gather [hbm4b:s29+s4], $0x10, $0x38;
	[tilespmem:$0x1DC00] =	vst v63  }
0x26: {  	_ =	swait.ge [sflag:s31], $0x10  }
0x27: {  	[sflag:s31] =	ssyncset.done $0x0  }
0x28: {  	s19 =	simm.s32 $0x10;
	[sflag:s31] =	ssyncadd.s32 $0xFFFFFFF0  }
0x29: {  	[tilespmem:s30], [sflag:$0xA] =	stream.indirect.gather [hbm4b:s5+s19], $0x80, s10, s19, $0xb8;
	[tilespmem:$0x1DC00] =	vst v63  }
0x2a: {  	_ =	swait.ge [sflag:s31], $0x800  }
0x2b: {  	[sflag:s31] =	ssyncset.done $0x0  }
0x2c: {  	[sflag:s31] =	ssyncadd.s32 $0xFFFFF800  }
0x2d: {  	[spmem:s2] =	stream.indirect.scatter.add.f32 [tilespmem:s30], [sflag:$0xA], $0x80, s12, s19, $0xb8;
	[tilespmem:$0x1DC00] =	vst v63  }
0x2e: {  	_ =	swait.ge [sflag:s31], $0x800  }
0x2f: {  	[sflag:s31] =	ssyncset.done $0x0  }
0x30: {  	s20 =	stileid.u32;
	[sflag:s31] =	ssyncadd.s32 $0xFFFFF800  }
0x31: {  	s3 =	sshll.u32 s20, $0x6;
	[bflag:$0x0] =	sbarrier.arrive $0xFFFF  }
0x32: {  	s25 =	sshrl.u32 s7, $0x3;
	s3 =	sor.u32 $0x1C0A, s3;
	s26 =	rddreg [dreg:$0xf]  }
0x33: {  	[hbm:s26], [sflag:s3] =	dma.local [spmem:s25], $0x2780  }
0x34: {  	_ =	swait.ge [sflag:s31], $0x2780  }
0x35: {  	s28 =	sadd.s32 $0x1, s28;
	s29 =	rddreg [dreg:$0x10]  }
0x36: {  	p0 =	sne.s32 s28, s29  }
.Ltmp1:
0x37: {  	_ = 	snop;
	(pc) =	sbr.rel @!p0 .LBB2_7-.Ltmp1, $3  }
0x38: {  	_ =	sdelay $0x1  }
0x39: {  	[sflag:s31] =	ssyncset.done $0x0  }
0x3a: {  	[sflag:s31] =	ssyncadd.s32 $0xFFFFD880  }
.LBB2_1:
0x3b: {  	s25 =	simm.s32 $0x0;
	s29 =	simm.s32 $0x200  }
.LBB2_2:
0x3c: {  	p0 =	sne.s32 s29, $0xCE00;
	[tilespmem:s25+$0x470] =	vst v0  }
0x3d: {  	[tilespmem:s25+$0x400] =	vst v0  }
0x3e: {  	[tilespmem:s25+$0x410] =	vst v0  }
.Ltmp2:
0x3f: {  	[tilespmem:s25+$0x420] =	vst v0;
	(pc) =	sbr.rel @p0 .LBB2_2-.Ltmp2, $4  }
0x40: {  	[tilespmem:s25+$0x430] =	vst v0  }
0x41: {  	[tilespmem:s25+$0x440] =	vst v0  }
0x42: {  	[tilespmem:s25+$0x450] =	vst v0  }
0x43: {  	[tilespmem:s25+$0x460] =	vst v0;
	s25 =	sshra.s32 s29, $0x2;
	s29 =	sadd.s32 $0x200, s29  }
0x44: {  	[tilespmem:s25+$0x470] =	vst v0  }
0x45: {  	[tilespmem:s25+$0x400] =	vst v0  }
0x46: {  	[tilespmem:s25+$0x410] =	vst v0  }
0x47: {  	[tilespmem:s25+$0x420] =	vst v0  }
0x48: {  	[tilespmem:s25+$0x430] =	vst v0  }
0x49: {  	[tilespmem:s25+$0x440] =	vst v0  }
0x4a: {  	[tilespmem:s25+$0x450] =	vst v0  }
0x4b: {  	[tilespmem:s25+$0x460] =	vst v0  }
0x4c: {  	[spmem:s7] =	stream.linear.scatter [tilespmem:s30], [sflag:$0xA], $0x3400, $0x38;
	[tilespmem:$0x1DC00] =	vst v63  }
0x4d: {  	_ =	swait.ge [sflag:s31], $0x3400  }
0x4e: {  	[sflag:s31] =	ssyncset.done $0x0  }
0x4f: {  	s3 =	rddreg [dreg:$0x4];
	[sflag:s31] =	ssyncadd.s32 $0xFFFFCC00  }
0x50: {  	[spmem:s3] =	stream.linear.scatter [tilespmem:s30], [sflag:$0xA], $0x3400, $0x38;
	[tilespmem:$0x1DC00] =	vst v63  }
0x51: {  	_ =	swait.ge [sflag:s31], $0x3400  }
0x52: {  	[sflag:s31] =	ssyncset.done $0x0  }
0x53: {  	s19 =	rddreg [dreg:$0x5];
	[sflag:s31] =	ssyncadd.s32 $0xFFFFCC00  }
0x54: {  	[spmem:s19] =	stream.linear.scatter [tilespmem:s30], [sflag:$0xA], $0x3400, $0x38;
	[tilespmem:$0x1DC00] =	vst v63  }
0x55: {  	_ =	swait.ge [sflag:s31], $0x3400  }
0x56: {  	[sflag:s31] =	ssyncset.done $0x0  }
0x57: {  	s20 =	rddreg [dreg:$0x6];
	[sflag:s31] =	ssyncadd.s32 $0xFFFFCC00  }
0x58: {  	[spmem:s20] =	stream.linear.scatter [tilespmem:s30], [sflag:$0xA], $0x3400, $0x38;
	[tilespmem:$0x1DC00] =	vst v63  }
0x59: {  	_ =	swait.ge [sflag:s31], $0x3400  }
0x5a: {  	[sflag:s31] =	ssyncset.done $0x0  }
0x5b: {  	s25 =	rddreg [dreg:$0x12];
	[sflag:s31] =	ssyncadd.s32 $0xFFFFCC00  }
0x5c: {  	[spmem:s25] =	stream.linear.scatter [tilespmem:s30], [sflag:$0xA], $0x3400, $0x38;
	[tilespmem:$0x1DC00] =	vst v63  }
0x5d: {  	_ =	swait.ge [sflag:s31], $0x3400  }
0x5e: {  	[sflag:s31] =	ssyncset.done $0x0  }
0x5f: {  	s26 =	rddreg [dreg:$0x13];
	[sflag:s31] =	ssyncadd.s32 $0xFFFFCC00  }
0x60: {  	[spmem:s26] =	stream.linear.scatter [tilespmem:s30], [sflag:$0xA], $0x3400, $0x38;
	[tilespmem:$0x1DC00] =	vst v63  }
0x61: {  	_ =	swait.ge [sflag:s31], $0x3400  }
0x62: {  	[sflag:s31] =	ssyncset.done $0x0  }
0x63: {  	s10 =	rddreg [dreg:$0x14];
	[sflag:s31] =	ssyncadd.s32 $0xFFFFCC00  }
0x64: {  	[spmem:s10] =	stream.linear.scatter [tilespmem:s30], [sflag:$0xA], $0x400, $0x38;
	[tilespmem:$0x1DC00] =	vst v63  }
0x65: {  	_ =	swait.ge [sflag:s31], $0x400  }
0x66: {  	[sflag:s31] =	ssyncset.done $0x0  }
0x67: {  	[sflag:s31] =	ssyncadd.s32 $0xFFFFFC00  }
0x68: {  	[bflag:$0x0] =	sbarrier.arrive $0xFFFF  }
0x69: {  	s25 =	simm.s32 $0x0;
	s12 =	rddreg [dreg:$0x7]  }
0x6a: {  	[tilespmem:s25], [sflag:$0x4] =	stream.linear.gather [hbm4b:s12+s25], $0x68, $0x38;
	[tilespmem:$0x1DC00] =	vst v63  }
0x6b: {  	s10 =	simm.s32 $0x180;
	s19 =	rddreg [dreg:$0x8]  }
0x6c: {  	[tilespmem:s10], [sflag:$0x7] =	stream.linear.gather [hbm4b:s19+s25], $0x68, $0x38;
	[tilespmem:$0x1DC00] =	vst v63  }
0x6d: {  	s20 =	rddreg [dreg:$0x9];
	s10 =	simm.s32 $0x80  }
0x6e: {  	[tilespmem:s10], [sflag:$0x5] =	stream.linear.gather [hbm4b:s20+s25], $0x68, $0x38;
	[tilespmem:$0x1DC00] =	vst v63  }
0x6f: {  	s26 =	rddreg [dreg:$0xa]  }
0x70: {  	[tilespmem:s0], [sflag:$0x8] =	stream.linear.gather [hbm4b:s26+s25], $0x68, $0x38;
	[tilespmem:$0x1DC00] =	vst v63  }
0x71: {  	s12 =	rddreg [dreg:$0xb]  }
0x72: {  	[tilespmem:s8], [sflag:$0x6] =	stream.linear.gather [hbm4b:s12+s25], $0x68, $0x38;
	[tilespmem:$0x1DC00] =	vst v63  }
0x73: {  	s19 =	rddreg [dreg:$0xc];
	s20 =	simm.s32 $0x4  }
0x74: {  	[tilespmem:s9], [sflag:$0x9] =	stream.linear.gather [hbm4b:s19+s25], $0x68, $0x38;
	[tilespmem:$0x1DC00] =	vst v63  }
0x75: {  	_ =	swait.ge [sflag:s20], $0x68  }
0x76: {  	[sflag:s20] =	ssyncset.done $0x0  }
0x77: {  	s26 =	simm.s32 $0x5;
	[sflag:s20] =	ssyncadd.s32 $0xFFFFFF98  }
0x78: {  	[tilespmem:s30], [sflag:$0x1] =	stream.indirect.gather [hbm4b:s5+s11], $0x80, s25, s11, $0xb8;
	[tilespmem:$0x1DC00] =	vst v63  }
0x79: {  	_ =	swait.ge [sflag:s26], $0x68  }
0x7a: {  	[sflag:s26] =	ssyncset.done $0x0  }
0x7b: {  	[sflag:s26] =	ssyncadd.s32 $0xFFFFFF98  }
0x7c: {  	[tilespmem:s13], [sflag:$0x2] =	stream.indirect.gather [hbm4b:s5+s11], $0x80, s10, s11, $0xb8;
	[tilespmem:$0x1DC00] =	vst v63  }
0x7d: {  	_ =	swait.ge [sflag:s14], $0x68  }
0x7e: {  	[sflag:s14] =	ssyncset.done $0x0  }
0x7f: {  	s29 =	rddreg [dreg:$0x11];
	[sflag:s14] =	ssyncadd.s32 $0xFFFFFF98  }
0x80: {  	[tilespmem:s15], [sflag:$0x3] =	stream.indirect.gather [hbm4b:s5+s11], $0x80, s8, s11, $0xb8;
	[tilespmem:$0x1DC00] =	vst v63  }
.LBB2_4:
0x81: {  	_ =	swait.ge [sflag:s16], $0x3400  }
0x82: {  	p0 =	seq.s32 s25, $0x4B9;
	[sflag:s16] =	ssyncset.done $0x0  }
0x83: {  	s3 =	simm.s32 @p0 $0x7;
	[sflag:s16] =	ssyncadd.s32 $0xFFFFCC00  }
0x84: {  	_ =	swait.ge @p0 [sflag:s3], $0x68  }
0x85: {  	s19 =	simm.s32 @p0 $0x180;
	[sflag:s3] =	ssyncset.done @p0 $0x0  }
0x86: {  	s20 =	simm.s32 @p0 $0x400;
	[sflag:s3] =	ssyncadd.s32 @p0 $0xFFFFFF98;
	s3 =	simm.s32 @p0 $0x68  }
0x87: {  	[spmem:s2] =	stream.indirect.scatter.add.f32 @p0 [tilespmem:s20], [sflag:$0xA], $0x80, s19, s3, $0xb8;
	[tilespmem:$0x1DC00] =	vst v63  }
0x88: {  	s3 =	simm.s32 @p0 $0xA  }
0x89: {  	_ =	swait.ge @p0 [sflag:s3], $0x3400  }
0x8a: {  	[sflag:s3] =	ssyncset.done @p0 $0x0  }
0x8b: {  	[sflag:s3] =	ssyncadd.s32 @p0 $0xFFFFCC00;
	s3 =	simm.s32 @p0 $0x2  }
0x8c: {  	_ =	swait.ge @p0 [sflag:s3], $0x3400  }
0x8d: {  	s19 =	sshrl.u32 @!p0 s29, $0x3;
	[sflag:s3] =	ssyncset.done @p0 $0x0  }
0x8e: {  	s20 =	simm.s32 @!p0 $0x0;
	[sflag:s3] =	ssyncadd.s32 @p0 $0xFFFFCC00;
	s3 =	sadd.s32 @!p0 s1, s19  }
0x8f: {  	[tilespmem:s20], [sflag:$0x4] =	stream.linear.gather @!p0 [hbm4b:s3+s20], $0x68, $0x38;
	[tilespmem:$0x1DC00] =	vst v63  }
0x90: {  	s3 =	simm.s32 @!p0 $0x7  }
0x91: {  	_ =	swait.ge @!p0 [sflag:s3], $0x68  }
0x92: {  	s26 =	simm.s32 @!p0 $0x180;
	s10 =	simm.s32 @!p0 $0x400;
	[sflag:s3] =	ssyncset.done @!p0 $0x0  }
0x93: {  	s12 =	simm.s32 @!p0 $0xA;
	[sflag:s3] =	ssyncadd.s32 @!p0 $0xFFFFFF98;
	s3 =	simm.s32 @!p0 $0x68  }
0x94: {  	[spmem:s2] =	stream.indirect.scatter.add.f32 @!p0 [tilespmem:s10], [sflag:$0xA], $0x80, s26, s3, $0xb8;
	[tilespmem:$0x1DC00] =	vst v63  }
0x95: {  	_ =	swait.ge @!p0 [sflag:s12], $0x3400  }
0x96: {  	[sflag:s12] =	ssyncset.done @!p0 $0x0  }
0x97: {  	[sflag:s12] =	ssyncadd.s32 @!p0 $0xFFFFCC00;
	s12 =	sadd.s32 @!p0 s6, s19  }
0x98: {  	[tilespmem:s26], [sflag:$0x7] =	stream.linear.gather @!p0 [hbm4b:s12+s20], $0x68, $0x38;
	[tilespmem:$0x1DC00] =	vst v63  }
0x99: {  	s12 =	simm.s32 @!p0 $0x4  }
0x9a: {  	_ =	swait.ge @!p0 [sflag:s12], $0x68  }
0x9b: {  	[sflag:s12] =	ssyncset.done @!p0 $0x0  }
0x9c: {  	[sflag:s12] =	ssyncadd.s32 @!p0 $0xFFFFFF98  }
0x9d: {  	[tilespmem:s10], [sflag:$0x1] =	stream.indirect.gather @!p0 [hbm4b:s5+s3], $0x80, s20, s3, $0xb8;
	[tilespmem:$0x1DC00] =	vst v63  }
0x9e: {  	s10 =	simm.s32 @!p0 $0x2  }
0x9f: {  	_ =	swait.ge @!p0 [sflag:s10], $0x3400  }
0xa0: {  	[sflag:s10] =	ssyncset.done @!p0 $0x0  }
0xa1: {  	s12 =	simm.s32 @!p0 $0x80;
	[sflag:s10] =	ssyncadd.s32 @!p0 $0xFFFFCC00;
	s10 =	sadd.s32 @!p0 s25, s24  }
0xa2: {  	[tilespmem:s12], [sflag:$0x5] =	stream.linear.gather @!p0 [hbm4b:s10+s20], $0x68, $0x38;
	[tilespmem:$0x1DC00] =	vst v63  }
0xa3: {  	_ =	swait.ge [sflag:s17], $0x68  }
0xa4: {  	[sflag:s17] =	ssyncset.done $0x0  }
0xa5: {  	[sflag:s17] =	ssyncadd.s32 $0xFFFFFF98  }
0xa6: {  	[spmem:s2] =	stream.indirect.scatter.add.f32 [tilespmem:s13], [sflag:$0xA], $0x80, s0, s11, $0xb8;
	[tilespmem:$0x1DC00] =	vst v63  }
0xa7: {  	_ =	swait.ge [sflag:s31], $0x3400  }
0xa8: {  	[sflag:s31] =	ssyncset.done $0x0  }
0xa9: {  	s10 =	simm.s32 @p0 $0x3;
	[sflag:s31] =	ssyncadd.s32 $0xFFFFCC00  }
0xaa: {  	_ =	swait.ge @p0 [sflag:s10], $0x3400  }
0xab: {  	[sflag:s10] =	ssyncset.done @p0 $0x0  }
0xac: {  	s19 =	simm.s32 @!p0 $0x200;
	[sflag:s10] =	ssyncadd.s32 @p0 $0xFFFFCC00;
	s10 =	sadd.s32 @!p0 s25, s23  }
0xad: {  	[tilespmem:s19], [sflag:$0x8] =	stream.linear.gather @!p0 [hbm4b:s10+s20], $0x68, $0x38;
	[tilespmem:$0x1DC00] =	vst v63  }
0xae: {  	s10 =	simm.s32 @!p0 $0x5  }
0xaf: {  	_ =	swait.ge @!p0 [sflag:s10], $0x68  }
0xb0: {  	[sflag:s10] =	ssyncset.done @!p0 $0x0  }
0xb1: {  	[sflag:s10] =	ssyncadd.s32 @!p0 $0xFFFFFF98;
	s10 =	simm.s32 @!p0 $0x3800  }
0xb2: {  	[tilespmem:s10], [sflag:$0x2] =	stream.indirect.gather @!p0 [hbm4b:s5+s3], $0x80, s12, s3, $0xb8;
	[tilespmem:$0x1DC00] =	vst v63  }
0xb3: {  	s3 =	simm.s32 @!p0 $0x3  }
0xb4: {  	_ =	swait.ge @!p0 [sflag:s3], $0x3400  }
0xb5: {  	[sflag:s3] =	ssyncset.done @!p0 $0x0  }
0xb6: {  	s10 =	simm.s32 @!p0 $0x100;
	[sflag:s3] =	ssyncadd.s32 @!p0 $0xFFFFCC00;
	s3 =	sadd.s32 @!p0 s25, s22  }
0xb7: {  	[tilespmem:s10], [sflag:$0x6] =	stream.linear.gather @!p0 [hbm4b:s3+s20], $0x68, $0x38;
	[tilespmem:$0x1DC00] =	vst v63  }
0xb8: {  	_ =	swait.ge [sflag:s18], $0x68  }
0xb9: {  	[sflag:s18] =	ssyncset.done $0x0  }
.Ltmp3:
0xba: {  	[sflag:s18] =	ssyncadd.s32 $0xFFFFFF98;
	(pc) =	sbr.rel @p0 .LBB2_6-.Ltmp3, $4  }
0xbb: {  	[spmem:s2] =	stream.indirect.scatter.add.f32 [tilespmem:s15], [sflag:$0xA], $0x80, s9, s11, $0xb8;
	[tilespmem:$0x1DC00] =	vst v63  }
0xbc: {  	_ =	swait.ge [sflag:s31], $0x3400  }
0xbd: {  	[sflag:s31] =	ssyncset.done $0x0  }
0xbe: {  	[sflag:s31] =	ssyncadd.s32 $0xFFFFCC00  }
0xbf: {  	s3 =	sadd.s32 s25, s21  }
0xc0: {  	[tilespmem:s9], [sflag:$0x9] =	stream.linear.gather [hbm4b:s3+s4], $0x68, $0x38;
	[tilespmem:$0x1DC00] =	vst v63  }
.Ltmp4:
0xc1: {  	_ = 	snop;
	(pc) =	sbr.rel .LBB2_4-.Ltmp4, $4  }
0xc2: {  	_ =	swait.ge [sflag:s14], $0x68  }
0xc3: {  	[sflag:s14] =	ssyncset.done $0x0  }
0xc4: {  	s25 =	sadd.s32 $0x27, s25;
	s29 =	sadd.s32 $0x138, s29;
	[sflag:s14] =	ssyncadd.s32 $0xFFFFFF98  }
0xc5: {  	[tilespmem:s15], [sflag:$0x3] =	stream.indirect.gather [hbm4b:s5+s11], $0x80, s8, s11, $0xb8;
	[tilespmem:$0x1DC00] =	vst v63  }
.LBB2_7:
0xc6: {  	_ =	sfence.sel $0x180000  }
0xc7: {  	[bflag:$0x0] =	sbarrier.arrive $0xFFFF  }
0xc8: {  	_ =	strace $0x9000004A  }
0xc9: {  	s0 =	stileid.u32;
	[bflag:$0x2] =	sbarrier.arrive $0xFFFF  }
0xca: {  	p0 =	sne.s32 s0, $0x0;
	s0 =	rddreg [dreg:$0x3]  }
0xcb: {  	s0 =	sadd.s32 @!p0 $0x100000, s0  }
0xcc: {  	[sflag:s0] =	ssyncadd.tile.s32 @!p0 $0x1;
	_ =	shalt  }
.Lfunc_end2:
_tile_overlayer_lowered:
.L_overlay_start_2:
0xcd: {  	(tag) =	ssettag $0x2  }
0xce: {  	s0 =	rddreg [dreg:$0x0];
	s2 =	stileid.u32  }
0xcf: {  	s1 =	rddreg [dreg:$0x1];
	p0 =	sne.s32 s2, $0x0  }
0xd0: {  	s3 =	rddreg [dreg:$0x2];
	[bflag:$0x3] =	sbarrier.arrive $0xFFFF;
	s2 =	simm.s32 @!p0 $0x1C0A  }
0xd1: {  	[timem:s3], [sflag:s2] =	dma.local @!p0 [hbm:s0], s1  }
0xd2: {  	s0 =	simm.s32 @!p0 $0xA  }
0xd3: {  	_ =	swait.ge @!p0 [sflag:s0], s1  }
0xd4: {  	s1 =	ssub.s32 @!p0 $0x0, s1;
	[sflag:s0] =	ssyncset.done @!p0 $0x0  }
0xd5: {  	[sflag:s0] =	ssyncadd.s32 @!p0 s1  }
0xd6: {  	[bflag:$0x3] =	sbarrier.arrive $0xFFFF  }
0xd7: {  	_ =	shalt  }

// kernel: kernel.14.cloned.1.call-start
scs
__scs_entry_jumppad:
0x0: {  	(pc) =	sbr.rel $0x88, $3  }
0x1: {  	(tag) =	ssettag $0x0;
	lr =	simm.s32 $0x1  }
0x2: {  	[smem:$0x3F99] =	sst lr;
	_ =	strace $0xD0000000  }
0x3: {  	_ = 	snop  }
0x4: {  	_ = 	snop  }
0x5: {  	_ = 	snop  }
0x6: {  	_ = 	snop  }
0x7: {  	_ = 	snop  }
__scs_overlays_trampoline_lowered:
0x8: {  	[smem:$0x3FA8] =	sst s0  }
0x9: {  	[smem:$0x3FA9] =	sst s1  }
0xa: {  	[smem:$0x3FAA] =	sst s2  }
0xb: {  	[smem:$0x3FAB] =	sst s3  }
0xc: {  	[smem:$0x3FAC] =	sst s4  }
0xd: {  	[smem:$0x3FAD] =	sst s5  }
0xe: {  	[smem:$0x3FAE] =	sst s6  }
0xf: {  	[smem:$0x3FAF] =	sst s7  }
0x10: {  	[smem:$0x3FB0] =	sst s8  }
0x11: {  	[smem:$0x3FB1] =	sst s9;
	s0 =	simm.s32 @!p0 $0x0  }
0x12: {  	s1 =	sld [smem:$0x3F97];
	s0 =	simm.s32 @p0 $0x1  }
0x13: {  	[smem:$0x3FB2] =	sst s0;
	s0 =	simm.s32 @!p1 $0x0  }
0x14: {  	s2 =	sld [smem:$0x3F96];
	s0 =	simm.s32 @p1 $0x1  }
0x15: {  	[smem:$0x3FB3] =	sst s0;
	s0 =	simm.s32 @!p2 $0x0  }
0x16: {  	s3 =	sld [smem:$0x3FDB];
	s0 =	simm.s32 @p2 $0x1  }
0x17: {  	s4 =	simm.s32 $0x1BF5;
	[smem:$0x3FB5] =	sst s0  }
0x18: {  	s0 =	sld [smem:$0x3F98];
	_ =	swait.ge [sflag:s4], $0x0  }
0x19: {  	s7 =	sld [smem:$0x3F99]  }
0x1a: {  	s8 =	sadd.s32 $0xFFFFE003, lr  }
0x1b: {  	s9 =	sadd.s32 $0xFFFFFEF7, lr;
	s5 =	simm.s32 $0xFFFFFFFF;
	p2 =	slt.u32 s8, $0xFFFFF086  }
0x1c: {  	p1 =	slt.u32 s9, $0xF7A;
	s5 =	simm.s32 @!p2 $0x0  }
0x1d: {  	s5 =	simm.s32 @p1 $0x1;
	p0 =	seq.s32 s7, s2  }
0x1e: {  	s7 =	smul.u32 @!p0 $0xF7A, s2;
	p2 =	seq.s32 @!p0 s5, $0x0  }
0x1f: {  	s9 =	smul.u32 $0xF7A, s1;
	s8 =	simm.s32 @!p0 $0x1BF5;
	p2 =	por !p2, p0  }
0x20: {  	[sflag:s8] =	ssyncset.s32 @!p0 $0xFFFFF086;
	s6 =	sadd.s32 @!p0 s3, s7;
	s7 =	simm.s32 @!p0 $0x108  }
0x21: {  	s3 =	sadd.s32 s3, s9;
	s6 =	sadd.s32 @!p0 $0x88, s6;
	s7 =	simm.s32 @p2 $0x1082  }
0x22: {  	[simem:s7], [sflag:s8] =	dma.local @!p0 [hbm:s6], $0xF7A  }
0x23: {  	s9 =	sor.u32 $0xD0000000, s2;
	s6 =	simm.s32 $0x108;
	_ =	swait.ge @!p0 [sflag:s8], $0x0  }
0x24: {  	s3 =	sadd.s32 $0x88, s3;
	s6 =	simm.s32 @!p1 $0x1082;
	[sflag:s4] =	ssyncset.s32 $0xFFFFF086  }
0x25: {  	[simem:s6], [sflag:s4] =	dma.local [hbm:s3], $0xF7A  }
0x26: {  	[smem:$0x3F99] =	sst s1;
	(tag) =	ssettag s2;
	_ =	strace s9  }
0x27: {  	s1 =	sld [smem:$0x3FA9]  }
0x28: {  	s2 =	sld [smem:$0x3FAA]  }
0x29: {  	s4 =	sld [smem:$0x3FAC]  }
0x2a: {  	p0 =	seq.s32 s5, $0x0;
	s5 =	sld [smem:$0x3FAD]  }
0x2b: {  	s6 =	sld [smem:$0x3FAE]  }
0x2c: {  	s7 =	sld [smem:$0x3FAF]  }
0x2d: {  	s3 =	simm.s32 $0x108;
	s8 =	sld [smem:$0x3FB0]  }
0x2e: {  	s3 =	simm.s32 @!p0 $0x1082;
	s9 =	sld [smem:$0x3FB1]  }
0x2f: {  	lr =	sadd.s32 s0, s3;
	s0 =	sld [smem:$0x3FA8]  }
0x30: {  	s3 =	sld [smem:$0x3FAB]  }
0x31: {  	[smem:$0x3FB4] =	sst s10  }
0x32: {  	s10 =	sld [smem:$0x3FB2];
	_ =	sdelay $0x3  }
0x33: {  	p0 =	seq.s32 s10, $0x1;
	s10 =	sld [smem:$0x3FB4];
	_ =	sdelay $0x3  }
0x34: {  	[smem:$0x3FB4] =	sst s10  }
0x35: {  	s10 =	sld [smem:$0x3FB3];
	_ =	sdelay $0x3  }
0x36: {  	p1 =	seq.s32 s10, $0x1;
	s10 =	sld [smem:$0x3FB4];
	_ =	sdelay $0x3  }
0x37: {  	[smem:$0x3FB4] =	sst s10  }
0x38: {  	s10 =	sld [smem:$0x3FB5]  }
0x39: {  	_ = 	snop;
	(pc) =	sbr.ind lr, $3  }
0x3a: {  	_ = 	snop  }
0x3b: {  	_ = 	snop  }
0x3c: {  	p2 =	seq.s32 s10, $0x1;
	s10 =	sld [smem:$0x3FB4]  }
0x3d: {  	_ =	shalt  }
0x3e: {  	_ =	shalt  }
0x3f: {  	_ =	shalt  }
0x40: {  	_ =	shalt  }
0x41: {  	_ =	shalt  }
0x42: {  	_ =	shalt  }
0x43: {  	_ =	shalt  }
0x44: {  	_ =	shalt  }
0x45: {  	_ =	shalt  }
0x46: {  	_ =	shalt  }
0x47: {  	_ =	shalt  }
0x48: {  	_ =	shalt  }
0x49: {  	_ =	shalt  }
0x4a: {  	_ =	shalt  }
0x4b: {  	_ =	shalt  }
0x4c: {  	_ =	shalt  }
0x4d: {  	_ =	shalt  }
0x4e: {  	_ =	shalt  }
0x4f: {  	_ =	shalt  }
0x50: {  	_ =	shalt  }
0x51: {  	_ =	shalt  }
0x52: {  	_ =	shalt  }
0x53: {  	_ =	shalt  }
0x54: {  	_ =	shalt  }
0x55: {  	_ =	shalt  }
0x56: {  	_ =	shalt  }
0x57: {  	_ =	shalt  }
0x58: {  	_ =	shalt  }
0x59: {  	_ =	shalt  }
0x5a: {  	_ =	shalt  }
0x5b: {  	_ =	shalt  }
0x5c: {  	_ =	shalt  }
0x5d: {  	_ =	shalt  }
0x5e: {  	_ =	shalt  }
0x5f: {  	_ =	shalt  }
0x60: {  	_ =	shalt  }
0x61: {  	_ =	shalt  }
0x62: {  	_ =	shalt  }
0x63: {  	_ =	shalt  }
0x64: {  	_ =	shalt  }
0x65: {  	_ =	shalt  }
0x66: {  	_ =	shalt  }
0x67: {  	_ =	shalt  }
0x68: {  	_ =	shalt  }
0x69: {  	_ =	shalt  }
0x6a: {  	_ =	shalt  }
0x6b: {  	_ =	shalt  }
0x6c: {  	_ =	shalt  }
0x6d: {  	_ =	shalt  }
0x6e: {  	_ =	shalt  }
0x6f: {  	_ =	shalt  }
0x70: {  	_ =	shalt  }
0x71: {  	_ =	shalt  }
0x72: {  	_ =	shalt  }
0x73: {  	_ =	shalt  }
0x74: {  	_ =	shalt  }
0x75: {  	_ =	shalt  }
0x76: {  	_ =	shalt  }
0x77: {  	_ =	shalt  }
0x78: {  	_ =	shalt  }
0x79: {  	_ =	shalt  }
0x7a: {  	_ =	shalt  }
0x7b: {  	_ =	shalt  }
0x7c: {  	_ =	shalt  }
0x7d: {  	_ =	shalt  }
0x7e: {  	_ =	shalt  }
0x7f: {  	_ =	shalt  }
0x80: {  	_ =	shalt  }
0x81: {  	_ =	shalt  }
0x82: {  	_ =	shalt  }
0x83: {  	_ =	shalt  }
0x84: {  	_ =	shalt  }
0x85: {  	_ =	shalt  }
0x86: {  	_ =	shalt  }
0x87: {  	_ =	shalt  }
.Lfunc_end0:
.L_simem_size_0:
called_computation.2_lowered:
.L_overlay_start_0:
0x88: {  	s2 =	sld [smem:$0x3FD9]  }
0x89: {  	s3 =	sld [smem:$0x3FFE];
	_ =	sdelay $0x1  }
0x8a: {  	s1 =	srdreg.scid  }
0x8b: {  	s0 =	sand.u32 $0x1, s1  }
0x8c: {  	s17 =	sshll.u32 s0, $0xA;
	s2 =	sadd.s32 s3, s2  }
0x8d: {  	s2 =	sadd.s32 s2, s17  }
0x8e: {  	[smem:$0x3FC0] =	sst s2  }
0x8f: {  	_ = 	snop  }
0x90: {  	s2 =	sld [smem:$0x3FD0];
	(tm) =	ssettm $0x1  }
0x91: {  	s18 =	sld [smem:$0x3FFB];
	_ =	sdelay $0x3  }
0x92: {  	_ =	strace s18  }
0x93: {  	s3 =	sld [smem:$0x3FFC];
	_ =	sdelay $0x3  }
0x94: {  	_ =	strace s3  }
0x95: {  	s3 =	sld [smem:$0x3FFD];
	_ =	sdelay $0x3  }
0x96: {  	_ =	strace s3  }
0x97: {  	_ =	strace $0x8FFFFFFF  }
0x98: {  	s19 =	sld [smem:$0x3FDB];
	_ =	sdelay $0x1  }
0x99: {  	s4 =	simm.s32 $_scs_section_size  }
0x9a: {  	s5 =	simm.s32 $_size__tile_overlayer_lowered;
	s6 =	simm.s32 $_tile_overlayer_lowered  }
0x9b: {  	s22 =	simm.s32 $0x1BFF;
	s21 =	sshll.u32 s6, $0x1;
	s3 =	sadd.s32 s4, s19  }
0x9c: {  	s7 =	simm.s32 $0x0;
	s20 =	sshll.u32 s5, $0x1;
	s5 =	sadd.s32 s21, s3  }
0x9d: {  	[timem:s7], [sflag:s22] =	dma.local [hbm:s5], s20  }
0x9e: {  	_ =	swait.ge [sflag:s22], s20  }
0x9f: {  	s4 =	ssub.s32 $0x0, s20;
	[sflag:s22] =	ssyncset.done $0x0  }
0xa0: {  	[sflag:s22] =	ssyncadd.s32 s4;
	_ =	sdelay $0x1  }
0xa1: {  	s23 =	simm.s32 $0x1B8B  }
0xa2: {  	_ =	swait.ge [sflag:s23], $0x1  }
0xa3: {  	[sflag:s23] =	ssyncset.done $0x0  }
0xa4: {  	s25 =	simm.s32 $0x1B8E;
	s24 =	sld [smem:$0x3FFE];
	[sflag:s23] =	ssyncadd.s32 $0xFFFFFFFF  }
0xa5: {  	s26 =	simm.s32 $execute0_lowered;
	[smem:$0x3FD2] =	sst s25  }
0xa6: {  	s5 =	sshll.u32 s26, $0x1;
	_ =	strace $0x8000004C;
	[dreg:$0x1] =	wrdreg $0xFFFFFFFF  }
0xa7: {  	s28 =	simm.s32 $_size_execute0_lowered;
	s3 =	sadd.s32 s3, s5;
	[dreg:$0x0] =	wrdreg $0x0  }
0xa8: {  	s5 =	sshll.u32 s28, $0x1;
	[dreg:$0x2] =	wrdreg s3  }
0xa9: {  	[dreg:$0x3] =	wrdreg s5  }
0xaa: {  	[dreg:$0x4] =	wrdreg $0xC0  }
0xab: {  	_ =	task [dreg:s7], $0x5FFFF  }
0xac: {  	[dreg:$0x1] =	wrdreg $0xFFFFFFFF  }
0xad: {  	[dreg:$0x0] =	wrdreg $0x60  }
0xae: {  	[dreg:$0x2] =	wrdreg s24  }
0xaf: {  	[dreg:$0x3] =	wrdreg s2  }
0xb0: {  	[dreg:$0x4] =	wrdreg $0xA0000  }
0xb1: {  	[dreg:$0x5] =	wrdreg $0x9  }
0xb2: {  	_ =	task.clear_ibuf [dreg:s7], $0x6FFFF;
	_ =	strace $0x9000004C  }
0xb3: {  	s29 =	simm.s32 $0x9;
	_ =	strace $0x8000004E  }
0xb4: {  	_ =	swait.ge [sflag:s29], $0x1  }
0xb5: {  	[sflag:s29] =	ssyncadd.s32 $0xFFFFFFFF  }
0xb6: {  	_ =	strace $0x9000004E  }
0xb7: {  	_ =	sfence  }
0xb8: {  	s30 =	sld [smem:$0x0];
	_ =	sdelay $0x2  }
0xb9: {  	s31 =	sshll.u32 s1, $0xD;
	s1 =	sshrl.u32 s1, $0x2  }
0xba: {  	s3 =	sand.u32 $0x4000, s31;
	s1 =	sadd.s32 s1, s30  }
0xbb: {  	s0 =	sor.u32 s3, s0;
	s1 =	sshll.u32 s1, $0x11  }
0xbc: {  	s0 =	sor.u32 s1, s0  }
0xbd: {  	s0 =	sadd.s32 $0x8F2B, s0  }
0xbe: {  	[sflag:s0] =	ssyncadd.remote.s32 $0x1  }
0xbf: {  	_ =	sfence.sel $0xFFFF  }
0xc0: {  	[dreg:$0x0] =	wrdreg $0xFFFFFFFF;
	(pc) =	sbr.abs _section_cstart, $3  }
0xc1: {  	[dreg:$0x1] =	wrdreg $0xFFFFFFFF  }
0xc2: {  	_ =	task.clear_ibuf [dreg:s7], $0x2FFFF;
	_ =	strace $0x9FFFFFFF  }
0xc3: {  	(tm) =	ssettm $0x7FFFFFFF  }
tec
execute0_lowered:
.L_overlay_start_1:
0x0: {  	(tag) =	ssettag $0x1  }
0x1: {  	s0 =	rddreg [dreg:$0x0]  }
0x2: {  	s1 =	rddreg [dreg:$0x1]  }
0x3: {  	s2 =	rddreg [dreg:$0x2];
	s3 =	srdreg.scid;
	s4 =	simm.s32 $0x0  }
0x4: {  	s12 =	stileid.u32;
	s30 =	simm.s32 $0x400;
	s31 =	simm.s32 $0xA  }
0x5: {  	s28 =	simm.s32 $0x0;
	s3 =	sand.u32 $0x1, s3;
	s7 =	smul.u32 $0x13C00, s12  }
0x6: {  	[smem:$0x7FF] =	sst s4;
	s5 =	sadd.s32 $0xC200, s0;
	s9 =	smul.u32 $0x4F000, s12  }
0x7: {  	s6 =	smul.u32 $0x13C000, s3;
	_ =	strace $0x8000004D;
	s8 =	sshll.u32 s3, $0x4  }
0x8: {  	s10 =	ssub.s32 $0x2, s3;
	s3 =	smul.u32 $0x27100, s3;
	s8 =	sor.u32 s12, s8  }
0x9: {  	s9 =	sshrl.u32 s9, $0x2;
	s11 =	sshrl.u32 s10, $0x1;
	s12 =	smul.u32 $0x2710, s12  }
0xa: {  	s7 =	sadd.s32 s7, s6;
	s6 =	sadd.s32 $0x2400, s0;
	s8 =	smul.u32 $0x2710, s8  }
0xb: {  	s20 =	ssub.s32 s10, s11;
	s7 =	sshrl.u32 s7, $0x3;
	s3 =	sadd.s32 s12, s3  }
0xc: {  	s0 =	sadd.s32 s7, s0;
	s7 =	sadd.s32 s9, s2;
	s9 =	smax.u32 s20, $0x1  }
0xd: {  	s11 =	simm.s32 $0x68;
	s20 =	sadd.s32 $0x138, s3;
	[dreg:$0x10] =	wrdreg s9  }
0xe: {  	s22 =	sshrl.u32 s8, $0x3;
	s21 =	sadd.s32 $0x3400, s7;
	[dreg:$0x11] =	wrdreg s20  }
0xf: {  	s8 =	sadd.s32 $0x68, s8;
	s23 =	sadd.s32 $0x6800, s7;
	[dreg:$0x4] =	wrdreg s21  }
0x10: {  	s17 =	sadd.s32 $0x208, s3;
	s24 =	sadd.s32 $0x9C00, s7;
	[dreg:$0x5] =	wrdreg s23  }
0x11: {  	s19 =	sadd.s32 $0x1A0, s3;
	s25 =	sadd.s32 s1, s22;
	[dreg:$0x6] =	wrdreg s24  }
0x12: {  	s26 =	sadd.s32 s6, s22;
	s8 =	sshrl.u32 s8, $0x3;
	[dreg:$0x7] =	wrdreg s25  }
0x13: {  	s29 =	sadd.s32 $0x1A, s22;
	s0 =	sadd.s32 $0x33400, s0;
	[dreg:$0x8] =	wrdreg s26  }
0x14: {  	s16 =	sadd.s32 $0x4E0, s22;
	s13 =	sadd.s32 s1, s8;
	[dreg:$0xf] =	wrdreg s0  }
0x15: {  	s18 =	sshrl.u32 s17, $0x3;
	s8 =	sadd.s32 s6, s8;
	[dreg:$0x9] =	wrdreg s13  }
0x16: {  	s9 =	simm.s32 $0x280;
	s14 =	sadd.s32 s1, s29;
	[dreg:$0xa] =	wrdreg s8  }
0x17: {  	s17 =	simm.s32 $0x8;
	s15 =	sadd.s32 s6, s29;
	[dreg:$0xb] =	wrdreg s14  }
0x18: {  	s10 =	sadd.s32 s1, s16;
	s21 =	sadd.s32 s18, s6;
	[dreg:$0xc] =	wrdreg s15  }
0x19: {  	s22 =	sadd.s32 s18, s1;
	s25 =	sadd.s32 $0xD000, s7;
	[dreg:$0xd] =	wrdreg s10  }
0x1a: {  	s26 =	sadd.s32 $0x10400, s7;
	s29 =	sadd.s32 $0x13800, s7;
	[dreg:$0x12] =	wrdreg s25  }
.Ltmp0:
0x1b: {  	s0 =	simm.s32 $0x200;
	[dreg:$0x13] =	wrdreg s26;
	(pc) =	sbr.rel .LBB2_1-.Ltmp0, $4  }
0x1c: {  	s18 =	simm.s32 $0x9;
	s8 =	sadd.s32 s6, s16;
	[dreg:$0x14] =	wrdreg s29  }
0x1d: {  	s13 =	simm.s32 $0x3800;
	s14 =	simm.s32 $0x6;
	s15 =	simm.s32 $0x6C00  }
0x1e: {  	s16 =	simm.s32 $0x1;
	[dreg:$0xe] =	wrdreg s8;
	s8 =	sshrl.u32 s19, $0x3  }
0x1f: {  	v0 =	vimm.f32 $0.0e+00;
	s23 =	sadd.s32 s8, s6;
	s24 =	sadd.s32 s8, s1;
	s8 =	simm.s32 $0x100  }
.LBB2_6:
0x20: {  	s3 =	rddreg [dreg:$0xd];
	s10 =	simm.s32 $0x300  }
0x21: {  	[tilespmem:s10], [sflag:$0xA] =	stream.linear.gather [hbm4b:s3+s4], $0x10, $0x38;
	[tilespmem:$0x1DC00] =	vst v63  }
0x22: {  	_ =	swait.ge [sflag:s31], $0x10  }
0x23: {  	[sflag:s31] =	ssyncset.done $0x0  }
0x24: {  	s12 =	simm.s32 $0x380;
	s29 =	rddreg [dreg:$0xe];
	[sflag:s31] =	ssyncadd.s32 $0xFFFFFFF0  }
0x25: {  	[tilespmem:s12], [sflag:$0xA] =	stream.linear.gather [hbm4b:s29+s4], $0x10, $0x38;
	[tilespmem:$0x1DC00] =	vst v63  }
0x26: {  	_ =	swait.ge [sflag:s31], $0x10  }
0x27: {  	[sflag:s31] =	ssyncset.done $0x0  }
0x28: {  	s19 =	simm.s32 $0x10;
	[sflag:s31] =	ssyncadd.s32 $0xFFFFFFF0  }
0x29: {  	[tilespmem:s30], [sflag:$0xA] =	stream.indirect.gather [hbm4b:s5+s19], $0x80, s10, s19, $0xb8;
	[tilespmem:$0x1DC00] =	vst v63  }
0x2a: {  	_ =	swait.ge [sflag:s31], $0x800  }
0x2b: {  	[sflag:s31] =	ssyncset.done $0x0  }
0x2c: {  	[sflag:s31] =	ssyncadd.s32 $0xFFFFF800  }
0x2d: {  	[spmem:s2] =	stream.indirect.scatter.add.f32 [tilespmem:s30], [sflag:$0xA], $0x80, s12, s19, $0xb8;
	[tilespmem:$0x1DC00] =	vst v63  }
0x2e: {  	_ =	swait.ge [sflag:s31], $0x800  }
0x2f: {  	[sflag:s31] =	ssyncset.done $0x0  }
0x30: {  	s20 =	stileid.u32;
	[sflag:s31] =	ssyncadd.s32 $0xFFFFF800  }
0x31: {  	s3 =	sshll.u32 s20, $0x6;
	[bflag:$0x0] =	sbarrier.arrive $0xFFFF  }
0x32: {  	s25 =	sshrl.u32 s7, $0x3;
	s3 =	sor.u32 $0x1C0A, s3;
	s26 =	rddreg [dreg:$0xf]  }
0x33: {  	[hbm:s26], [sflag:s3] =	dma.local [spmem:s25], $0x2780  }
0x34: {  	_ =	swait.ge [sflag:s31], $0x2780  }
0x35: {  	s28 =	sadd.s32 $0x1, s28;
	s29 =	rddreg [dreg:$0x10]  }
0x36: {  	p0 =	sne.s32 s28, s29  }
.Ltmp1:
0x37: {  	_ = 	snop;
	(pc) =	sbr.rel @!p0 .LBB2_7-.Ltmp1, $3  }
0x38: {  	_ =	sdelay $0x1  }
0x39: {  	[sflag:s31] =	ssyncset.done $0x0  }
0x3a: {  	[sflag:s31] =	ssyncadd.s32 $0xFFFFD880  }
.LBB2_1:
0x3b: {  	s25 =	simm.s32 $0x0;
	s29 =	simm.s32 $0x200  }
.LBB2_2:
0x3c: {  	p0 =	sne.s32 s29, $0xCE00;
	[tilespmem:s25+$0x470] =	vst v0  }
0x3d: {  	[tilespmem:s25+$0x400] =	vst v0  }
0x3e: {  	[tilespmem:s25+$0x410] =	vst v0  }
.Ltmp2:
0x3f: {  	[tilespmem:s25+$0x420] =	vst v0;
	(pc) =	sbr.rel @p0 .LBB2_2-.Ltmp2, $4  }
0x40: {  	[tilespmem:s25+$0x430] =	vst v0  }
0x41: {  	[tilespmem:s25+$0x440] =	vst v0  }
0x42: {  	[tilespmem:s25+$0x450] =	vst v0  }
0x43: {  	[tilespmem:s25+$0x460] =	vst v0;
	s25 =	sshra.s32 s29, $0x2;
	s29 =	sadd.s32 $0x200, s29  }
0x44: {  	[tilespmem:s25+$0x470] =	vst v0  }
0x45: {  	[tilespmem:s25+$0x400] =	vst v0  }
0x46: {  	[tilespmem:s25+$0x410] =	vst v0  }
0x47: {  	[tilespmem:s25+$0x420] =	vst v0  }
0x48: {  	[tilespmem:s25+$0x430] =	vst v0  }
0x49: {  	[tilespmem:s25+$0x440] =	vst v0  }
0x4a: {  	[tilespmem:s25+$0x450] =	vst v0  }
0x4b: {  	[tilespmem:s25+$0x460] =	vst v0  }
0x4c: {  	[spmem:s7] =	stream.linear.scatter [tilespmem:s30], [sflag:$0xA], $0x3400, $0x38;
	[tilespmem:$0x1DC00] =	vst v63  }
0x4d: {  	_ =	swait.ge [sflag:s31], $0x3400  }
0x4e: {  	[sflag:s31] =	ssyncset.done $0x0  }
0x4f: {  	s3 =	rddreg [dreg:$0x4];
	[sflag:s31] =	ssyncadd.s32 $0xFFFFCC00  }
0x50: {  	[spmem:s3] =	stream.linear.scatter [tilespmem:s30], [sflag:$0xA], $0x3400, $0x38;
	[tilespmem:$0x1DC00] =	vst v63  }
0x51: {  	_ =	swait.ge [sflag:s31], $0x3400  }
0x52: {  	[sflag:s31] =	ssyncset.done $0x0  }
0x53: {  	s19 =	rddreg [dreg:$0x5];
	[sflag:s31] =	ssyncadd.s32 $0xFFFFCC00  }
0x54: {  	[spmem:s19] =	stream.linear.scatter [tilespmem:s30], [sflag:$0xA], $0x3400, $0x38;
	[tilespmem:$0x1DC00] =	vst v63  }
0x55: {  	_ =	swait.ge [sflag:s31], $0x3400  }
0x56: {  	[sflag:s31] =	ssyncset.done $0x0  }
0x57: {  	s20 =	rddreg [dreg:$0x6];
	[sflag:s31] =	ssyncadd.s32 $0xFFFFCC00  }
0x58: {  	[spmem:s20] =	stream.linear.scatter [tilespmem:s30], [sflag:$0xA], $0x3400, $0x38;
	[tilespmem:$0x1DC00] =	vst v63  }
0x59: {  	_ =	swait.ge [sflag:s31], $0x3400  }
0x5a: {  	[sflag:s31] =	ssyncset.done $0x0  }
0x5b: {  	s25 =	rddreg [dreg:$0x12];
	[sflag:s31] =	ssyncadd.s32 $0xFFFFCC00  }
0x5c: {  	[spmem:s25] =	stream.linear.scatter [tilespmem:s30], [sflag:$0xA], $0x3400, $0x38;
	[tilespmem:$0x1DC00] =	vst v63  }
0x5d: {  	_ =	swait.ge [sflag:s31], $0x3400  }
0x5e: {  	[sflag:s31] =	ssyncset.done $0x0  }
0x5f: {  	s26 =	rddreg [dreg:$0x13];
	[sflag:s31] =	ssyncadd.s32 $0xFFFFCC00  }
0x60: {  	[spmem:s26] =	stream.linear.scatter [tilespmem:s30], [sflag:$0xA], $0x3400, $0x38;
	[tilespmem:$0x1DC00] =	vst v63  }
0x61: {  	_ =	swait.ge [sflag:s31], $0x3400  }
0x62: {  	[sflag:s31] =	ssyncset.done $0x0  }
0x63: {  	s10 =	rddreg [dreg:$0x14];
	[sflag:s31] =	ssyncadd.s32 $0xFFFFCC00  }
0x64: {  	[spmem:s10] =	stream.linear.scatter [tilespmem:s30], [sflag:$0xA], $0x400, $0x38;
	[tilespmem:$0x1DC00] =	vst v63  }
0x65: {  	_ =	swait.ge [sflag:s31], $0x400  }
0x66: {  	[sflag:s31] =	ssyncset.done $0x0  }
0x67: {  	[sflag:s31] =	ssyncadd.s32 $0xFFFFFC00  }
0x68: {  	[bflag:$0x0] =	sbarrier.arrive $0xFFFF  }
0x69: {  	s25 =	simm.s32 $0x0;
	s12 =	rddreg [dreg:$0x7]  }
0x6a: {  	[tilespmem:s25], [sflag:$0x4] =	stream.linear.gather [hbm4b:s12+s25], $0x68, $0x38;
	[tilespmem:$0x1DC00] =	vst v63  }
0x6b: {  	s10 =	simm.s32 $0x180;
	s19 =	rddreg [dreg:$0x8]  }
0x6c: {  	[tilespmem:s10], [sflag:$0x7] =	stream.linear.gather [hbm4b:s19+s25], $0x68, $0x38;
	[tilespmem:$0x1DC00] =	vst v63  }
0x6d: {  	s20 =	rddreg [dreg:$0x9];
	s10 =	simm.s32 $0x80  }
0x6e: {  	[tilespmem:s10], [sflag:$0x5] =	stream.linear.gather [hbm4b:s20+s25], $0x68, $0x38;
	[tilespmem:$0x1DC00] =	vst v63  }
0x6f: {  	s26 =	rddreg [dreg:$0xa]  }
0x70: {  	[tilespmem:s0], [sflag:$0x8] =	stream.linear.gather [hbm4b:s26+s25], $0x68, $0x38;
	[tilespmem:$0x1DC00] =	vst v63  }
0x71: {  	s12 =	rddreg [dreg:$0xb]  }
0x72: {  	[tilespmem:s8], [sflag:$0x6] =	stream.linear.gather [hbm4b:s12+s25], $0x68, $0x38;
	[tilespmem:$0x1DC00] =	vst v63  }
0x73: {  	s19 =	rddreg [dreg:$0xc];
	s20 =	simm.s32 $0x4  }
0x74: {  	[tilespmem:s9], [sflag:$0x9] =	stream.linear.gather [hbm4b:s19+s25], $0x68, $0x38;
	[tilespmem:$0x1DC00] =	vst v63  }
0x75: {  	_ =	swait.ge [sflag:s20], $0x68  }
0x76: {  	[sflag:s20] =	ssyncset.done $0x0  }
0x77: {  	s26 =	simm.s32 $0x5;
	[sflag:s20] =	ssyncadd.s32 $0xFFFFFF98  }
0x78: {  	[tilespmem:s30], [sflag:$0x1] =	stream.indirect.gather [hbm4b:s5+s11], $0x80, s25, s11, $0xb8;
	[tilespmem:$0x1DC00] =	vst v63  }
0x79: {  	_ =	swait.ge [sflag:s26], $0x68  }
0x7a: {  	[sflag:s26] =	ssyncset.done $0x0  }
0x7b: {  	[sflag:s26] =	ssyncadd.s32 $0xFFFFFF98  }
0x7c: {  	[tilespmem:s13], [sflag:$0x2] =	stream.indirect.gather [hbm4b:s5+s11], $0x80, s10, s11, $0xb8;
	[tilespmem:$0x1DC00] =	vst v63  }
0x7d: {  	_ =	swait.ge [sflag:s14], $0x68  }
0x7e: {  	[sflag:s14] =	ssyncset.done $0x0  }
0x7f: {  	s29 =	rddreg [dreg:$0x11];
	[sflag:s14] =	ssyncadd.s32 $0xFFFFFF98  }
0x80: {  	[tilespmem:s15], [sflag:$0x3] =	stream.indirect.gather [hbm4b:s5+s11], $0x80, s8, s11, $0xb8;
	[tilespmem:$0x1DC00] =	vst v63  }
.LBB2_4:
0x81: {  	_ =	swait.ge [sflag:s16], $0x3400  }
0x82: {  	p0 =	seq.s32 s25, $0x4B9;
	[sflag:s16] =	ssyncset.done $0x0  }
0x83: {  	s3 =	simm.s32 @p0 $0x7;
	[sflag:s16] =	ssyncadd.s32 $0xFFFFCC00  }
0x84: {  	_ =	swait.ge @p0 [sflag:s3], $0x68  }
0x85: {  	s19 =	simm.s32 @p0 $0x180;
	[sflag:s3] =	ssyncset.done @p0 $0x0  }
0x86: {  	s20 =	simm.s32 @p0 $0x400;
	[sflag:s3] =	ssyncadd.s32 @p0 $0xFFFFFF98;
	s3 =	simm.s32 @p0 $0x68  }
0x87: {  	[spmem:s2] =	stream.indirect.scatter.add.f32 @p0 [tilespmem:s20], [sflag:$0xA], $0x80, s19, s3, $0xb8;
	[tilespmem:$0x1DC00] =	vst v63  }
0x88: {  	s3 =	simm.s32 @p0 $0xA  }
0x89: {  	_ =	swait.ge @p0 [sflag:s3], $0x3400  }
0x8a: {  	[sflag:s3] =	ssyncset.done @p0 $0x0  }
0x8b: {  	[sflag:s3] =	ssyncadd.s32 @p0 $0xFFFFCC00;
	s3 =	simm.s32 @p0 $0x2  }
0x8c: {  	_ =	swait.ge @p0 [sflag:s3], $0x3400  }
0x8d: {  	s19 =	sshrl.u32 @!p0 s29, $0x3;
	[sflag:s3] =	ssyncset.done @p0 $0x0  }
0x8e: {  	s20 =	simm.s32 @!p0 $0x0;
	[sflag:s3] =	ssyncadd.s32 @p0 $0xFFFFCC00;
	s3 =	sadd.s32 @!p0 s1, s19  }
0x8f: {  	[tilespmem:s20], [sflag:$0x4] =	stream.linear.gather @!p0 [hbm4b:s3+s20], $0x68, $0x38;
	[tilespmem:$0x1DC00] =	vst v63  }
0x90: {  	s3 =	simm.s32 @!p0 $0x7  }
0x91: {  	_ =	swait.ge @!p0 [sflag:s3], $0x68  }
0x92: {  	s26 =	simm.s32 @!p0 $0x180;
	s10 =	simm.s32 @!p0 $0x400;
	[sflag:s3] =	ssyncset.done @!p0 $0x0  }
0x93: {  	s12 =	simm.s32 @!p0 $0xA;
	[sflag:s3] =	ssyncadd.s32 @!p0 $0xFFFFFF98;
	s3 =	simm.s32 @!p0 $0x68  }
0x94: {  	[spmem:s2] =	stream.indirect.scatter.add.f32 @!p0 [tilespmem:s10], [sflag:$0xA], $0x80, s26, s3, $0xb8;
	[tilespmem:$0x1DC00] =	vst v63  }
0x95: {  	_ =	swait.ge @!p0 [sflag:s12], $0x3400  }
0x96: {  	[sflag:s12] =	ssyncset.done @!p0 $0x0  }
0x97: {  	[sflag:s12] =	ssyncadd.s32 @!p0 $0xFFFFCC00;
	s12 =	sadd.s32 @!p0 s6, s19  }
0x98: {  	[tilespmem:s26], [sflag:$0x7] =	stream.linear.gather @!p0 [hbm4b:s12+s20], $0x68, $0x38;
	[tilespmem:$0x1DC00] =	vst v63  }
0x99: {  	s12 =	simm.s32 @!p0 $0x4  }
0x9a: {  	_ =	swait.ge @!p0 [sflag:s12], $0x68  }
0x9b: {  	[sflag:s12] =	ssyncset.done @!p0 $0x0  }
0x9c: {  	[sflag:s12] =	ssyncadd.s32 @!p0 $0xFFFFFF98  }
0x9d: {  	[tilespmem:s10], [sflag:$0x1] =	stream.indirect.gather @!p0 [hbm4b:s5+s3], $0x80, s20, s3, $0xb8;
	[tilespmem:$0x1DC00] =	vst v63  }
0x9e: {  	s10 =	simm.s32 @!p0 $0x2  }
0x9f: {  	_ =	swait.ge @!p0 [sflag:s10], $0x3400  }
0xa0: {  	[sflag:s10] =	ssyncset.done @!p0 $0x0  }
0xa1: {  	s12 =	simm.s32 @!p0 $0x80;
	[sflag:s10] =	ssyncadd.s32 @!p0 $0xFFFFCC00;
	s10 =	sadd.s32 @!p0 s25, s24  }
0xa2: {  	[tilespmem:s12], [sflag:$0x5] =	stream.linear.gather @!p0 [hbm4b:s10+s20], $0x68, $0x38;
	[tilespmem:$0x1DC00] =	vst v63  }
0xa3: {  	_ =	swait.ge [sflag:s17], $0x68  }
0xa4: {  	[sflag:s17] =	ssyncset.done $0x0  }
0xa5: {  	[sflag:s17] =	ssyncadd.s32 $0xFFFFFF98  }
0xa6: {  	[spmem:s2] =	stream.indirect.scatter.add.f32 [tilespmem:s13], [sflag:$0xA], $0x80, s0, s11, $0xb8;
	[tilespmem:$0x1DC00] =	vst v63  }
0xa7: {  	_ =	swait.ge [sflag:s31], $0x3400  }
0xa8: {  	[sflag:s31] =	ssyncset.done $0x0  }
0xa9: {  	s10 =	simm.s32 @p0 $0x3;
	[sflag:s31] =	ssyncadd.s32 $0xFFFFCC00  }
0xaa: {  	_ =	swait.ge @p0 [sflag:s10], $0x3400  }
0xab: {  	[sflag:s10] =	ssyncset.done @p0 $0x0  }
0xac: {  	s19 =	simm.s32 @!p0 $0x200;
	[sflag:s10] =	ssyncadd.s32 @p0 $0xFFFFCC00;
	s10 =	sadd.s32 @!p0 s25, s23  }
0xad: {  	[tilespmem:s19], [sflag:$0x8] =	stream.linear.gather @!p0 [hbm4b:s10+s20], $0x68, $0x38;
	[tilespmem:$0x1DC00] =	vst v63  }
0xae: {  	s10 =	simm.s32 @!p0 $0x5  }
0xaf: {  	_ =	swait.ge @!p0 [sflag:s10], $0x68  }
0xb0: {  	[sflag:s10] =	ssyncset.done @!p0 $0x0  }
0xb1: {  	[sflag:s10] =	ssyncadd.s32 @!p0 $0xFFFFFF98;
	s10 =	simm.s32 @!p0 $0x3800  }
0xb2: {  	[tilespmem:s10], [sflag:$0x2] =	stream.indirect.gather @!p0 [hbm4b:s5+s3], $0x80, s12, s3, $0xb8;
	[tilespmem:$0x1DC00] =	vst v63  }
0xb3: {  	s3 =	simm.s32 @!p0 $0x3  }
0xb4: {  	_ =	swait.ge @!p0 [sflag:s3], $0x3400  }
0xb5: {  	[sflag:s3] =	ssyncset.done @!p0 $0x0  }
0xb6: {  	s10 =	simm.s32 @!p0 $0x100;
	[sflag:s3] =	ssyncadd.s32 @!p0 $0xFFFFCC00;
	s3 =	sadd.s32 @!p0 s25, s22  }
0xb7: {  	[tilespmem:s10], [sflag:$0x6] =	stream.linear.gather @!p0 [hbm4b:s3+s20], $0x68, $0x38;
	[tilespmem:$0x1DC00] =	vst v63  }
0xb8: {  	_ =	swait.ge [sflag:s18], $0x68  }
0xb9: {  	[sflag:s18] =	ssyncset.done $0x0  }
.Ltmp3:
0xba: {  	[sflag:s18] =	ssyncadd.s32 $0xFFFFFF98;
	(pc) =	sbr.rel @p0 .LBB2_6-.Ltmp3, $4  }
0xbb: {  	[spmem:s2] =	stream.indirect.scatter.add.f32 [tilespmem:s15], [sflag:$0xA], $0x80, s9, s11, $0xb8;
	[tilespmem:$0x1DC00] =	vst v63  }
0xbc: {  	_ =	swait.ge [sflag:s31], $0x3400  }
0xbd: {  	[sflag:s31] =	ssyncset.done $0x0  }
0xbe: {  	[sflag:s31] =	ssyncadd.s32 $0xFFFFCC00  }
0xbf: {  	s3 =	sadd.s32 s25, s21  }
0xc0: {  	[tilespmem:s9], [sflag:$0x9] =	stream.linear.gather [hbm4b:s3+s4], $0x68, $0x38;
	[tilespmem:$0x1DC00] =	vst v63  }
.Ltmp4:
0xc1: {  	_ = 	snop;
	(pc) =	sbr.rel .LBB2_4-.Ltmp4, $4  }
0xc2: {  	_ =	swait.ge [sflag:s14], $0x68  }
0xc3: {  	[sflag:s14] =	ssyncset.done $0x0  }
0xc4: {  	s25 =	sadd.s32 $0x27, s25;
	s29 =	sadd.s32 $0x138, s29;
	[sflag:s14] =	ssyncadd.s32 $0xFFFFFF98  }
0xc5: {  	[tilespmem:s15], [sflag:$0x3] =	stream.indirect.gather [hbm4b:s5+s11], $0x80, s8, s11, $0xb8;
	[tilespmem:$0x1DC00] =	vst v63  }
.LBB2_7:
0xc6: {  	_ =	sfence.sel $0x180000  }
0xc7: {  	[bflag:$0x0] =	sbarrier.arrive $0xFFFF  }
0xc8: {  	_ =	strace $0x9000004D  }
0xc9: {  	s0 =	stileid.u32;
	[bflag:$0x2] =	sbarrier.arrive $0xFFFF  }
0xca: {  	p0 =	sne.s32 s0, $0x0;
	s0 =	rddreg [dreg:$0x3]  }
0xcb: {  	s0 =	sadd.s32 @!p0 $0x100000, s0  }
0xcc: {  	[sflag:s0] =	ssyncadd.tile.s32 @!p0 $0x1;
	_ =	shalt  }
.Lfunc_end2:
_tile_overlayer_lowered:
.L_overlay_start_2:
0xcd: {  	(tag) =	ssettag $0x2  }
0xce: {  	s0 =	rddreg [dreg:$0x0];
	s2 =	stileid.u32  }
0xcf: {  	s1 =	rddreg [dreg:$0x1];
	p0 =	sne.s32 s2, $0x0  }
0xd0: {  	s3 =	rddreg [dreg:$0x2];
	[bflag:$0x3] =	sbarrier.arrive $0xFFFF;
	s2 =	simm.s32 @!p0 $0x1C0A  }
0xd1: {  	[timem:s3], [sflag:s2] =	dma.local @!p0 [hbm:s0], s1  }
0xd2: {  	s0 =	simm.s32 @!p0 $0xA  }
0xd3: {  	_ =	swait.ge @!p0 [sflag:s0], s1  }
0xd4: {  	s1 =	ssub.s32 @!p0 $0x0, s1;
	[sflag:s0] =	ssyncset.done @!p0 $0x0  }
0xd5: {  	[sflag:s0] =	ssyncadd.s32 @!p0 s1  }
0xd6: {  	[bflag:$0x3] =	sbarrier.arrive $0xFFFF  }
0xd7: {  	_ =	shalt  }

// kernel: kernel.8.cloned.1.call-start
scs
__scs_entry_jumppad:
0x0: {  	(pc) =	sbr.rel $0x88, $3  }
0x1: {  	(tag) =	ssettag $0x0;
	lr =	simm.s32 $0x1  }
0x2: {  	[smem:$0x3F99] =	sst lr;
	_ =	strace $0xD0000000  }
0x3: {  	_ = 	snop  }
0x4: {  	_ = 	snop  }
0x5: {  	_ = 	snop  }
0x6: {  	_ = 	snop  }
0x7: {  	_ = 	snop  }
__scs_overlays_trampoline_lowered:
0x8: {  	[smem:$0x3FA8] =	sst s0  }
0x9: {  	[smem:$0x3FA9] =	sst s1  }
0xa: {  	[smem:$0x3FAA] =	sst s2  }
0xb: {  	[smem:$0x3FAB] =	sst s3  }
0xc: {  	[smem:$0x3FAC] =	sst s4  }
0xd: {  	[smem:$0x3FAD] =	sst s5  }
0xe: {  	[smem:$0x3FAE] =	sst s6  }
0xf: {  	[smem:$0x3FAF] =	sst s7  }
0x10: {  	[smem:$0x3FB0] =	sst s8  }
0x11: {  	[smem:$0x3FB1] =	sst s9;
	s0 =	simm.s32 @!p0 $0x0  }
0x12: {  	s1 =	sld [smem:$0x3F97];
	s0 =	simm.s32 @p0 $0x1  }
0x13: {  	[smem:$0x3FB2] =	sst s0;
	s0 =	simm.s32 @!p1 $0x0  }
0x14: {  	s2 =	sld [smem:$0x3F96];
	s0 =	simm.s32 @p1 $0x1  }
0x15: {  	[smem:$0x3FB3] =	sst s0;
	s0 =	simm.s32 @!p2 $0x0  }
0x16: {  	s3 =	sld [smem:$0x3FDB];
	s0 =	simm.s32 @p2 $0x1  }
0x17: {  	s4 =	simm.s32 $0x1BF5;
	[smem:$0x3FB5] =	sst s0  }
0x18: {  	s0 =	sld [smem:$0x3F98];
	_ =	swait.ge [sflag:s4], $0x0  }
0x19: {  	s7 =	sld [smem:$0x3F99]  }
0x1a: {  	s8 =	sadd.s32 $0xFFFFE003, lr  }
0x1b: {  	s9 =	sadd.s32 $0xFFFFFEF7, lr;
	s5 =	simm.s32 $0xFFFFFFFF;
	p2 =	slt.u32 s8, $0xFFFFF086  }
0x1c: {  	p1 =	slt.u32 s9, $0xF7A;
	s5 =	simm.s32 @!p2 $0x0  }
0x1d: {  	s5 =	simm.s32 @p1 $0x1;
	p0 =	seq.s32 s7, s2  }
0x1e: {  	s7 =	smul.u32 @!p0 $0xF7A, s2;
	p2 =	seq.s32 @!p0 s5, $0x0  }
0x1f: {  	s9 =	smul.u32 $0xF7A, s1;
	s8 =	simm.s32 @!p0 $0x1BF5;
	p2 =	por !p2, p0  }
0x20: {  	[sflag:s8] =	ssyncset.s32 @!p0 $0xFFFFF086;
	s6 =	sadd.s32 @!p0 s3, s7;
	s7 =	simm.s32 @!p0 $0x108  }
0x21: {  	s3 =	sadd.s32 s3, s9;
	s6 =	sadd.s32 @!p0 $0x88, s6;
	s7 =	simm.s32 @p2 $0x1082  }
0x22: {  	[simem:s7], [sflag:s8] =	dma.local @!p0 [hbm:s6], $0xF7A  }
0x23: {  	s9 =	sor.u32 $0xD0000000, s2;
	s6 =	simm.s32 $0x108;
	_ =	swait.ge @!p0 [sflag:s8], $0x0  }
0x24: {  	s3 =	sadd.s32 $0x88, s3;
	s6 =	simm.s32 @!p1 $0x1082;
	[sflag:s4] =	ssyncset.s32 $0xFFFFF086  }
0x25: {  	[simem:s6], [sflag:s4] =	dma.local [hbm:s3], $0xF7A  }
0x26: {  	[smem:$0x3F99] =	sst s1;
	(tag) =	ssettag s2;
	_ =	strace s9  }
0x27: {  	s1 =	sld [smem:$0x3FA9]  }
0x28: {  	s2 =	sld [smem:$0x3FAA]  }
0x29: {  	s4 =	sld [smem:$0x3FAC]  }
0x2a: {  	p0 =	seq.s32 s5, $0x0;
	s5 =	sld [smem:$0x3FAD]  }
0x2b: {  	s6 =	sld [smem:$0x3FAE]  }
0x2c: {  	s7 =	sld [smem:$0x3FAF]  }
0x2d: {  	s3 =	simm.s32 $0x108;
	s8 =	sld [smem:$0x3FB0]  }
0x2e: {  	s3 =	simm.s32 @!p0 $0x1082;
	s9 =	sld [smem:$0x3FB1]  }
0x2f: {  	lr =	sadd.s32 s0, s3;
	s0 =	sld [smem:$0x3FA8]  }
0x30: {  	s3 =	sld [smem:$0x3FAB]  }
0x31: {  	[smem:$0x3FB4] =	sst s10  }
0x32: {  	s10 =	sld [smem:$0x3FB2];
	_ =	sdelay $0x3  }
0x33: {  	p0 =	seq.s32 s10, $0x1;
	s10 =	sld [smem:$0x3FB4];
	_ =	sdelay $0x3  }
0x34: {  	[smem:$0x3FB4] =	sst s10  }
0x35: {  	s10 =	sld [smem:$0x3FB3];
	_ =	sdelay $0x3  }
0x36: {  	p1 =	seq.s32 s10, $0x1;
	s10 =	sld [smem:$0x3FB4];
	_ =	sdelay $0x3  }
0x37: {  	[smem:$0x3FB4] =	sst s10  }
0x38: {  	s10 =	sld [smem:$0x3FB5]  }
0x39: {  	_ = 	snop;
	(pc) =	sbr.ind lr, $3  }
0x3a: {  	_ = 	snop  }
0x3b: {  	_ = 	snop  }
0x3c: {  	p2 =	seq.s32 s10, $0x1;
	s10 =	sld [smem:$0x3FB4]  }
0x3d: {  	_ =	shalt  }
0x3e: {  	_ =	shalt  }
0x3f: {  	_ =	shalt  }
0x40: {  	_ =	shalt  }
0x41: {  	_ =	shalt  }
0x42: {  	_ =	shalt  }
0x43: {  	_ =	shalt  }
0x44: {  	_ =	shalt  }
0x45: {  	_ =	shalt  }
0x46: {  	_ =	shalt  }
0x47: {  	_ =	shalt  }
0x48: {  	_ =	shalt  }
0x49: {  	_ =	shalt  }
0x4a: {  	_ =	shalt  }
0x4b: {  	_ =	shalt  }
0x4c: {  	_ =	shalt  }
0x4d: {  	_ =	shalt  }
0x4e: {  	_ =	shalt  }
0x4f: {  	_ =	shalt  }
0x50: {  	_ =	shalt  }
0x51: {  	_ =	shalt  }
0x52: {  	_ =	shalt  }
0x53: {  	_ =	shalt  }
0x54: {  	_ =	shalt  }
0x55: {  	_ =	shalt  }
0x56: {  	_ =	shalt  }
0x57: {  	_ =	shalt  }
0x58: {  	_ =	shalt  }
0x59: {  	_ =	shalt  }
0x5a: {  	_ =	shalt  }
0x5b: {  	_ =	shalt  }
0x5c: {  	_ =	shalt  }
0x5d: {  	_ =	shalt  }
0x5e: {  	_ =	shalt  }
0x5f: {  	_ =	shalt  }
0x60: {  	_ =	shalt  }
0x61: {  	_ =	shalt  }
0x62: {  	_ =	shalt  }
0x63: {  	_ =	shalt  }
0x64: {  	_ =	shalt  }
0x65: {  	_ =	shalt  }
0x66: {  	_ =	shalt  }
0x67: {  	_ =	shalt  }
0x68: {  	_ =	shalt  }
0x69: {  	_ =	shalt  }
0x6a: {  	_ =	shalt  }
0x6b: {  	_ =	shalt  }
0x6c: {  	_ =	shalt  }
0x6d: {  	_ =	shalt  }
0x6e: {  	_ =	shalt  }
0x6f: {  	_ =	shalt  }
0x70: {  	_ =	shalt  }
0x71: {  	_ =	shalt  }
0x72: {  	_ =	shalt  }
0x73: {  	_ =	shalt  }
0x74: {  	_ =	shalt  }
0x75: {  	_ =	shalt  }
0x76: {  	_ =	shalt  }
0x77: {  	_ =	shalt  }
0x78: {  	_ =	shalt  }
0x79: {  	_ =	shalt  }
0x7a: {  	_ =	shalt  }
0x7b: {  	_ =	shalt  }
0x7c: {  	_ =	shalt  }
0x7d: {  	_ =	shalt  }
0x7e: {  	_ =	shalt  }
0x7f: {  	_ =	shalt  }
0x80: {  	_ =	shalt  }
0x81: {  	_ =	shalt  }
0x82: {  	_ =	shalt  }
0x83: {  	_ =	shalt  }
0x84: {  	_ =	shalt  }
0x85: {  	_ =	shalt  }
0x86: {  	_ =	shalt  }
0x87: {  	_ =	shalt  }
.Lfunc_end0:
.L_simem_size_0:
called_computation_lowered:
.L_overlay_start_0:
0x88: {  	s2 =	sld [smem:$0x3FD9]  }
0x89: {  	s3 =	sld [smem:$0x3FFE];
	_ =	sdelay $0x1  }
0x8a: {  	s1 =	srdreg.scid  }
0x8b: {  	s0 =	sand.u32 $0x1, s1  }
0x8c: {  	s16 =	sshll.u32 s0, $0xA;
	s2 =	sadd.s32 s3, s2  }
0x8d: {  	s2 =	sadd.s32 s2, s16  }
0x8e: {  	[smem:$0x3FC0] =	sst s2  }
0x8f: {  	_ = 	snop  }
0x90: {  	(tm) =	ssettm $0x1  }
0x91: {  	s17 =	sld [smem:$0x3FFB];
	_ =	sdelay $0x3  }
0x92: {  	_ =	strace s17  }
0x93: {  	s2 =	sld [smem:$0x3FFC];
	_ =	sdelay $0x3  }
0x94: {  	_ =	strace s2  }
0x95: {  	s2 =	sld [smem:$0x3FFD];
	_ =	sdelay $0x3  }
0x96: {  	_ =	strace s2  }
0x97: {  	_ =	strace $0x8FFFFFFF  }
0x98: {  	s18 =	sld [smem:$0x3FDB];
	_ =	sdelay $0x1  }
0x99: {  	s19 =	simm.s32 $_scs_section_size  }
0x9a: {  	s4 =	simm.s32 $_size__tile_overlayer_lowered;
	s5 =	simm.s32 $_tile_overlayer_lowered  }
0x9b: {  	s22 =	simm.s32 $0x1BFF;
	s21 =	sshll.u32 s5, $0x1;
	s2 =	sadd.s32 s19, s18  }
0x9c: {  	s6 =	simm.s32 $0x0;
	s20 =	sshll.u32 s4, $0x1;
	s4 =	sadd.s32 s21, s2  }
0x9d: {  	[timem:s6], [sflag:s22] =	dma.local [hbm:s4], s20  }
0x9e: {  	_ =	swait.ge [sflag:s22], s20  }
0x9f: {  	s3 =	ssub.s32 $0x0, s20;
	[sflag:s22] =	ssyncset.done $0x0  }
0xa0: {  	[sflag:s22] =	ssyncadd.s32 s3;
	_ =	sdelay $0x1  }
0xa1: {  	s23 =	simm.s32 $0x1B8B  }
0xa2: {  	_ =	swait.ge [sflag:s23], $0x1  }
0xa3: {  	[sflag:s23] =	ssyncset.done $0x0  }
0xa4: {  	s25 =	simm.s32 $0x1B8E;
	s24 =	sld [smem:$0x3FFE];
	[sflag:s23] =	ssyncadd.s32 $0xFFFFFFFF  }
0xa5: {  	s26 =	simm.s32 $execute0_lowered;
	[smem:$0x3FD2] =	sst s25  }
0xa6: {  	s4 =	sshll.u32 s26, $0x1;
	_ =	strace $0x80000046;
	[dreg:$0x1] =	wrdreg $0xFFFFFFFF  }
0xa7: {  	s28 =	simm.s32 $_size_execute0_lowered;
	s2 =	sadd.s32 s2, s4;
	[dreg:$0x0] =	wrdreg $0x0  }
0xa8: {  	s4 =	sshll.u32 s28, $0x1;
	[dreg:$0x2] =	wrdreg s2  }
0xa9: {  	[dreg:$0x3] =	wrdreg s4  }
0xaa: {  	[dreg:$0x4] =	wrdreg $0xC0  }
0xab: {  	_ =	task [dreg:s6], $0x5FFFF  }
0xac: {  	[dreg:$0x1] =	wrdreg $0xFFFFFFFF  }
0xad: {  	[dreg:$0x0] =	wrdreg $0x60  }
0xae: {  	[dreg:$0x2] =	wrdreg s24  }
0xaf: {  	[dreg:$0x3] =	wrdreg $0xA6000  }
0xb0: {  	[dreg:$0x4] =	wrdreg $0x9  }
0xb1: {  	_ =	task.clear_ibuf [dreg:s6], $0x5FFFF;
	_ =	strace $0x90000046  }
0xb2: {  	s29 =	simm.s32 $0x9;
	_ =	strace $0x80000048  }
0xb3: {  	_ =	swait.ge [sflag:s29], $0x1  }
0xb4: {  	[sflag:s29] =	ssyncadd.s32 $0xFFFFFFFF  }
0xb5: {  	_ =	strace $0x90000048  }
0xb6: {  	_ =	sfence  }
0xb7: {  	s30 =	sld [smem:$0x0];
	_ =	sdelay $0x2  }
0xb8: {  	s31 =	sshll.u32 s1, $0xD;
	s1 =	sshrl.u32 s1, $0x2  }
0xb9: {  	s3 =	sand.u32 $0x4000, s31;
	s1 =	sadd.s32 s1, s30  }
0xba: {  	s0 =	sor.u32 s3, s0;
	s1 =	sshll.u32 s1, $0x11  }
0xbb: {  	s0 =	sor.u32 s1, s0  }
0xbc: {  	s0 =	sadd.s32 $0x8F2B, s0  }
0xbd: {  	[sflag:s0] =	ssyncadd.remote.s32 $0x1  }
0xbe: {  	_ =	sfence.sel $0xFFFF  }
0xbf: {  	[dreg:$0x0] =	wrdreg $0xFFFFFFFF;
	(pc) =	sbr.abs _section_cstart, $3  }
0xc0: {  	[dreg:$0x1] =	wrdreg $0xFFFFFFFF  }
0xc1: {  	_ =	task.clear_ibuf [dreg:s6], $0x2FFFF;
	_ =	strace $0x9FFFFFFF  }
0xc2: {  	(tm) =	ssettm $0x7FFFFFFF  }
0xc3: {  	_ =	shalt  }
tec
execute0_lowered:
.L_overlay_start_1:
0x0: {  	(tag) =	ssettag $0x1  }
0x1: {  	s5 =	rddreg [dreg:$0x0]  }
0x2: {  	s2 =	rddreg [dreg:$0x1]  }
0x3: {  	s0 =	srdreg.scid;
	s1 =	rddreg [dreg:$0x2];
	s3 =	simm.s32 $0x0  }
0x4: {  	s17 =	simm.s32 $0x3;
	s18 =	simm.s32 $0x100;
	s7 =	sand.u32 $0x1, s0  }
0x5: {  	s19 =	simm.s32 $0x1;
	s0 =	stileid.u32;
	s4 =	smul.u32 $0x13C000, s7  }
0x6: {  	s20 =	simm.s32 $0xC8;
	s21 =	simm.s32 $0x200;
	s6 =	smul.u32 $0x13C00, s0  }
0x7: {  	s22 =	simm.s32 $0x2;
	[smem:$0x7FF] =	sst s3;
	s8 =	smul.u32 $0x4F000, s0  }
0x8: {  	s23 =	simm.s32 $0x0;
	_ =	strace $0x80000047;
	s14 =	smul.u32 $0x27100, s7  }
0x9: {  	s26 =	sshll.u32 s7, $0x4;
	s28 =	ssub.s32 $0x2, s7;
	s15 =	smul.u32 $0x2710, s0  }
0xa: {  	s9 =	sor.u32 s0, s26;
	s30 =	sshrl.u32 s28, $0x1;
	s4 =	sadd.s32 s6, s4  }
0xb: {  	s29 =	sshrl.u32 s8, $0x2;
	s12 =	smul.u32 $0x2710, s9;
	s13 =	ssub.s32 s28, s30  }
0xc: {  	s14 =	sadd.s32 s15, s14;
	s6 =	sshrl.u32 s4, $0x3;
	s4 =	sadd.s32 $0x2400, s5  }
0xd: {  	s15 =	sadd.s32 $0xC8, s14;
	s14 =	sadd.s32 $0x190, s14;
	s11 =	sadd.s32 s6, s5  }
0xe: {  	s5 =	sadd.s32 s29, s2;
	s10 =	sshrl.u32 s12, $0x3;
	s16 =	sadd.s32 $0x2648, s12  }
0xf: {  	s12 =	smax.u32 s13, $0x1;
	s15 =	sshrl.u32 s15, $0x3;
	s6 =	sadd.s32 $0x4000, s5  }
0x10: {  	s7 =	sadd.s32 $0x8000, s5;
	s8 =	sadd.s32 $0xC000, s5;
	s9 =	sadd.s32 $0x10000, s5  }
0x11: {  	s10 =	sadd.s32 s4, s10;
	s11 =	sadd.s32 $0xC200, s11;
	s31 =	sshrl.u32 s16, $0x3  }
0x12: {  	v0 =	vimm.f32 $1.000000000e+00;
	v1 =	vimm.f32 $0.0e+00;
	s15 =	sadd.s32 s15, s4;
	s16 =	simm.s32 $0x6600;
	s13 =	sadd.s32 s4, s31  }
.LBB2_1:
0x13: {  	s24 =	simm.s32 $0x0  }
.LBB2_2:
0x14: {  	p0 =	sne.s32 s24, $0x18E00  }
.Ltmp0:
0x15: {  	_ = 	snop;
	(pc) =	sbr.rel @p0 .LBB2_2-.Ltmp0, $3  }
0x16: {  	_ =	sdelay $0x1  }
0x17: {  	s25 =	sshra.s32 s24, $0x2  }
0x18: {  	s24 =	sadd.s32 $0x200, s24;
	[tilespmem:s25+$0x200] =	vst v0  }
0x19: {  	s24 =	simm.s32 $0x200;
	s25 =	simm.s32 $0x0  }
.LBB2_4:
0x1a: {  	p0 =	sne.s32 s24, $0xFE00;
	[tilespmem:s25+$0x6600] =	vst v1;
	s25 =	smov.u32 s24;
	s24 =	sadd.s32 $0x200, s24  }
.Ltmp1:
0x1b: {  	(pc) =	sbr.rel @p0 .LBB2_4-.Ltmp1, $2  }
0x1c: {  	_ =	sdelay $0x2  }
0x1d: {  	s25 =	sshra.s32 s25, $0x2  }
0x1e: {  	[tilespmem:s25+$0x6600] =	vst v1  }
0x1f: {  	[spmem:s5] =	stream.linear.scatter [tilespmem:s16], [sflag:$0x3], $0x4000, $0x38;
	[tilespmem:$0xCD80] =	vst v63  }
0x20: {  	_ =	swait.ge [sflag:s17], $0x4000  }
0x21: {  	[sflag:s17] =	ssyncset.done $0x0  }
0x22: {  	[sflag:s17] =	ssyncadd.s32 $0xFFFFC000  }
0x23: {  	[spmem:s6] =	stream.linear.scatter [tilespmem:s16], [sflag:$0x3], $0x4000, $0x38;
	[tilespmem:$0xCD80] =	vst v63  }
0x24: {  	_ =	swait.ge [sflag:s17], $0x4000  }
0x25: {  	[sflag:s17] =	ssyncset.done $0x0  }
0x26: {  	[sflag:s17] =	ssyncadd.s32 $0xFFFFC000  }
0x27: {  	[spmem:s7] =	stream.linear.scatter [tilespmem:s16], [sflag:$0x3], $0x4000, $0x38;
	[tilespmem:$0xCD80] =	vst v63  }
0x28: {  	_ =	swait.ge [sflag:s17], $0x4000  }
0x29: {  	[sflag:s17] =	ssyncset.done $0x0  }
0x2a: {  	[sflag:s17] =	ssyncadd.s32 $0xFFFFC000  }
0x2b: {  	[spmem:s8] =	stream.linear.scatter [tilespmem:s16], [sflag:$0x3], $0x4000, $0x38;
	[tilespmem:$0xCD80] =	vst v63  }
0x2c: {  	_ =	swait.ge [sflag:s17], $0x4000  }
0x2d: {  	[sflag:s17] =	ssyncset.done $0x0  }
0x2e: {  	[sflag:s17] =	ssyncadd.s32 $0xFFFFC000  }
0x2f: {  	[spmem:s9] =	stream.linear.scatter [tilespmem:s16], [sflag:$0x3], $0x3C00, $0x38;
	[tilespmem:$0xCD80] =	vst v63  }
0x30: {  	_ =	swait.ge [sflag:s17], $0x3C00  }
0x31: {  	[sflag:s17] =	ssyncset.done $0x0  }
0x32: {  	[sflag:s17] =	ssyncadd.s32 $0xFFFFC400  }
0x33: {  	s24 =	simm.s32 $0x0;
	[bflag:$0x0] =	sbarrier.arrive $0xFFFF  }
0x34: {  	[tilespmem:s24], [sflag:$0x1] =	stream.linear.gather [hbm4b:s10+s24], $0xC8, $0x38;
	[tilespmem:$0xCD80] =	vst v63  }
0x35: {  	s30 =	sadd.s32 $0x0, s15  }
0x36: {  	[tilespmem:s18], [sflag:$0x2] =	stream.linear.gather [hbm4b:s30+s3], $0xC8, $0x38;
	[tilespmem:$0xCD80] =	vst v63  }
0x37: {  	_ =	swait.ge [sflag:s19], $0xC8  }
0x38: {  	[sflag:s19] =	ssyncset.done $0x0  }
0x39: {  	[sflag:s19] =	ssyncadd.s32 $0xFFFFFF38  }
0x3a: {  	[spmem:s2] =	stream.indirect.scatter.add.f32 [tilespmem:s21], [sflag:$0x3], $0x10, s3, s20, $0xb8;
	[tilespmem:$0xCD80] =	vst v63  }
0x3b: {  	_ =	swait.ge [sflag:s17], $0xC80  }
0x3c: {  	s31 =	sshrl.u32 s14, $0x3;
	[sflag:s17] =	ssyncset.done $0x0  }
0x3d: {  	s24 =	sadd.s32 s4, s31;
	[sflag:s17] =	ssyncadd.s32 $0xFFFFF380  }
0x3e: {  	[tilespmem:s3], [sflag:$0x1] =	stream.linear.gather [hbm4b:s24+s3], $0xC8, $0x38;
	[tilespmem:$0xCD80] =	vst v63  }
0x3f: {  	_ =	swait.ge [sflag:s22], $0xC8  }
0x40: {  	[sflag:s22] =	ssyncset.done $0x0  }
0x41: {  	[sflag:s22] =	ssyncadd.s32 $0xFFFFFF38  }
0x42: {  	[spmem:s2] =	stream.indirect.scatter.add.f32 [tilespmem:s21], [sflag:$0x3], $0x10, s18, s20, $0xb8;
	[tilespmem:$0xCD80] =	vst v63  }
0x43: {  	s25 =	simm.s32 $0x32;
	_ =	swait.ge [sflag:s17], $0xC80  }
0x44: {  	s26 =	simm.s32 $0x64;
	s24 =	sadd.s32 $0x190, s14;
	[sflag:s17] =	ssyncset.done $0x0  }
.LBB2_6:
0x45: {  	s28 =	sadd.s32 s25, s15  }
0x46: {  	[sflag:s17] =	ssyncadd.s32 $0xFFFFF380;
	s25 =	smov.u32 s26;
	s29 =	sadd.s32 $0x32, s26  }
0x47: {  	[tilespmem:s18], [sflag:$0x2] =	stream.linear.gather [hbm4b:s28+s3], $0xC8, $0x38;
	[tilespmem:$0xCD80] =	vst v63  }
0x48: {  	p0 =	sne.s32 s26, $0x47E;
	_ =	swait.ge [sflag:s19], $0xC8  }
0x49: {  	[sflag:s19] =	ssyncset.done $0x0  }
0x4a: {  	[sflag:s19] =	ssyncadd.s32 $0xFFFFFF38  }
0x4b: {  	[spmem:s2] =	stream.indirect.scatter.add.f32 [tilespmem:s21], [sflag:$0x3], $0x10, s3, s20, $0xb8;
	[tilespmem:$0xCD80] =	vst v63  }
0x4c: {  	_ =	swait.ge [sflag:s17], $0xC80  }
0x4d: {  	s26 =	sshrl.u32 s24, $0x3;
	[sflag:s17] =	ssyncset.done $0x0  }
0x4e: {  	s26 =	sadd.s32 s4, s26;
	[sflag:s17] =	ssyncadd.s32 $0xFFFFF380  }
0x4f: {  	[tilespmem:s3], [sflag:$0x1] =	stream.linear.gather [hbm4b:s26+s3], $0xC8, $0x38;
	[tilespmem:$0xCD80] =	vst v63  }
0x50: {  	_ =	swait.ge [sflag:s22], $0xC8  }
.Ltmp2:
0x51: {  	[sflag:s22] =	ssyncset.done $0x0;
	(pc) =	sbr.rel @p0 .LBB2_6-.Ltmp2, $4  }
0x52: {  	[sflag:s22] =	ssyncadd.s32 $0xFFFFFF38  }
0x53: {  	[spmem:s2] =	stream.indirect.scatter.add.f32 [tilespmem:s21], [sflag:$0x3], $0x10, s18, s20, $0xb8;
	[tilespmem:$0xCD80] =	vst v63  }
0x54: {  	_ =	swait.ge [sflag:s17], $0xC80  }
0x55: {  	s24 =	sadd.s32 $0x190, s24;
	s26 =	smov.u32 s29;
	[sflag:s17] =	ssyncset.done $0x0  }
0x56: {  	s25 =	sadd.s32 s25, s15;
	[sflag:s17] =	ssyncadd.s32 $0xFFFFF380  }
0x57: {  	[tilespmem:s18], [sflag:$0x2] =	stream.linear.gather [hbm4b:s25+s3], $0xC8, $0x38;
	[tilespmem:$0xCD80] =	vst v63  }
0x58: {  	_ =	swait.ge [sflag:s19], $0xC8  }
0x59: {  	[sflag:s19] =	ssyncset.done $0x0  }
0x5a: {  	[sflag:s19] =	ssyncadd.s32 $0xFFFFFF38  }
0x5b: {  	[spmem:s2] =	stream.indirect.scatter.add.f32 [tilespmem:s21], [sflag:$0x3], $0x10, s3, s20, $0xb8;
	[tilespmem:$0xCD80] =	vst v63  }
0x5c: {  	_ =	swait.ge [sflag:s17], $0xC80  }
0x5d: {  	s24 =	sshrl.u32 s24, $0x3;
	[sflag:s17] =	ssyncset.done $0x0  }
0x5e: {  	s24 =	sadd.s32 s4, s24;
	[sflag:s17] =	ssyncadd.s32 $0xFFFFF380  }
0x5f: {  	[tilespmem:s3], [sflag:$0x1] =	stream.linear.gather [hbm4b:s24+s3], $0xC8, $0x38;
	[tilespmem:$0xCD80] =	vst v63  }
0x60: {  	_ =	swait.ge [sflag:s22], $0xC8  }
0x61: {  	[sflag:s22] =	ssyncset.done $0x0  }
0x62: {  	[sflag:s22] =	ssyncadd.s32 $0xFFFFFF38  }
0x63: {  	[spmem:s2] =	stream.indirect.scatter.add.f32 [tilespmem:s21], [sflag:$0x3], $0x10, s18, s20, $0xb8;
	[tilespmem:$0xCD80] =	vst v63  }
0x64: {  	_ =	swait.ge [sflag:s17], $0xC80  }
0x65: {  	[sflag:s17] =	ssyncset.done $0x0  }
0x66: {  	[sflag:s17] =	ssyncadd.s32 $0xFFFFF380  }
0x67: {  	[tilespmem:s18], [sflag:$0x2] =	stream.linear.gather [hbm4b:s13+s3], $0xC8, $0x38;
	[tilespmem:$0xCD80] =	vst v63  }
0x68: {  	_ =	swait.ge [sflag:s19], $0xC8  }
0x69: {  	[sflag:s19] =	ssyncset.done $0x0  }
0x6a: {  	[sflag:s19] =	ssyncadd.s32 $0xFFFFFF38  }
0x6b: {  	[spmem:s2] =	stream.indirect.scatter.add.f32 [tilespmem:s21], [sflag:$0x3], $0x10, s3, s20, $0xb8;
	[tilespmem:$0xCD80] =	vst v63  }
0x6c: {  	_ =	swait.ge [sflag:s17], $0xC80  }
0x6d: {  	[sflag:s17] =	ssyncset.done $0x0  }
0x6e: {  	[sflag:s17] =	ssyncadd.s32 $0xFFFFF380  }
0x6f: {  	_ =	swait.ge [sflag:s22], $0xC8  }
0x70: {  	[sflag:s22] =	ssyncset.done $0x0  }
0x71: {  	[sflag:s22] =	ssyncadd.s32 $0xFFFFFF38  }
0x72: {  	[spmem:s2] =	stream.indirect.scatter.add.f32 [tilespmem:s21], [sflag:$0x3], $0x10, s18, s20, $0xb8;
	[tilespmem:$0xCD80] =	vst v63  }
0x73: {  	_ =	swait.ge [sflag:s17], $0xC80  }
0x74: {  	s30 =	sshll.u32 s0, $0x6;
	s23 =	sadd.s32 $0x1, s23;
	[sflag:s17] =	ssyncset.done $0x0  }
0x75: {  	s31 =	sshrl.u32 s5, $0x3;
	p0 =	sne.s32 s23, s12;
	[sflag:s17] =	ssyncadd.s32 $0xFFFFF380  }
.Ltmp3:
0x76: {  	s24 =	sor.u32 $0x1C03, s30;
	[bflag:$0x0] =	sbarrier.arrive $0xFFFF;
	(pc) =	sbr.rel @p0 .LBB2_1-.Ltmp3, $4  }
0x77: {  	[hbm:s11], [sflag:s24] =	dma.local [spmem:s31], $0x2780  }
0x78: {  	_ =	swait.ge [sflag:s17], $0x2780  }
0x79: {  	[sflag:s17] =	ssyncset.done $0x0  }
0x7a: {  	[sflag:s17] =	ssyncadd.s32 $0xFFFFD880  }
0x7b: {  	_ =	sfence.sel $0x180000  }
0x7c: {  	[bflag:$0x0] =	sbarrier.arrive $0xFFFF  }
0x7d: {  	p0 =	sne.s32 s0, $0x0;
	_ =	strace $0x90000047  }
0x7e: {  	s0 =	sadd.s32 @!p0 $0x100000, s1;
	[bflag:$0x2] =	sbarrier.arrive $0xFFFF  }
0x7f: {  	[sflag:s0] =	ssyncadd.tile.s32 @!p0 $0x1;
	_ =	shalt  }
.Lfunc_end2:
_tile_overlayer_lowered:
.L_overlay_start_2:
0x80: {  	(tag) =	ssettag $0x2  }
0x81: {  	s0 =	rddreg [dreg:$0x0];
	s2 =	stileid.u32  }
0x82: {  	s1 =	rddreg [dreg:$0x1];
	p0 =	sne.s32 s2, $0x0  }
0x83: {  	s3 =	rddreg [dreg:$0x2];
	[bflag:$0x3] =	sbarrier.arrive $0xFFFF;
	s2 =	simm.s32 @!p0 $0x1C03  }
0x84: {  	[timem:s3], [sflag:s2] =	dma.local @!p0 [hbm:s0], s1  }
0x85: {  	s0 =	simm.s32 @!p0 $0x3  }
0x86: {  	_ =	swait.ge @!p0 [sflag:s0], s1  }
0x87: {  	s1 =	ssub.s32 @!p0 $0x0, s1;
	[sflag:s0] =	ssyncset.done @!p0 $0x0  }
0x88: {  	[sflag:s0] =	ssyncadd.s32 @!p0 s1  }
0x89: {  	[bflag:$0x3] =	sbarrier.arrive $0xFFFF  }
0x8a: {  	_ =	shalt  }

</sc_bundles>
